<compile_context>
chip_gen: v7x
topology: tpu7x:2x2x1
jax: 0.10.2.dev20260603
libtpu: 0.0.44.dev20260713+nightly
codegen_flags: <defaults>
</compile_context>

<pallas_src>
import functools

import jax
import jax.numpy as jnp
from jax import lax
from jax.experimental import pallas as pl
from jax.experimental.pallas import tpu as pltpu
from jax.experimental.pallas import tpu_sc as plsc

N_CAND = 8
B, S, D = 2, 2048, 1024
SLAB_ROWS = B * S
TOTAL_ROWS = N_CAND * SLAB_ROWS

NW = 32
ROWS_PER_W = SLAB_ROWS // NW
CHUNK_ROWS = 8
N_CHUNKS = ROWS_PER_W // CHUNK_ROWS
NSET = 6
LANES = 16
COL_GROUPS = D // LANES
ROW_GROUPS = CHUNK_ROWS * COL_GROUPS


def _avg_pair_impl(in_ref, dsel_ref, out_ref, dvec, *rest):
    cid = lax.axis_index("c")
    sid = lax.axis_index("s")
    wid = sid * 2 + cid

    pltpu.sync_copy(dsel_ref, dvec)
    d = dvec[...][0]
    arow = d * (2 * SLAB_ROWS) + wid * ROWS_PER_W
    brow = arow + SLAB_ROWS
    orow = wid * ROWS_PER_W

    abufs = rest[0:2 * NSET:2]
    bbufs = rest[1:2 * NSET:2]
    sas = rest[2 * NSET:3 * NSET]
    sbs = rest[3 * NSET:4 * NSET]
    sos = rest[4 * NSET:5 * NSET]
    sets = tuple(zip(abufs, bbufs, sas, sbs, sos))

    def start_in(g):
        a, b, sa, sb, _ = sets[g % NSET]
        off = g * CHUNK_ROWS
        da = pltpu.async_copy(in_ref.at[pl.ds(arow + off, CHUNK_ROWS)], a, sa)
        db = pltpu.async_copy(in_ref.at[pl.ds(brow + off, CHUNK_ROWS)], b, sb)
        return da, db

    half = jnp.float32(0.5)
    PREF = NSET - 1
    pend = [None] * N_CHUNKS
    out_dmas = [None] * N_CHUNKS
    for k in range(min(PREF, N_CHUNKS)):
        pend[k] = start_in(k)
    for g in range(N_CHUNKS):
        a, b, _, _, so = sets[g % NSET]
        nx = g + PREF
        if nx < N_CHUNKS:
            prev = nx - NSET
            if prev >= 0 and out_dmas[prev] is not None:
                out_dmas[prev].wait()
                out_dmas[prev] = None
            pend[nx] = start_in(nx)
        pend[g][0].wait()
        pend[g][1].wait()

        @plsc.parallel_loop(0, ROW_GROUPS, step=1, unroll=4)
        def _(i):
            r = i >> 6
            c = (i & (COL_GROUPS - 1)) * LANES
            a[r, pl.ds(c, LANES)] = (
                a[r, pl.ds(c, LANES)] + b[r, pl.ds(c, LANES)]) * half

        out_dmas[g] = pltpu.async_copy(
            a, out_ref.at[pl.ds(orow + g * CHUNK_ROWS, CHUNK_ROWS)], so)

    for od in out_dmas:
        if od is not None:
            od.wait()


@functools.lru_cache(maxsize=1)
def _build_avg_pair():
    mesh = plsc.VectorSubcoreMesh(core_axis_name="c", subcore_axis_name="s")
    return pl.kernel(
        _avg_pair_impl,
        out_type=jax.ShapeDtypeStruct((SLAB_ROWS, D), jnp.float32),
        mesh=mesh,
        compiler_params=pltpu.CompilerParams(use_tc_tiling_on_sc=True),
        scratch_types=(
            [pltpu.VMEM((LANES,), jnp.int32)]
            + [pltpu.VMEM((CHUNK_ROWS, D), jnp.float32)] * (2 * NSET)
            + [pltpu.SemaphoreType.DMA] * (3 * NSET)
        ),
    )


def kernel(inputs, domain_idx):
    rows = inputs.reshape(TOTAL_ROWS, D)
    dsel = jnp.full((LANES,), jnp.asarray(domain_idx, jnp.int32), jnp.int32)
    out = _build_avg_pair()(rows, dsel)
    return out.reshape(B, S, D)

# --- scband reference (transcript-rebuilt; emitter-appended) ---
"""Pipeline reference for scband-md-darts-sparce-input-choice-68959994904794 (READ-ONLY COPY).

The authoritative reference and input builder live on the scoring server;
editing this copy changes nothing except your own understanding.
"""

import jax, jax.numpy as jnp
import numpy as np

DOMAIN_TO_CHOSEN = [[0, 1], [2, 3], [4, 5], [6, 7]]

def setup_inputs(seed: int = 0) -> dict:
    key = jax.random.key(seed)
    # 'inputs' is a list of 8 candidate tensors in torch; we materialize it as a
    # stacked array [n_candidates, B, S, D] (jnp.stack over axis 0 is a no-op copy).
    inputs = jax.random.normal(key, (8, 2, 2048, 1024), dtype=jnp.float32)
    return {"inputs": inputs, "domain_idx": 1}

def reference(inputs, domain_idx):
    # torch: inputs = torch.stack(inputs); output = inputs[domain_to_chosen[domain_idx]].mean(dim=0)
    stacked = jnp.stack(inputs)
    table = jnp.asarray(DOMAIN_TO_CHOSEN, dtype=jnp.int32)
    chosen = jnp.take(table, jnp.asarray(domain_idx, dtype=jnp.int32), axis=0)
    gathered = jnp.take(stacked, chosen, axis=0)
    output = gathered.mean(axis=0)
    return output

if __name__ == "__main__":
    import jax
    _d = setup_inputs()
    print(jax.jit(kernel)(*tuple(_d.values())))

</pallas_src>

<mosaic_0001>
#map = affine_map<(d0, d1) -> (0, 0)>
#map1 = affine_map<(d0, d1) -> (0)>
module attributes {stable_mosaic.version = 14 : i64} {
  func.func @_avg_pair_impl(%arg0: i32, %arg1: i32, %arg2: memref<32768x1024xf32, #tpu.memory_space<hbm>>, %arg3: memref<16xi32, #tpu.memory_space<hbm>>, %arg4: memref<4096x1024xf32, #tpu.memory_space<hbm>>, %arg5: memref<16xi32, #tpu.memory_space<vmem>>, %arg6: memref<8x1024xf32, #tpu.memory_space<vmem>>, %arg7: memref<8x1024xf32, #tpu.memory_space<vmem>>, %arg8: memref<8x1024xf32, #tpu.memory_space<vmem>>, %arg9: memref<8x1024xf32, #tpu.memory_space<vmem>>, %arg10: memref<8x1024xf32, #tpu.memory_space<vmem>>, %arg11: memref<8x1024xf32, #tpu.memory_space<vmem>>, %arg12: memref<8x1024xf32, #tpu.memory_space<vmem>>, %arg13: memref<8x1024xf32, #tpu.memory_space<vmem>>, %arg14: memref<8x1024xf32, #tpu.memory_space<vmem>>, %arg15: memref<8x1024xf32, #tpu.memory_space<vmem>>, %arg16: memref<8x1024xf32, #tpu.memory_space<vmem>>, %arg17: memref<8x1024xf32, #tpu.memory_space<vmem>>, %arg18: memref<!tpu.dma_semaphore, #tpu.memory_space<semaphore_mem>>, %arg19: memref<!tpu.dma_semaphore, #tpu.memory_space<semaphore_mem>>, %arg20: memref<!tpu.dma_semaphore, #tpu.memory_space<semaphore_mem>>, %arg21: memref<!tpu.dma_semaphore, #tpu.memory_space<semaphore_mem>>, %arg22: memref<!tpu.dma_semaphore, #tpu.memory_space<semaphore_mem>>, %arg23: memref<!tpu.dma_semaphore, #tpu.memory_space<semaphore_mem>>, %arg24: memref<!tpu.dma_semaphore, #tpu.memory_space<semaphore_mem>>, %arg25: memref<!tpu.dma_semaphore, #tpu.memory_space<semaphore_mem>>, %arg26: memref<!tpu.dma_semaphore, #tpu.memory_space<semaphore_mem>>, %arg27: memref<!tpu.dma_semaphore, #tpu.memory_space<semaphore_mem>>, %arg28: memref<!tpu.dma_semaphore, #tpu.memory_space<semaphore_mem>>, %arg29: memref<!tpu.dma_semaphore, #tpu.memory_space<semaphore_mem>>, %arg30: memref<!tpu.dma_semaphore, #tpu.memory_space<semaphore_mem>>, %arg31: memref<!tpu.dma_semaphore, #tpu.memory_space<semaphore_mem>>, %arg32: memref<!tpu.dma_semaphore, #tpu.memory_space<semaphore_mem>>, %arg33: memref<!tpu.dma_semaphore, #tpu.memory_space<semaphore_mem>>, %arg34: memref<!tpu.dma_semaphore, #tpu.memory_space<semaphore_mem>>, %arg35: memref<!tpu.dma_semaphore, #tpu.memory_space<semaphore_mem>>) attributes {dimension_semantics = [#tpu.dimension_semantics<core_parallel>, #tpu.dimension_semantics<subcore_parallel>], iteration_bounds = array<i64: 2, 16>, scalar_prefetch = 0 : i64, scratch_operands = 31 : i64, tpu.core_type = #tpu.core_type<sc_vector_subcore>, window_params = [{transform_indices = #map}, {transform_indices = #map1}, {transform_indices = #map}]} {
    %mul3A = arith.constant 2 : i32
    %mul3A_0 = arith.muli %arg1, %mul3A : i32
    %add3A = arith.addi %mul3A_0, %arg0 : i32
    "tpu.region"() ({
      %run_scoped3A = tpu.sem_alloc : memref<!tpu.dma_semaphore, #tpu.memory_space<semaphore_mem>>
      tpu.enqueue_dma source(%arg3 : memref<16xi32, #tpu.memory_space<hbm>>) target(%arg5 : memref<16xi32, #tpu.memory_space<vmem>>) target_semaphore(%run_scoped3A : memref<!tpu.dma_semaphore, #tpu.memory_space<semaphore_mem>>)
      tpu.wait_dma2 semaphore(%run_scoped3A : memref<!tpu.dma_semaphore, #tpu.memory_space<semaphore_mem>>) src(%arg3 : memref<16xi32, #tpu.memory_space<hbm>>) dst(%arg5 : memref<16xi32, #tpu.memory_space<vmem>>)
      tpu.yield
    }) : () -> ()
    %get3A = arith.constant 0 : index
    %get3A_1 = tpu.vector_load %arg5[%get3A] {strides = array<i32>} : memref<16xi32, #tpu.memory_space<vmem>>, vector<16xi32>,
    %get3A_2 = vector.shape_cast %get3A_1 : vector<16xi32> to vector<16xi32>
    %slice3A = vector.extract_strided_slice %get3A_2 {offsets = [0], sizes = [1], strides = [1]} : vector<16xi32> to vector<1xi32>
    %squeeze3A = vector.extract %slice3A[0] : i32 from vector<1xi32>
    %mul3A_3 = arith.constant 8192 : i32
    %mul3A_4 = arith.muli %squeeze3A, %mul3A_3 : i32
    %mul3A_5 = arith.constant 128 : i32
    %mul3A_6 = arith.muli %add3A, %mul3A_5 : i32
    %add3A_7 = arith.addi %mul3A_4, %mul3A_6 : i32
    %add3A_8 = arith.constant 4096 : i32
    %add3A_9 = arith.addi %add3A_7, %add3A_8 : i32
    %mul3A_10 = arith.constant 128 : i32
    %mul3A_11 = arith.muli %add3A, %mul3A_10 : i32
    %add3A_12 = arith.constant 0 : i32
    %add3A_13 = arith.addi %add3A_7, %add3A_12 : i32
    %dma_start3A = arith.constant 0 : i32
    %dma_start3A_14 = tpu.memref_slice %arg2[%add3A_13, %dma_start3A] : memref<32768x1024xf32, #tpu.memory_space<hbm>> -> memref<8x1024xf32, #tpu.memory_space<hbm>>
    %dma_start3A_15 = arith.constant 0 : i32
    %dma_start3A_16 = tpu.memref_slice %arg2[%add3A_13, %dma_start3A_15] : memref<32768x1024xf32, #tpu.memory_space<hbm>> -> memref<8x1024xf32, #tpu.memory_space<hbm>>
    tpu.enqueue_dma source(%dma_start3A_16 : memref<8x1024xf32, #tpu.memory_space<hbm>>) target(%arg6 : memref<8x1024xf32, #tpu.memory_space<vmem>>) target_semaphore(%arg18 : memref<!tpu.dma_semaphore, #tpu.memory_space<semaphore_mem>>)
    %add3A_17 = arith.constant 0 : i32
    %add3A_18 = arith.addi %add3A_9, %add3A_17 : i32
    %dma_start3A_19 = arith.constant 0 : i32
    %dma_start3A_20 = tpu.memref_slice %arg2[%add3A_18, %dma_start3A_19] : memref<32768x1024xf32, #tpu.memory_space<hbm>> -> memref<8x1024xf32, #tpu.memory_space<hbm>>
    %dma_start3A_21 = arith.constant 0 : i32
    %dma_start3A_22 = tpu.memref_slice %arg2[%add3A_18, %dma_start3A_21] : memref<32768x1024xf32, #tpu.memory_space<hbm>> -> memref<8x1024xf32, #tpu.memory_space<hbm>>
    tpu.enqueue_dma source(%dma_start3A_22 : memref<8x1024xf32, #tpu.memory_space<hbm>>) target(%arg7 : memref<8x1024xf32, #tpu.memory_space<vmem>>) target_semaphore(%arg24 : memref<!tpu.dma_semaphore, #tpu.memory_space<semaphore_mem>>)
    %add3A_23 = arith.constant 8 : i32
    %add3A_24 = arith.addi %add3A_7, %add3A_23 : i32
    %dma_start3A_25 = arith.constant 0 : i32
    %dma_start3A_26 = tpu.memref_slice %arg2[%add3A_24, %dma_start3A_25] : memref<32768x1024xf32, #tpu.memory_space<hbm>> -> memref<8x1024xf32, #tpu.memory_space<hbm>>
    %dma_start3A_27 = arith.constant 0 : i32
    %dma_start3A_28 = tpu.memref_slice %arg2[%add3A_24, %dma_start3A_27] : memref<32768x1024xf32, #tpu.memory_space<hbm>> -> memref<8x1024xf32, #tpu.memory_space<hbm>>
    tpu.enqueue_dma source(%dma_start3A_28 : memref<8x1024xf32, #tpu.memory_space<hbm>>) target(%arg8 : memref<8x1024xf32, #tpu.memory_space<vmem>>) target_semaphore(%arg19 : memref<!tpu.dma_semaphore, #tpu.memory_space<semaphore_mem>>)
    %add3A_29 = arith.constant 8 : i32
    %add3A_30 = arith.addi %add3A_9, %add3A_29 : i32
    %dma_start3A_31 = arith.constant 0 : i32
    %dma_start3A_32 = tpu.memref_slice %arg2[%add3A_30, %dma_start3A_31] : memref<32768x1024xf32, #tpu.memory_space<hbm>> -> memref<8x1024xf32, #tpu.memory_space<hbm>>
    %dma_start3A_33 = arith.constant 0 : i32
    %dma_start3A_34 = tpu.memref_slice %arg2[%add3A_30, %dma_start3A_33] : memref<32768x1024xf32, #tpu.memory_space<hbm>> -> memref<8x1024xf32, #tpu.memory_space<hbm>>
    tpu.enqueue_dma source(%dma_start3A_34 : memref<8x1024xf32, #tpu.memory_space<hbm>>) target(%arg9 : memref<8x1024xf32, #tpu.memory_space<vmem>>) target_semaphore(%arg25 : memref<!tpu.dma_semaphore, #tpu.memory_space<semaphore_mem>>)
    %add3A_35 = arith.constant 16 : i32
    %add3A_36 = arith.addi %add3A_7, %add3A_35 : i32
    %dma_start3A_37 = arith.constant 0 : i32
    %dma_start3A_38 = tpu.memref_slice %arg2[%add3A_36, %dma_start3A_37] : memref<32768x1024xf32, #tpu.memory_space<hbm>> -> memref<8x1024xf32, #tpu.memory_space<hbm>>
    %dma_start3A_39 = arith.constant 0 : i32
    %dma_start3A_40 = tpu.memref_slice %arg2[%add3A_36, %dma_start3A_39] : memref<32768x1024xf32, #tpu.memory_space<hbm>> -> memref<8x1024xf32, #tpu.memory_space<hbm>>
    tpu.enqueue_dma source(%dma_start3A_40 : memref<8x1024xf32, #tpu.memory_space<hbm>>) target(%arg10 : memref<8x1024xf32, #tpu.memory_space<vmem>>) target_semaphore(%arg20 : memref<!tpu.dma_semaphore, #tpu.memory_space<semaphore_mem>>)
    %add3A_41 = arith.constant 16 : i32
    %add3A_42 = arith.addi %add3A_9, %add3A_41 : i32
    %dma_start3A_43 = arith.constant 0 : i32
    %dma_start3A_44 = tpu.memref_slice %arg2[%add3A_42, %dma_start3A_43] : memref<32768x1024xf32, #tpu.memory_space<hbm>> -> memref<8x1024xf32, #tpu.memory_space<hbm>>
    %dma_start3A_45 = arith.constant 0 : i32
    %dma_start3A_46 = tpu.memref_slice %arg2[%add3A_42, %dma_start3A_45] : memref<32768x1024xf32, #tpu.memory_space<hbm>> -> memref<8x1024xf32, #tpu.memory_space<hbm>>
    tpu.enqueue_dma source(%dma_start3A_46 : memref<8x1024xf32, #tpu.memory_space<hbm>>) target(%arg11 : memref<8x1024xf32, #tpu.memory_space<vmem>>) target_semaphore(%arg26 : memref<!tpu.dma_semaphore, #tpu.memory_space<semaphore_mem>>)
    %add3A_47 = arith.constant 24 : i32
    %add3A_48 = arith.addi %add3A_7, %add3A_47 : i32
    %dma_start3A_49 = arith.constant 0 : i32
    %dma_start3A_50 = tpu.memref_slice %arg2[%add3A_48, %dma_start3A_49] : memref<32768x1024xf32, #tpu.memory_space<hbm>> -> memref<8x1024xf32, #tpu.memory_space<hbm>>
    %dma_start3A_51 = arith.constant 0 : i32
    %dma_start3A_52 = tpu.memref_slice %arg2[%add3A_48, %dma_start3A_51] : memref<32768x1024xf32, #tpu.memory_space<hbm>> -> memref<8x1024xf32, #tpu.memory_space<hbm>>
    tpu.enqueue_dma source(%dma_start3A_52 : memref<8x1024xf32, #tpu.memory_space<hbm>>) target(%arg12 : memref<8x1024xf32, #tpu.memory_space<vmem>>) target_semaphore(%arg21 : memref<!tpu.dma_semaphore, #tpu.memory_space<semaphore_mem>>)
    %add3A_53 = arith.constant 24 : i32
    %add3A_54 = arith.addi %add3A_9, %add3A_53 : i32
    %dma_start3A_55 = arith.constant 0 : i32
    %dma_start3A_56 = tpu.memref_slice %arg2[%add3A_54, %dma_start3A_55] : memref<32768x1024xf32, #tpu.memory_space<hbm>> -> memref<8x1024xf32, #tpu.memory_space<hbm>>
    %dma_start3A_57 = arith.constant 0 : i32
    %dma_start3A_58 = tpu.memref_slice %arg2[%add3A_54, %dma_start3A_57] : memref<32768x1024xf32, #tpu.memory_space<hbm>> -> memref<8x1024xf32, #tpu.memory_space<hbm>>
    tpu.enqueue_dma source(%dma_start3A_58 : memref<8x1024xf32, #tpu.memory_space<hbm>>) target(%arg13 : memref<8x1024xf32, #tpu.memory_space<vmem>>) target_semaphore(%arg27 : memref<!tpu.dma_semaphore, #tpu.memory_space<semaphore_mem>>)
    %add3A_59 = arith.constant 32 : i32
    %add3A_60 = arith.addi %add3A_7, %add3A_59 : i32
    %dma_start3A_61 = arith.constant 0 : i32
    %dma_start3A_62 = tpu.memref_slice %arg2[%add3A_60, %dma_start3A_61] : memref<32768x1024xf32, #tpu.memory_space<hbm>> -> memref<8x1024xf32, #tpu.memory_space<hbm>>
    %dma_start3A_63 = arith.constant 0 : i32
    %dma_start3A_64 = tpu.memref_slice %arg2[%add3A_60, %dma_start3A_63] : memref<32768x1024xf32, #tpu.memory_space<hbm>> -> memref<8x1024xf32, #tpu.memory_space<hbm>>
    tpu.enqueue_dma source(%dma_start3A_64 : memref<8x1024xf32, #tpu.memory_space<hbm>>) target(%arg14 : memref<8x1024xf32, #tpu.memory_space<vmem>>) target_semaphore(%arg22 : memref<!tpu.dma_semaphore, #tpu.memory_space<semaphore_mem>>)
    %add3A_65 = arith.constant 32 : i32
    %add3A_66 = arith.addi %add3A_9, %add3A_65 : i32
    %dma_start3A_67 = arith.constant 0 : i32
    %dma_start3A_68 = tpu.memref_slice %arg2[%add3A_66, %dma_start3A_67] : memref<32768x1024xf32, #tpu.memory_space<hbm>> -> memref<8x1024xf32, #tpu.memory_space<hbm>>
    %dma_start3A_69 = arith.constant 0 : i32
    %dma_start3A_70 = tpu.memref_slice %arg2[%add3A_66, %dma_start3A_69] : memref<32768x1024xf32, #tpu.memory_space<hbm>> -> memref<8x1024xf32, #tpu.memory_space<hbm>>
    tpu.enqueue_dma source(%dma_start3A_70 : memref<8x1024xf32, #tpu.memory_space<hbm>>) target(%arg15 : memref<8x1024xf32, #tpu.memory_space<vmem>>) target_semaphore(%arg28 : memref<!tpu.dma_semaphore, #tpu.memory_space<semaphore_mem>>)
    %add3A_71 = arith.constant 40 : i32
    %add3A_72 = arith.addi %add3A_7, %add3A_71 : i32
    %dma_start3A_73 = arith.constant 0 : i32
    %dma_start3A_74 = tpu.memref_slice %arg2[%add3A_72, %dma_start3A_73] : memref<32768x1024xf32, #tpu.memory_space<hbm>> -> memref<8x1024xf32, #tpu.memory_space<hbm>>
    %dma_start3A_75 = arith.constant 0 : i32
    %dma_start3A_76 = tpu.memref_slice %arg2[%add3A_72, %dma_start3A_75] : memref<32768x1024xf32, #tpu.memory_space<hbm>> -> memref<8x1024xf32, #tpu.memory_space<hbm>>
    tpu.enqueue_dma source(%dma_start3A_76 : memref<8x1024xf32, #tpu.memory_space<hbm>>) target(%arg16 : memref<8x1024xf32, #tpu.memory_space<vmem>>) target_semaphore(%arg23 : memref<!tpu.dma_semaphore, #tpu.memory_space<semaphore_mem>>)
    %add3A_77 = arith.constant 40 : i32
    %add3A_78 = arith.addi %add3A_9, %add3A_77 : i32
    %dma_start3A_79 = arith.constant 0 : i32
    %dma_start3A_80 = tpu.memref_slice %arg2[%add3A_78, %dma_start3A_79] : memref<32768x1024xf32, #tpu.memory_space<hbm>> -> memref<8x1024xf32, #tpu.memory_space<hbm>>
    %dma_start3A_81 = arith.constant 0 : i32
    %dma_start3A_82 = tpu.memref_slice %arg2[%add3A_78, %dma_start3A_81] : memref<32768x1024xf32, #tpu.memory_space<hbm>> -> memref<8x1024xf32, #tpu.memory_space<hbm>>
    tpu.enqueue_dma source(%dma_start3A_82 : memref<8x1024xf32, #tpu.memory_space<hbm>>) target(%arg17 : memref<8x1024xf32, #tpu.memory_space<vmem>>) target_semaphore(%arg29 : memref<!tpu.dma_semaphore, #tpu.memory_space<semaphore_mem>>)
    %dma_wait3A = arith.constant 0 : i32
    %dma_wait3A_83 = tpu.memref_slice %arg2[%add3A_13, %dma_wait3A] : memref<32768x1024xf32, #tpu.memory_space<hbm>> -> memref<8x1024xf32, #tpu.memory_space<hbm>>
    %dma_wait3A_84 = arith.constant 0 : i32
    %dma_wait3A_85 = tpu.memref_slice %arg2[%add3A_13, %dma_wait3A_84] : memref<32768x1024xf32, #tpu.memory_space<hbm>> -> memref<8x1024xf32, #tpu.memory_space<hbm>>
    tpu.wait_dma2 semaphore(%arg18 : memref<!tpu.dma_semaphore, #tpu.memory_space<semaphore_mem>>) src(%dma_wait3A_85 : memref<8x1024xf32, #tpu.memory_space<hbm>>) dst(%arg6 : memref<8x1024xf32, #tpu.memory_space<vmem>>)
    %dma_wait3A_86 = arith.constant 0 : i32
    %dma_wait3A_87 = tpu.memref_slice %arg2[%add3A_18, %dma_wait3A_86] : memref<32768x1024xf32, #tpu.memory_space<hbm>> -> memref<8x1024xf32, #tpu.memory_space<hbm>>
    %dma_wait3A_88 = arith.constant 0 : i32
    %dma_wait3A_89 = tpu.memref_slice %arg2[%add3A_18, %dma_wait3A_88] : memref<32768x1024xf32, #tpu.memory_space<hbm>> -> memref<8x1024xf32, #tpu.memory_space<hbm>>
    tpu.wait_dma2 semaphore(%arg24 : memref<!tpu.dma_semaphore, #tpu.memory_space<semaphore_mem>>) src(%dma_wait3A_89 : memref<8x1024xf32, #tpu.memory_space<hbm>>) dst(%arg7 : memref<8x1024xf32, #tpu.memory_space<vmem>>)
    %parallel_loop3A = arith.constant 0 : i32
    %parallel_loop3A_90 = arith.constant 512 : i32
    %parallel_loop3A_91 = arith.constant 1 : i32
    %parallel_loop3A_92 = arith.constant 5.000000e-01 : f32
    scf.for %parallel_loop3A_553 = %parallel_loop3A to %parallel_loop3A_90 step %parallel_loop3A_91  : i32 {
      %parallel_loop3A_554 = arith.constant 6 : i32
      %parallel_loop3A_555 = arith.shrsi %parallel_loop3A_553, %parallel_loop3A_554 : i32
      %parallel_loop3A_556 = arith.constant 63 : i32
      %parallel_loop3A_557 = arith.andi %parallel_loop3A_553, %parallel_loop3A_556 : i32
      %parallel_loop3A_558 = arith.constant 16 : i32
      %parallel_loop3A_559 = arith.muli %parallel_loop3A_557, %parallel_loop3A_558 : i32
      %parallel_loop3A_560 = arith.index_cast %parallel_loop3A_555 : i32 to index
      %parallel_loop3A_561 = arith.index_cast %parallel_loop3A_559 : i32 to index
      %parallel_loop3A_562 = tpu.vector_load %arg6[%parallel_loop3A_560, %parallel_loop3A_561] {strides = array<i32>} : memref<8x1024xf32, #tpu.memory_space<vmem>>, vector<1x16xf32>,
      %parallel_loop3A_563 = vector.shape_cast %parallel_loop3A_562 : vector<1x16xf32> to vector<16xf32>
      %parallel_loop3A_564 = arith.index_cast %parallel_loop3A_555 : i32 to index
      %parallel_loop3A_565 = arith.index_cast %parallel_loop3A_559 : i32 to index
      %parallel_loop3A_566 = tpu.vector_load %arg7[%parallel_loop3A_564, %parallel_loop3A_565] {strides = array<i32>} : memref<8x1024xf32, #tpu.memory_space<vmem>>, vector<1x16xf32>,
      %parallel_loop3A_567 = vector.shape_cast %parallel_loop3A_566 : vector<1x16xf32> to vector<16xf32>
      %parallel_loop3A_568 = arith.addf %parallel_loop3A_563, %parallel_loop3A_567 : vector<16xf32>
      %parallel_loop3A_569 = vector.broadcast %parallel_loop3A_92 : f32 to vector<16xf32>
      %parallel_loop3A_570 = arith.mulf %parallel_loop3A_568, %parallel_loop3A_569 : vector<16xf32>
      %parallel_loop3A_571 = arith.index_cast %parallel_loop3A_555 : i32 to index
      %parallel_loop3A_572 = arith.index_cast %parallel_loop3A_559 : i32 to index
      %parallel_loop3A_573 = tpu.vector_load %arg6[%parallel_loop3A_571, %parallel_loop3A_572] {strides = array<i32>} : memref<8x1024xf32, #tpu.memory_space<vmem>>, vector<1x16xf32>,
      %parallel_loop3A_574 = vector.shape_cast %parallel_loop3A_573 : vector<1x16xf32> to vector<16xf32>
      %parallel_loop3A_575 = vector.shape_cast %parallel_loop3A_570 : vector<16xf32> to vector<1x16xf32>
      tpu.vector_store %arg6[%parallel_loop3A_571, %parallel_loop3A_572], %parallel_loop3A_575 {strides = array<i32>} : memref<8x1024xf32, #tpu.memory_space<vmem>>, vector<1x16xf32>,
    } {sc.loop_unroll_factor = 4 : i64, sc.parallel_access}
    %add3A_93 = arith.constant 0 : i32
    %add3A_94 = arith.addi %mul3A_11, %add3A_93 : i32
    %dma_start3A_95 = arith.constant 0 : i32
    %dma_start3A_96 = tpu.memref_slice %arg4[%add3A_94, %dma_start3A_95] : memref<4096x1024xf32, #tpu.memory_space<hbm>> -> memref<8x1024xf32, #tpu.memory_space<hbm>>
    %dma_start3A_97 = arith.constant 0 : i32
    %dma_start3A_98 = tpu.memref_slice %arg4[%add3A_94, %dma_start3A_97] : memref<4096x1024xf32, #tpu.memory_space<hbm>> -> memref<8x1024xf32, #tpu.memory_space<hbm>>
    tpu.enqueue_dma source(%arg6 : memref<8x1024xf32, #tpu.memory_space<vmem>>) target(%dma_start3A_98 : memref<8x1024xf32, #tpu.memory_space<hbm>>) target_semaphore(%arg30 : memref<!tpu.dma_semaphore, #tpu.memory_space<semaphore_mem>>)
    %dma_wait3A_99 = arith.constant 0 : i32
    %dma_wait3A_100 = tpu.memref_slice %arg4[%add3A_94, %dma_wait3A_99] : memref<4096x1024xf32, #tpu.memory_space<hbm>> -> memref<8x1024xf32, #tpu.memory_space<hbm>>
    %dma_wait3A_101 = arith.constant 0 : i32
    %dma_wait3A_102 = tpu.memref_slice %arg4[%add3A_94, %dma_wait3A_101] : memref<4096x1024xf32, #tpu.memory_space<hbm>> -> memref<8x1024xf32, #tpu.memory_space<hbm>>
    tpu.wait_dma2 semaphore(%arg30 : memref<!tpu.dma_semaphore, #tpu.memory_space<semaphore_mem>>) src(%arg6 : memref<8x1024xf32, #tpu.memory_space<vmem>>) dst(%dma_wait3A_102 : memref<8x1024xf32, #tpu.memory_space<hbm>>)
    %add3A_103 = arith.constant 48 : i32
    %add3A_104 = arith.addi %add3A_7, %add3A_103 : i32
    %dma_start3A_105 = arith.constant 0 : i32
    %dma_start3A_106 = tpu.memref_slice %arg2[%add3A_104, %dma_start3A_105] : memref<32768x1024xf32, #tpu.memory_space<hbm>> -> memref<8x1024xf32, #tpu.memory_space<hbm>>
    %dma_start3A_107 = arith.constant 0 : i32
    %dma_start3A_108 = tpu.memref_slice %arg2[%add3A_104, %dma_start3A_107] : memref<32768x1024xf32, #tpu.memory_space<hbm>> -> memref<8x1024xf32, #tpu.memory_space<hbm>>
    tpu.enqueue_dma source(%dma_start3A_108 : memref<8x1024xf32, #tpu.memory_space<hbm>>) target(%arg6 : memref<8x1024xf32, #tpu.memory_space<vmem>>) target_semaphore(%arg18 : memref<!tpu.dma_semaphore, #tpu.memory_space<semaphore_mem>>)
    %add3A_109 = arith.constant 48 : i32
    %add3A_110 = arith.addi %add3A_9, %add3A_109 : i32
    %dma_start3A_111 = arith.constant 0 : i32
    %dma_start3A_112 = tpu.memref_slice %arg2[%add3A_110, %dma_start3A_111] : memref<32768x1024xf32, #tpu.memory_space<hbm>> -> memref<8x1024xf32, #tpu.memory_space<hbm>>
    %dma_start3A_113 = arith.constant 0 : i32
    %dma_start3A_114 = tpu.memref_slice %arg2[%add3A_110, %dma_start3A_113] : memref<32768x1024xf32, #tpu.memory_space<hbm>> -> memref<8x1024xf32, #tpu.memory_space<hbm>>
    tpu.enqueue_dma source(%dma_start3A_114 : memref<8x1024xf32, #tpu.memory_space<hbm>>) target(%arg7 : memref<8x1024xf32, #tpu.memory_space<vmem>>) target_semaphore(%arg24 : memref<!tpu.dma_semaphore, #tpu.memory_space<semaphore_mem>>)
    %dma_wait3A_115 = arith.constant 0 : i32
    %dma_wait3A_116 = tpu.memref_slice %arg2[%add3A_24, %dma_wait3A_115] : memref<32768x1024xf32, #tpu.memory_space<hbm>> -> memref<8x1024xf32, #tpu.memory_space<hbm>>
    %dma_wait3A_117 = arith.constant 0 : i32
    %dma_wait3A_118 = tpu.memref_slice %arg2[%add3A_24, %dma_wait3A_117] : memref<32768x1024xf32, #tpu.memory_space<hbm>> -> memref<8x1024xf32, #tpu.memory_space<hbm>>
    tpu.wait_dma2 semaphore(%arg19 : memref<!tpu.dma_semaphore, #tpu.memory_space<semaphore_mem>>) src(%dma_wait3A_118 : memref<8x1024xf32, #tpu.memory_space<hbm>>) dst(%arg8 : memref<8x1024xf32, #tpu.memory_space<vmem>>)
    %dma_wait3A_119 = arith.constant 0 : i32
    %dma_wait3A_120 = tpu.memref_slice %arg2[%add3A_30, %dma_wait3A_119] : memref<32768x1024xf32, #tpu.memory_space<hbm>> -> memref<8x1024xf32, #tpu.memory_space<hbm>>
    %dma_wait3A_121 = arith.constant 0 : i32
    %dma_wait3A_122 = tpu.memref_slice %arg2[%add3A_30, %dma_wait3A_121] : memref<32768x1024xf32, #tpu.memory_space<hbm>> -> memref<8x1024xf32, #tpu.memory_space<hbm>>
    tpu.wait_dma2 semaphore(%arg25 : memref<!tpu.dma_semaphore, #tpu.memory_space<semaphore_mem>>) src(%dma_wait3A_122 : memref<8x1024xf32, #tpu.memory_space<hbm>>) dst(%arg9 : memref<8x1024xf32, #tpu.memory_space<vmem>>)
    %parallel_loop3A_123 = arith.constant 0 : i32
    %parallel_loop3A_124 = arith.constant 512 : i32
    %parallel_loop3A_125 = arith.constant 1 : i32
    %parallel_loop3A_126 = arith.constant 5.000000e-01 : f32
    scf.for %parallel_loop3A_553 = %parallel_loop3A_123 to %parallel_loop3A_124 step %parallel_loop3A_125  : i32 {
      %parallel_loop3A_554 = arith.constant 6 : i32
      %parallel_loop3A_555 = arith.shrsi %parallel_loop3A_553, %parallel_loop3A_554 : i32
      %parallel_loop3A_556 = arith.constant 63 : i32
      %parallel_loop3A_557 = arith.andi %parallel_loop3A_553, %parallel_loop3A_556 : i32
      %parallel_loop3A_558 = arith.constant 16 : i32
      %parallel_loop3A_559 = arith.muli %parallel_loop3A_557, %parallel_loop3A_558 : i32
      %parallel_loop3A_560 = arith.index_cast %parallel_loop3A_555 : i32 to index
      %parallel_loop3A_561 = arith.index_cast %parallel_loop3A_559 : i32 to index
      %parallel_loop3A_562 = tpu.vector_load %arg8[%parallel_loop3A_560, %parallel_loop3A_561] {strides = array<i32>} : memref<8x1024xf32, #tpu.memory_space<vmem>>, vector<1x16xf32>,
      %parallel_loop3A_563 = vector.shape_cast %parallel_loop3A_562 : vector<1x16xf32> to vector<16xf32>
      %parallel_loop3A_564 = arith.index_cast %parallel_loop3A_555 : i32 to index
      %parallel_loop3A_565 = arith.index_cast %parallel_loop3A_559 : i32 to index
      %parallel_loop3A_566 = tpu.vector_load %arg9[%parallel_loop3A_564, %parallel_loop3A_565] {strides = array<i32>} : memref<8x1024xf32, #tpu.memory_space<vmem>>, vector<1x16xf32>,
      %parallel_loop3A_567 = vector.shape_cast %parallel_loop3A_566 : vector<1x16xf32> to vector<16xf32>
      %parallel_loop3A_568 = arith.addf %parallel_loop3A_563, %parallel_loop3A_567 : vector<16xf32>
      %parallel_loop3A_569 = vector.broadcast %parallel_loop3A_126 : f32 to vector<16xf32>
      %parallel_loop3A_570 = arith.mulf %parallel_loop3A_568, %parallel_loop3A_569 : vector<16xf32>
      %parallel_loop3A_571 = arith.index_cast %parallel_loop3A_555 : i32 to index
      %parallel_loop3A_572 = arith.index_cast %parallel_loop3A_559 : i32 to index
      %parallel_loop3A_573 = tpu.vector_load %arg8[%parallel_loop3A_571, %parallel_loop3A_572] {strides = array<i32>} : memref<8x1024xf32, #tpu.memory_space<vmem>>, vector<1x16xf32>,
      %parallel_loop3A_574 = vector.shape_cast %parallel_loop3A_573 : vector<1x16xf32> to vector<16xf32>
      %parallel_loop3A_575 = vector.shape_cast %parallel_loop3A_570 : vector<16xf32> to vector<1x16xf32>
      tpu.vector_store %arg8[%parallel_loop3A_571, %parallel_loop3A_572], %parallel_loop3A_575 {strides = array<i32>} : memref<8x1024xf32, #tpu.memory_space<vmem>>, vector<1x16xf32>,
    } {sc.loop_unroll_factor = 4 : i64, sc.parallel_access}
    %add3A_127 = arith.constant 8 : i32
    %add3A_128 = arith.addi %mul3A_11, %add3A_127 : i32
    %dma_start3A_129 = arith.constant 0 : i32
    %dma_start3A_130 = tpu.memref_slice %arg4[%add3A_128, %dma_start3A_129] : memref<4096x1024xf32, #tpu.memory_space<hbm>> -> memref<8x1024xf32, #tpu.memory_space<hbm>>
    %dma_start3A_131 = arith.constant 0 : i32
    %dma_start3A_132 = tpu.memref_slice %arg4[%add3A_128, %dma_start3A_131] : memref<4096x1024xf32, #tpu.memory_space<hbm>> -> memref<8x1024xf32, #tpu.memory_space<hbm>>
    tpu.enqueue_dma source(%arg8 : memref<8x1024xf32, #tpu.memory_space<vmem>>) target(%dma_start3A_132 : memref<8x1024xf32, #tpu.memory_space<hbm>>) target_semaphore(%arg31 : memref<!tpu.dma_semaphore, #tpu.memory_space<semaphore_mem>>)
    %dma_wait3A_133 = arith.constant 0 : i32
    %dma_wait3A_134 = tpu.memref_slice %arg4[%add3A_128, %dma_wait3A_133] : memref<4096x1024xf32, #tpu.memory_space<hbm>> -> memref<8x1024xf32, #tpu.memory_space<hbm>>
    %dma_wait3A_135 = arith.constant 0 : i32
    %dma_wait3A_136 = tpu.memref_slice %arg4[%add3A_128, %dma_wait3A_135] : memref<4096x1024xf32, #tpu.memory_space<hbm>> -> memref<8x1024xf32, #tpu.memory_space<hbm>>
    tpu.wait_dma2 semaphore(%arg31 : memref<!tpu.dma_semaphore, #tpu.memory_space<semaphore_mem>>) src(%arg8 : memref<8x1024xf32, #tpu.memory_space<vmem>>) dst(%dma_wait3A_136 : memref<8x1024xf32, #tpu.memory_space<hbm>>)
    %add3A_137 = arith.constant 56 : i32
    %add3A_138 = arith.addi %add3A_7, %add3A_137 : i32
    %dma_start3A_139 = arith.constant 0 : i32
    %dma_start3A_140 = tpu.memref_slice %arg2[%add3A_138, %dma_start3A_139] : memref<32768x1024xf32, #tpu.memory_space<hbm>> -> memref<8x1024xf32, #tpu.memory_space<hbm>>
    %dma_start3A_141 = arith.constant 0 : i32
    %dma_start3A_142 = tpu.memref_slice %arg2[%add3A_138, %dma_start3A_141] : memref<32768x1024xf32, #tpu.memory_space<hbm>> -> memref<8x1024xf32, #tpu.memory_space<hbm>>
    tpu.enqueue_dma source(%dma_start3A_142 : memref<8x1024xf32, #tpu.memory_space<hbm>>) target(%arg8 : memref<8x1024xf32, #tpu.memory_space<vmem>>) target_semaphore(%arg19 : memref<!tpu.dma_semaphore, #tpu.memory_space<semaphore_mem>>)
    %add3A_143 = arith.constant 56 : i32
    %add3A_144 = arith.addi %add3A_9, %add3A_143 : i32
    %dma_start3A_145 = arith.constant 0 : i32
    %dma_start3A_146 = tpu.memref_slice %arg2[%add3A_144, %dma_start3A_145] : memref<32768x1024xf32, #tpu.memory_space<hbm>> -> memref<8x1024xf32, #tpu.memory_space<hbm>>
    %dma_start3A_147 = arith.constant 0 : i32
    %dma_start3A_148 = tpu.memref_slice %arg2[%add3A_144, %dma_start3A_147] : memref<32768x1024xf32, #tpu.memory_space<hbm>> -> memref<8x1024xf32, #tpu.memory_space<hbm>>
    tpu.enqueue_dma source(%dma_start3A_148 : memref<8x1024xf32, #tpu.memory_space<hbm>>) target(%arg9 : memref<8x1024xf32, #tpu.memory_space<vmem>>) target_semaphore(%arg25 : memref<!tpu.dma_semaphore, #tpu.memory_space<semaphore_mem>>)
    %dma_wait3A_149 = arith.constant 0 : i32
    %dma_wait3A_150 = tpu.memref_slice %arg2[%add3A_36, %dma_wait3A_149] : memref<32768x1024xf32, #tpu.memory_space<hbm>> -> memref<8x1024xf32, #tpu.memory_space<hbm>>
    %dma_wait3A_151 = arith.constant 0 : i32
    %dma_wait3A_152 = tpu.memref_slice %arg2[%add3A_36, %dma_wait3A_151] : memref<32768x1024xf32, #tpu.memory_space<hbm>> -> memref<8x1024xf32, #tpu.memory_space<hbm>>
    tpu.wait_dma2 semaphore(%arg20 : memref<!tpu.dma_semaphore, #tpu.memory_space<semaphore_mem>>) src(%dma_wait3A_152 : memref<8x1024xf32, #tpu.memory_space<hbm>>) dst(%arg10 : memref<8x1024xf32, #tpu.memory_space<vmem>>)
    %dma_wait3A_153 = arith.constant 0 : i32
    %dma_wait3A_154 = tpu.memref_slice %arg2[%add3A_42, %dma_wait3A_153] : memref<32768x1024xf32, #tpu.memory_space<hbm>> -> memref<8x1024xf32, #tpu.memory_space<hbm>>
    %dma_wait3A_155 = arith.constant 0 : i32
    %dma_wait3A_156 = tpu.memref_slice %arg2[%add3A_42, %dma_wait3A_155] : memref<32768x1024xf32, #tpu.memory_space<hbm>> -> memref<8x1024xf32, #tpu.memory_space<hbm>>
    tpu.wait_dma2 semaphore(%arg26 : memref<!tpu.dma_semaphore, #tpu.memory_space<semaphore_mem>>) src(%dma_wait3A_156 : memref<8x1024xf32, #tpu.memory_space<hbm>>) dst(%arg11 : memref<8x1024xf32, #tpu.memory_space<vmem>>)
    %parallel_loop3A_157 = arith.constant 0 : i32
    %parallel_loop3A_158 = arith.constant 512 : i32
    %parallel_loop3A_159 = arith.constant 1 : i32
    %parallel_loop3A_160 = arith.constant 5.000000e-01 : f32
    scf.for %parallel_loop3A_553 = %parallel_loop3A_157 to %parallel_loop3A_158 step %parallel_loop3A_159  : i32 {
      %parallel_loop3A_554 = arith.constant 6 : i32
      %parallel_loop3A_555 = arith.shrsi %parallel_loop3A_553, %parallel_loop3A_554 : i32
      %parallel_loop3A_556 = arith.constant 63 : i32
      %parallel_loop3A_557 = arith.andi %parallel_loop3A_553, %parallel_loop3A_556 : i32
      %parallel_loop3A_558 = arith.constant 16 : i32
      %parallel_loop3A_559 = arith.muli %parallel_loop3A_557, %parallel_loop3A_558 : i32
      %parallel_loop3A_560 = arith.index_cast %parallel_loop3A_555 : i32 to index
      %parallel_loop3A_561 = arith.index_cast %parallel_loop3A_559 : i32 to index
      %parallel_loop3A_562 = tpu.vector_load %arg10[%parallel_loop3A_560, %parallel_loop3A_561] {strides = array<i32>} : memref<8x1024xf32, #tpu.memory_space<vmem>>, vector<1x16xf32>,
      %parallel_loop3A_563 = vector.shape_cast %parallel_loop3A_562 : vector<1x16xf32> to vector<16xf32>
      %parallel_loop3A_564 = arith.index_cast %parallel_loop3A_555 : i32 to index
      %parallel_loop3A_565 = arith.index_cast %parallel_loop3A_559 : i32 to index
      %parallel_loop3A_566 = tpu.vector_load %arg11[%parallel_loop3A_564, %parallel_loop3A_565] {strides = array<i32>} : memref<8x1024xf32, #tpu.memory_space<vmem>>, vector<1x16xf32>,
      %parallel_loop3A_567 = vector.shape_cast %parallel_loop3A_566 : vector<1x16xf32> to vector<16xf32>
      %parallel_loop3A_568 = arith.addf %parallel_loop3A_563, %parallel_loop3A_567 : vector<16xf32>
      %parallel_loop3A_569 = vector.broadcast %parallel_loop3A_160 : f32 to vector<16xf32>
      %parallel_loop3A_570 = arith.mulf %parallel_loop3A_568, %parallel_loop3A_569 : vector<16xf32>
      %parallel_loop3A_571 = arith.index_cast %parallel_loop3A_555 : i32 to index
      %parallel_loop3A_572 = arith.index_cast %parallel_loop3A_559 : i32 to index
      %parallel_loop3A_573 = tpu.vector_load %arg10[%parallel_loop3A_571, %parallel_loop3A_572] {strides = array<i32>} : memref<8x1024xf32, #tpu.memory_space<vmem>>, vector<1x16xf32>,
      %parallel_loop3A_574 = vector.shape_cast %parallel_loop3A_573 : vector<1x16xf32> to vector<16xf32>
      %parallel_loop3A_575 = vector.shape_cast %parallel_loop3A_570 : vector<16xf32> to vector<1x16xf32>
      tpu.vector_store %arg10[%parallel_loop3A_571, %parallel_loop3A_572], %parallel_loop3A_575 {strides = array<i32>} : memref<8x1024xf32, #tpu.memory_space<vmem>>, vector<1x16xf32>,
    } {sc.loop_unroll_factor = 4 : i64, sc.parallel_access}
    %add3A_161 = arith.constant 16 : i32
    %add3A_162 = arith.addi %mul3A_11, %add3A_161 : i32
    %dma_start3A_163 = arith.constant 0 : i32
    %dma_start3A_164 = tpu.memref_slice %arg4[%add3A_162, %dma_start3A_163] : memref<4096x1024xf32, #tpu.memory_space<hbm>> -> memref<8x1024xf32, #tpu.memory_space<hbm>>
    %dma_start3A_165 = arith.constant 0 : i32
    %dma_start3A_166 = tpu.memref_slice %arg4[%add3A_162, %dma_start3A_165] : memref<4096x1024xf32, #tpu.memory_space<hbm>> -> memref<8x1024xf32, #tpu.memory_space<hbm>>
    tpu.enqueue_dma source(%arg10 : memref<8x1024xf32, #tpu.memory_space<vmem>>) target(%dma_start3A_166 : memref<8x1024xf32, #tpu.memory_space<hbm>>) target_semaphore(%arg32 : memref<!tpu.dma_semaphore, #tpu.memory_space<semaphore_mem>>)
    %dma_wait3A_167 = arith.constant 0 : i32
    %dma_wait3A_168 = tpu.memref_slice %arg4[%add3A_162, %dma_wait3A_167] : memref<4096x1024xf32, #tpu.memory_space<hbm>> -> memref<8x1024xf32, #tpu.memory_space<hbm>>
    %dma_wait3A_169 = arith.constant 0 : i32
    %dma_wait3A_170 = tpu.memref_slice %arg4[%add3A_162, %dma_wait3A_169] : memref<4096x1024xf32, #tpu.memory_space<hbm>> -> memref<8x1024xf32, #tpu.memory_space<hbm>>
    tpu.wait_dma2 semaphore(%arg32 : memref<!tpu.dma_semaphore, #tpu.memory_space<semaphore_mem>>) src(%arg10 : memref<8x1024xf32, #tpu.memory_space<vmem>>) dst(%dma_wait3A_170 : memref<8x1024xf32, #tpu.memory_space<hbm>>)
    %add3A_171 = arith.constant 64 : i32
    %add3A_172 = arith.addi %add3A_7, %add3A_171 : i32
    %dma_start3A_173 = arith.constant 0 : i32
    %dma_start3A_174 = tpu.memref_slice %arg2[%add3A_172, %dma_start3A_173] : memref<32768x1024xf32, #tpu.memory_space<hbm>> -> memref<8x1024xf32, #tpu.memory_space<hbm>>
    %dma_start3A_175 = arith.constant 0 : i32
    %dma_start3A_176 = tpu.memref_slice %arg2[%add3A_172, %dma_start3A_175] : memref<32768x1024xf32, #tpu.memory_space<hbm>> -> memref<8x1024xf32, #tpu.memory_space<hbm>>
    tpu.enqueue_dma source(%dma_start3A_176 : memref<8x1024xf32, #tpu.memory_space<hbm>>) target(%arg10 : memref<8x1024xf32, #tpu.memory_space<vmem>>) target_semaphore(%arg20 : memref<!tpu.dma_semaphore, #tpu.memory_space<semaphore_mem>>)
    %add3A_177 = arith.constant 64 : i32
    %add3A_178 = arith.addi %add3A_9, %add3A_177 : i32
    %dma_start3A_179 = arith.constant 0 : i32
    %dma_start3A_180 = tpu.memref_slice %arg2[%add3A_178, %dma_start3A_179] : memref<32768x1024xf32, #tpu.memory_space<hbm>> -> memref<8x1024xf32, #tpu.memory_space<hbm>>
    %dma_start3A_181 = arith.constant 0 : i32
    %dma_start3A_182 = tpu.memref_slice %arg2[%add3A_178, %dma_start3A_181] : memref<32768x1024xf32, #tpu.memory_space<hbm>> -> memref<8x1024xf32, #tpu.memory_space<hbm>>
    tpu.enqueue_dma source(%dma_start3A_182 : memref<8x1024xf32, #tpu.memory_space<hbm>>) target(%arg11 : memref<8x1024xf32, #tpu.memory_space<vmem>>) target_semaphore(%arg26 : memref<!tpu.dma_semaphore, #tpu.memory_space<semaphore_mem>>)
    %dma_wait3A_183 = arith.constant 0 : i32
    %dma_wait3A_184 = tpu.memref_slice %arg2[%add3A_48, %dma_wait3A_183] : memref<32768x1024xf32, #tpu.memory_space<hbm>> -> memref<8x1024xf32, #tpu.memory_space<hbm>>
    %dma_wait3A_185 = arith.constant 0 : i32
    %dma_wait3A_186 = tpu.memref_slice %arg2[%add3A_48, %dma_wait3A_185] : memref<32768x1024xf32, #tpu.memory_space<hbm>> -> memref<8x1024xf32, #tpu.memory_space<hbm>>
    tpu.wait_dma2 semaphore(%arg21 : memref<!tpu.dma_semaphore, #tpu.memory_space<semaphore_mem>>) src(%dma_wait3A_186 : memref<8x1024xf32, #tpu.memory_space<hbm>>) dst(%arg12 : memref<8x1024xf32, #tpu.memory_space<vmem>>)
    %dma_wait3A_187 = arith.constant 0 : i32
    %dma_wait3A_188 = tpu.memref_slice %arg2[%add3A_54, %dma_wait3A_187] : memref<32768x1024xf32, #tpu.memory_space<hbm>> -> memref<8x1024xf32, #tpu.memory_space<hbm>>
    %dma_wait3A_189 = arith.constant 0 : i32
    %dma_wait3A_190 = tpu.memref_slice %arg2[%add3A_54, %dma_wait3A_189] : memref<32768x1024xf32, #tpu.memory_space<hbm>> -> memref<8x1024xf32, #tpu.memory_space<hbm>>
    tpu.wait_dma2 semaphore(%arg27 : memref<!tpu.dma_semaphore, #tpu.memory_space<semaphore_mem>>) src(%dma_wait3A_190 : memref<8x1024xf32, #tpu.memory_space<hbm>>) dst(%arg13 : memref<8x1024xf32, #tpu.memory_space<vmem>>)
    %parallel_loop3A_191 = arith.constant 0 : i32
    %parallel_loop3A_192 = arith.constant 512 : i32
    %parallel_loop3A_193 = arith.constant 1 : i32
    %parallel_loop3A_194 = arith.constant 5.000000e-01 : f32
    scf.for %parallel_loop3A_553 = %parallel_loop3A_191 to %parallel_loop3A_192 step %parallel_loop3A_193  : i32 {
      %parallel_loop3A_554 = arith.constant 6 : i32
      %parallel_loop3A_555 = arith.shrsi %parallel_loop3A_553, %parallel_loop3A_554 : i32
      %parallel_loop3A_556 = arith.constant 63 : i32
      %parallel_loop3A_557 = arith.andi %parallel_loop3A_553, %parallel_loop3A_556 : i32
      %parallel_loop3A_558 = arith.constant 16 : i32
      %parallel_loop3A_559 = arith.muli %parallel_loop3A_557, %parallel_loop3A_558 : i32
      %parallel_loop3A_560 = arith.index_cast %parallel_loop3A_555 : i32 to index
      %parallel_loop3A_561 = arith.index_cast %parallel_loop3A_559 : i32 to index
      %parallel_loop3A_562 = tpu.vector_load %arg12[%parallel_loop3A_560, %parallel_loop3A_561] {strides = array<i32>} : memref<8x1024xf32, #tpu.memory_space<vmem>>, vector<1x16xf32>,
      %parallel_loop3A_563 = vector.shape_cast %parallel_loop3A_562 : vector<1x16xf32> to vector<16xf32>
      %parallel_loop3A_564 = arith.index_cast %parallel_loop3A_555 : i32 to index
      %parallel_loop3A_565 = arith.index_cast %parallel_loop3A_559 : i32 to index
      %parallel_loop3A_566 = tpu.vector_load %arg13[%parallel_loop3A_564, %parallel_loop3A_565] {strides = array<i32>} : memref<8x1024xf32, #tpu.memory_space<vmem>>, vector<1x16xf32>,
      %parallel_loop3A_567 = vector.shape_cast %parallel_loop3A_566 : vector<1x16xf32> to vector<16xf32>
      %parallel_loop3A_568 = arith.addf %parallel_loop3A_563, %parallel_loop3A_567 : vector<16xf32>
      %parallel_loop3A_569 = vector.broadcast %parallel_loop3A_194 : f32 to vector<16xf32>
      %parallel_loop3A_570 = arith.mulf %parallel_loop3A_568, %parallel_loop3A_569 : vector<16xf32>
      %parallel_loop3A_571 = arith.index_cast %parallel_loop3A_555 : i32 to index
      %parallel_loop3A_572 = arith.index_cast %parallel_loop3A_559 : i32 to index
      %parallel_loop3A_573 = tpu.vector_load %arg12[%parallel_loop3A_571, %parallel_loop3A_572] {strides = array<i32>} : memref<8x1024xf32, #tpu.memory_space<vmem>>, vector<1x16xf32>,
      %parallel_loop3A_574 = vector.shape_cast %parallel_loop3A_573 : vector<1x16xf32> to vector<16xf32>
      %parallel_loop3A_575 = vector.shape_cast %parallel_loop3A_570 : vector<16xf32> to vector<1x16xf32>
      tpu.vector_store %arg12[%parallel_loop3A_571, %parallel_loop3A_572], %parallel_loop3A_575 {strides = array<i32>} : memref<8x1024xf32, #tpu.memory_space<vmem>>, vector<1x16xf32>,
    } {sc.loop_unroll_factor = 4 : i64, sc.parallel_access}
    %add3A_195 = arith.constant 24 : i32
    %add3A_196 = arith.addi %mul3A_11, %add3A_195 : i32
    %dma_start3A_197 = arith.constant 0 : i32
    %dma_start3A_198 = tpu.memref_slice %arg4[%add3A_196, %dma_start3A_197] : memref<4096x1024xf32, #tpu.memory_space<hbm>> -> memref<8x1024xf32, #tpu.memory_space<hbm>>
    %dma_start3A_199 = arith.constant 0 : i32
    %dma_start3A_200 = tpu.memref_slice %arg4[%add3A_196, %dma_start3A_199] : memref<4096x1024xf32, #tpu.memory_space<hbm>> -> memref<8x1024xf32, #tpu.memory_space<hbm>>
    tpu.enqueue_dma source(%arg12 : memref<8x1024xf32, #tpu.memory_space<vmem>>) target(%dma_start3A_200 : memref<8x1024xf32, #tpu.memory_space<hbm>>) target_semaphore(%arg33 : memref<!tpu.dma_semaphore, #tpu.memory_space<semaphore_mem>>)
    %dma_wait3A_201 = arith.constant 0 : i32
    %dma_wait3A_202 = tpu.memref_slice %arg4[%add3A_196, %dma_wait3A_201] : memref<4096x1024xf32, #tpu.memory_space<hbm>> -> memref<8x1024xf32, #tpu.memory_space<hbm>>
    %dma_wait3A_203 = arith.constant 0 : i32
    %dma_wait3A_204 = tpu.memref_slice %arg4[%add3A_196, %dma_wait3A_203] : memref<4096x1024xf32, #tpu.memory_space<hbm>> -> memref<8x1024xf32, #tpu.memory_space<hbm>>
    tpu.wait_dma2 semaphore(%arg33 : memref<!tpu.dma_semaphore, #tpu.memory_space<semaphore_mem>>) src(%arg12 : memref<8x1024xf32, #tpu.memory_space<vmem>>) dst(%dma_wait3A_204 : memref<8x1024xf32, #tpu.memory_space<hbm>>)
    %add3A_205 = arith.constant 72 : i32
    %add3A_206 = arith.addi %add3A_7, %add3A_205 : i32
    %dma_start3A_207 = arith.constant 0 : i32
    %dma_start3A_208 = tpu.memref_slice %arg2[%add3A_206, %dma_start3A_207] : memref<32768x1024xf32, #tpu.memory_space<hbm>> -> memref<8x1024xf32, #tpu.memory_space<hbm>>
    %dma_start3A_209 = arith.constant 0 : i32
    %dma_start3A_210 = tpu.memref_slice %arg2[%add3A_206, %dma_start3A_209] : memref<32768x1024xf32, #tpu.memory_space<hbm>> -> memref<8x1024xf32, #tpu.memory_space<hbm>>
    tpu.enqueue_dma source(%dma_start3A_210 : memref<8x1024xf32, #tpu.memory_space<hbm>>) target(%arg12 : memref<8x1024xf32, #tpu.memory_space<vmem>>) target_semaphore(%arg21 : memref<!tpu.dma_semaphore, #tpu.memory_space<semaphore_mem>>)
    %add3A_211 = arith.constant 72 : i32
    %add3A_212 = arith.addi %add3A_9, %add3A_211 : i32
    %dma_start3A_213 = arith.constant 0 : i32
    %dma_start3A_214 = tpu.memref_slice %arg2[%add3A_212, %dma_start3A_213] : memref<32768x1024xf32, #tpu.memory_space<hbm>> -> memref<8x1024xf32, #tpu.memory_space<hbm>>
    %dma_start3A_215 = arith.constant 0 : i32
    %dma_start3A_216 = tpu.memref_slice %arg2[%add3A_212, %dma_start3A_215] : memref<32768x1024xf32, #tpu.memory_space<hbm>> -> memref<8x1024xf32, #tpu.memory_space<hbm>>
    tpu.enqueue_dma source(%dma_start3A_216 : memref<8x1024xf32, #tpu.memory_space<hbm>>) target(%arg13 : memref<8x1024xf32, #tpu.memory_space<vmem>>) target_semaphore(%arg27 : memref<!tpu.dma_semaphore, #tpu.memory_space<semaphore_mem>>)
    %dma_wait3A_217 = arith.constant 0 : i32
    %dma_wait3A_218 = tpu.memref_slice %arg2[%add3A_60, %dma_wait3A_217] : memref<32768x1024xf32, #tpu.memory_space<hbm>> -> memref<8x1024xf32, #tpu.memory_space<hbm>>
    %dma_wait3A_219 = arith.constant 0 : i32
    %dma_wait3A_220 = tpu.memref_slice %arg2[%add3A_60, %dma_wait3A_219] : memref<32768x1024xf32, #tpu.memory_space<hbm>> -> memref<8x1024xf32, #tpu.memory_space<hbm>>
    tpu.wait_dma2 semaphore(%arg22 : memref<!tpu.dma_semaphore, #tpu.memory_space<semaphore_mem>>) src(%dma_wait3A_220 : memref<8x1024xf32, #tpu.memory_space<hbm>>) dst(%arg14 : memref<8x1024xf32, #tpu.memory_space<vmem>>)
    %dma_wait3A_221 = arith.constant 0 : i32
    %dma_wait3A_222 = tpu.memref_slice %arg2[%add3A_66, %dma_wait3A_221] : memref<32768x1024xf32, #tpu.memory_space<hbm>> -> memref<8x1024xf32, #tpu.memory_space<hbm>>
    %dma_wait3A_223 = arith.constant 0 : i32
    %dma_wait3A_224 = tpu.memref_slice %arg2[%add3A_66, %dma_wait3A_223] : memref<32768x1024xf32, #tpu.memory_space<hbm>> -> memref<8x1024xf32, #tpu.memory_space<hbm>>
    tpu.wait_dma2 semaphore(%arg28 : memref<!tpu.dma_semaphore, #tpu.memory_space<semaphore_mem>>) src(%dma_wait3A_224 : memref<8x1024xf32, #tpu.memory_space<hbm>>) dst(%arg15 : memref<8x1024xf32, #tpu.memory_space<vmem>>)
    %parallel_loop3A_225 = arith.constant 0 : i32
    %parallel_loop3A_226 = arith.constant 512 : i32
    %parallel_loop3A_227 = arith.constant 1 : i32
    %parallel_loop3A_228 = arith.constant 5.000000e-01 : f32
    scf.for %parallel_loop3A_553 = %parallel_loop3A_225 to %parallel_loop3A_226 step %parallel_loop3A_227  : i32 {
      %parallel_loop3A_554 = arith.constant 6 : i32
      %parallel_loop3A_555 = arith.shrsi %parallel_loop3A_553, %parallel_loop3A_554 : i32
      %parallel_loop3A_556 = arith.constant 63 : i32
      %parallel_loop3A_557 = arith.andi %parallel_loop3A_553, %parallel_loop3A_556 : i32
      %parallel_loop3A_558 = arith.constant 16 : i32
      %parallel_loop3A_559 = arith.muli %parallel_loop3A_557, %parallel_loop3A_558 : i32
      %parallel_loop3A_560 = arith.index_cast %parallel_loop3A_555 : i32 to index
      %parallel_loop3A_561 = arith.index_cast %parallel_loop3A_559 : i32 to index
      %parallel_loop3A_562 = tpu.vector_load %arg14[%parallel_loop3A_560, %parallel_loop3A_561] {strides = array<i32>} : memref<8x1024xf32, #tpu.memory_space<vmem>>, vector<1x16xf32>,
      %parallel_loop3A_563 = vector.shape_cast %parallel_loop3A_562 : vector<1x16xf32> to vector<16xf32>
      %parallel_loop3A_564 = arith.index_cast %parallel_loop3A_555 : i32 to index
      %parallel_loop3A_565 = arith.index_cast %parallel_loop3A_559 : i32 to index
      %parallel_loop3A_566 = tpu.vector_load %arg15[%parallel_loop3A_564, %parallel_loop3A_565] {strides = array<i32>} : memref<8x1024xf32, #tpu.memory_space<vmem>>, vector<1x16xf32>,
      %parallel_loop3A_567 = vector.shape_cast %parallel_loop3A_566 : vector<1x16xf32> to vector<16xf32>
      %parallel_loop3A_568 = arith.addf %parallel_loop3A_563, %parallel_loop3A_567 : vector<16xf32>
      %parallel_loop3A_569 = vector.broadcast %parallel_loop3A_228 : f32 to vector<16xf32>
      %parallel_loop3A_570 = arith.mulf %parallel_loop3A_568, %parallel_loop3A_569 : vector<16xf32>
      %parallel_loop3A_571 = arith.index_cast %parallel_loop3A_555 : i32 to index
      %parallel_loop3A_572 = arith.index_cast %parallel_loop3A_559 : i32 to index
      %parallel_loop3A_573 = tpu.vector_load %arg14[%parallel_loop3A_571, %parallel_loop3A_572] {strides = array<i32>} : memref<8x1024xf32, #tpu.memory_space<vmem>>, vector<1x16xf32>,
      %parallel_loop3A_574 = vector.shape_cast %parallel_loop3A_573 : vector<1x16xf32> to vector<16xf32>
      %parallel_loop3A_575 = vector.shape_cast %parallel_loop3A_570 : vector<16xf32> to vector<1x16xf32>
      tpu.vector_store %arg14[%parallel_loop3A_571, %parallel_loop3A_572], %parallel_loop3A_575 {strides = array<i32>} : memref<8x1024xf32, #tpu.memory_space<vmem>>, vector<1x16xf32>,
    } {sc.loop_unroll_factor = 4 : i64, sc.parallel_access}
    %add3A_229 = arith.constant 32 : i32
    %add3A_230 = arith.addi %mul3A_11, %add3A_229 : i32
    %dma_start3A_231 = arith.constant 0 : i32
    %dma_start3A_232 = tpu.memref_slice %arg4[%add3A_230, %dma_start3A_231] : memref<4096x1024xf32, #tpu.memory_space<hbm>> -> memref<8x1024xf32, #tpu.memory_space<hbm>>
    %dma_start3A_233 = arith.constant 0 : i32
    %dma_start3A_234 = tpu.memref_slice %arg4[%add3A_230, %dma_start3A_233] : memref<4096x1024xf32, #tpu.memory_space<hbm>> -> memref<8x1024xf32, #tpu.memory_space<hbm>>
    tpu.enqueue_dma source(%arg14 : memref<8x1024xf32, #tpu.memory_space<vmem>>) target(%dma_start3A_234 : memref<8x1024xf32, #tpu.memory_space<hbm>>) target_semaphore(%arg34 : memref<!tpu.dma_semaphore, #tpu.memory_space<semaphore_mem>>)
    %dma_wait3A_235 = arith.constant 0 : i32
    %dma_wait3A_236 = tpu.memref_slice %arg4[%add3A_230, %dma_wait3A_235] : memref<4096x1024xf32, #tpu.memory_space<hbm>> -> memref<8x1024xf32, #tpu.memory_space<hbm>>
    %dma_wait3A_237 = arith.constant 0 : i32
    %dma_wait3A_238 = tpu.memref_slice %arg4[%add3A_230, %dma_wait3A_237] : memref<4096x1024xf32, #tpu.memory_space<hbm>> -> memref<8x1024xf32, #tpu.memory_space<hbm>>
    tpu.wait_dma2 semaphore(%arg34 : memref<!tpu.dma_semaphore, #tpu.memory_space<semaphore_mem>>) src(%arg14 : memref<8x1024xf32, #tpu.memory_space<vmem>>) dst(%dma_wait3A_238 : memref<8x1024xf32, #tpu.memory_space<hbm>>)
    %add3A_239 = arith.constant 80 : i32
    %add3A_240 = arith.addi %add3A_7, %add3A_239 : i32
    %dma_start3A_241 = arith.constant 0 : i32
    %dma_start3A_242 = tpu.memref_slice %arg2[%add3A_240, %dma_start3A_241] : memref<32768x1024xf32, #tpu.memory_space<hbm>> -> memref<8x1024xf32, #tpu.memory_space<hbm>>
    %dma_start3A_243 = arith.constant 0 : i32
    %dma_start3A_244 = tpu.memref_slice %arg2[%add3A_240, %dma_start3A_243] : memref<32768x1024xf32, #tpu.memory_space<hbm>> -> memref<8x1024xf32, #tpu.memory_space<hbm>>
    tpu.enqueue_dma source(%dma_start3A_244 : memref<8x1024xf32, #tpu.memory_space<hbm>>) target(%arg14 : memref<8x1024xf32, #tpu.memory_space<vmem>>) target_semaphore(%arg22 : memref<!tpu.dma_semaphore, #tpu.memory_space<semaphore_mem>>)
    %add3A_245 = arith.constant 80 : i32
    %add3A_246 = arith.addi %add3A_9, %add3A_245 : i32
    %dma_start3A_247 = arith.constant 0 : i32
    %dma_start3A_248 = tpu.memref_slice %arg2[%add3A_246, %dma_start3A_247] : memref<32768x1024xf32, #tpu.memory_space<hbm>> -> memref<8x1024xf32, #tpu.memory_space<hbm>>
    %dma_start3A_249 = arith.constant 0 : i32
    %dma_start3A_250 = tpu.memref_slice %arg2[%add3A_246, %dma_start3A_249] : memref<32768x1024xf32, #tpu.memory_space<hbm>> -> memref<8x1024xf32, #tpu.memory_space<hbm>>
    tpu.enqueue_dma source(%dma_start3A_250 : memref<8x1024xf32, #tpu.memory_space<hbm>>) target(%arg15 : memref<8x1024xf32, #tpu.memory_space<vmem>>) target_semaphore(%arg28 : memref<!tpu.dma_semaphore, #tpu.memory_space<semaphore_mem>>)
    %dma_wait3A_251 = arith.constant 0 : i32
    %dma_wait3A_252 = tpu.memref_slice %arg2[%add3A_72, %dma_wait3A_251] : memref<32768x1024xf32, #tpu.memory_space<hbm>> -> memref<8x1024xf32, #tpu.memory_space<hbm>>
    %dma_wait3A_253 = arith.constant 0 : i32
    %dma_wait3A_254 = tpu.memref_slice %arg2[%add3A_72, %dma_wait3A_253] : memref<32768x1024xf32, #tpu.memory_space<hbm>> -> memref<8x1024xf32, #tpu.memory_space<hbm>>
    tpu.wait_dma2 semaphore(%arg23 : memref<!tpu.dma_semaphore, #tpu.memory_space<semaphore_mem>>) src(%dma_wait3A_254 : memref<8x1024xf32, #tpu.memory_space<hbm>>) dst(%arg16 : memref<8x1024xf32, #tpu.memory_space<vmem>>)
    %dma_wait3A_255 = arith.constant 0 : i32
    %dma_wait3A_256 = tpu.memref_slice %arg2[%add3A_78, %dma_wait3A_255] : memref<32768x1024xf32, #tpu.memory_space<hbm>> -> memref<8x1024xf32, #tpu.memory_space<hbm>>
    %dma_wait3A_257 = arith.constant 0 : i32
    %dma_wait3A_258 = tpu.memref_slice %arg2[%add3A_78, %dma_wait3A_257] : memref<32768x1024xf32, #tpu.memory_space<hbm>> -> memref<8x1024xf32, #tpu.memory_space<hbm>>
    tpu.wait_dma2 semaphore(%arg29 : memref<!tpu.dma_semaphore, #tpu.memory_space<semaphore_mem>>) src(%dma_wait3A_258 : memref<8x1024xf32, #tpu.memory_space<hbm>>) dst(%arg17 : memref<8x1024xf32, #tpu.memory_space<vmem>>)
    %parallel_loop3A_259 = arith.constant 0 : i32
    %parallel_loop3A_260 = arith.constant 512 : i32
    %parallel_loop3A_261 = arith.constant 1 : i32
    %parallel_loop3A_262 = arith.constant 5.000000e-01 : f32
    scf.for %parallel_loop3A_553 = %parallel_loop3A_259 to %parallel_loop3A_260 step %parallel_loop3A_261  : i32 {
      %parallel_loop3A_554 = arith.constant 6 : i32
      %parallel_loop3A_555 = arith.shrsi %parallel_loop3A_553, %parallel_loop3A_554 : i32
      %parallel_loop3A_556 = arith.constant 63 : i32
      %parallel_loop3A_557 = arith.andi %parallel_loop3A_553, %parallel_loop3A_556 : i32
      %parallel_loop3A_558 = arith.constant 16 : i32
      %parallel_loop3A_559 = arith.muli %parallel_loop3A_557, %parallel_loop3A_558 : i32
      %parallel_loop3A_560 = arith.index_cast %parallel_loop3A_555 : i32 to index
      %parallel_loop3A_561 = arith.index_cast %parallel_loop3A_559 : i32 to index
      %parallel_loop3A_562 = tpu.vector_load %arg16[%parallel_loop3A_560, %parallel_loop3A_561] {strides = array<i32>} : memref<8x1024xf32, #tpu.memory_space<vmem>>, vector<1x16xf32>,
      %parallel_loop3A_563 = vector.shape_cast %parallel_loop3A_562 : vector<1x16xf32> to vector<16xf32>
      %parallel_loop3A_564 = arith.index_cast %parallel_loop3A_555 : i32 to index
      %parallel_loop3A_565 = arith.index_cast %parallel_loop3A_559 : i32 to index
      %parallel_loop3A_566 = tpu.vector_load %arg17[%parallel_loop3A_564, %parallel_loop3A_565] {strides = array<i32>} : memref<8x1024xf32, #tpu.memory_space<vmem>>, vector<1x16xf32>,
      %parallel_loop3A_567 = vector.shape_cast %parallel_loop3A_566 : vector<1x16xf32> to vector<16xf32>
      %parallel_loop3A_568 = arith.addf %parallel_loop3A_563, %parallel_loop3A_567 : vector<16xf32>
      %parallel_loop3A_569 = vector.broadcast %parallel_loop3A_262 : f32 to vector<16xf32>
      %parallel_loop3A_570 = arith.mulf %parallel_loop3A_568, %parallel_loop3A_569 : vector<16xf32>
      %parallel_loop3A_571 = arith.index_cast %parallel_loop3A_555 : i32 to index
      %parallel_loop3A_572 = arith.index_cast %parallel_loop3A_559 : i32 to index
      %parallel_loop3A_573 = tpu.vector_load %arg16[%parallel_loop3A_571, %parallel_loop3A_572] {strides = array<i32>} : memref<8x1024xf32, #tpu.memory_space<vmem>>, vector<1x16xf32>,
      %parallel_loop3A_574 = vector.shape_cast %parallel_loop3A_573 : vector<1x16xf32> to vector<16xf32>
      %parallel_loop3A_575 = vector.shape_cast %parallel_loop3A_570 : vector<16xf32> to vector<1x16xf32>
      tpu.vector_store %arg16[%parallel_loop3A_571, %parallel_loop3A_572], %parallel_loop3A_575 {strides = array<i32>} : memref<8x1024xf32, #tpu.memory_space<vmem>>, vector<1x16xf32>,
    } {sc.loop_unroll_factor = 4 : i64, sc.parallel_access}
    %add3A_263 = arith.constant 40 : i32
    %add3A_264 = arith.addi %mul3A_11, %add3A_263 : i32
    %dma_start3A_265 = arith.constant 0 : i32
    %dma_start3A_266 = tpu.memref_slice %arg4[%add3A_264, %dma_start3A_265] : memref<4096x1024xf32, #tpu.memory_space<hbm>> -> memref<8x1024xf32, #tpu.memory_space<hbm>>
    %dma_start3A_267 = arith.constant 0 : i32
    %dma_start3A_268 = tpu.memref_slice %arg4[%add3A_264, %dma_start3A_267] : memref<4096x1024xf32, #tpu.memory_space<hbm>> -> memref<8x1024xf32, #tpu.memory_space<hbm>>
    tpu.enqueue_dma source(%arg16 : memref<8x1024xf32, #tpu.memory_space<vmem>>) target(%dma_start3A_268 : memref<8x1024xf32, #tpu.memory_space<hbm>>) target_semaphore(%arg35 : memref<!tpu.dma_semaphore, #tpu.memory_space<semaphore_mem>>)
    %dma_wait3A_269 = arith.constant 0 : i32
    %dma_wait3A_270 = tpu.memref_slice %arg4[%add3A_264, %dma_wait3A_269] : memref<4096x1024xf32, #tpu.memory_space<hbm>> -> memref<8x1024xf32, #tpu.memory_space<hbm>>
    %dma_wait3A_271 = arith.constant 0 : i32
    %dma_wait3A_272 = tpu.memref_slice %arg4[%add3A_264, %dma_wait3A_271] : memref<4096x1024xf32, #tpu.memory_space<hbm>> -> memref<8x1024xf32, #tpu.memory_space<hbm>>
    tpu.wait_dma2 semaphore(%arg35 : memref<!tpu.dma_semaphore, #tpu.memory_space<semaphore_mem>>) src(%arg16 : memref<8x1024xf32, #tpu.memory_space<vmem>>) dst(%dma_wait3A_272 : memref<8x1024xf32, #tpu.memory_space<hbm>>)
    %add3A_273 = arith.constant 88 : i32
    %add3A_274 = arith.addi %add3A_7, %add3A_273 : i32
    %dma_start3A_275 = arith.constant 0 : i32
    %dma_start3A_276 = tpu.memref_slice %arg2[%add3A_274, %dma_start3A_275] : memref<32768x1024xf32, #tpu.memory_space<hbm>> -> memref<8x1024xf32, #tpu.memory_space<hbm>>
    %dma_start3A_277 = arith.constant 0 : i32
    %dma_start3A_278 = tpu.memref_slice %arg2[%add3A_274, %dma_start3A_277] : memref<32768x1024xf32, #tpu.memory_space<hbm>> -> memref<8x1024xf32, #tpu.memory_space<hbm>>
    tpu.enqueue_dma source(%dma_start3A_278 : memref<8x1024xf32, #tpu.memory_space<hbm>>) target(%arg16 : memref<8x1024xf32, #tpu.memory_space<vmem>>) target_semaphore(%arg23 : memref<!tpu.dma_semaphore, #tpu.memory_space<semaphore_mem>>)
    %add3A_279 = arith.constant 88 : i32
    %add3A_280 = arith.addi %add3A_9, %add3A_279 : i32
    %dma_start3A_281 = arith.constant 0 : i32
    %dma_start3A_282 = tpu.memref_slice %arg2[%add3A_280, %dma_start3A_281] : memref<32768x1024xf32, #tpu.memory_space<hbm>> -> memref<8x1024xf32, #tpu.memory_space<hbm>>
    %dma_start3A_283 = arith.constant 0 : i32
    %dma_start3A_284 = tpu.memref_slice %arg2[%add3A_280, %dma_start3A_283] : memref<32768x1024xf32, #tpu.memory_space<hbm>> -> memref<8x1024xf32, #tpu.memory_space<hbm>>
    tpu.enqueue_dma source(%dma_start3A_284 : memref<8x1024xf32, #tpu.memory_space<hbm>>) target(%arg17 : memref<8x1024xf32, #tpu.memory_space<vmem>>) target_semaphore(%arg29 : memref<!tpu.dma_semaphore, #tpu.memory_space<semaphore_mem>>)
    %dma_wait3A_285 = arith.constant 0 : i32
    %dma_wait3A_286 = tpu.memref_slice %arg2[%add3A_104, %dma_wait3A_285] : memref<32768x1024xf32, #tpu.memory_space<hbm>> -> memref<8x1024xf32, #tpu.memory_space<hbm>>
    %dma_wait3A_287 = arith.constant 0 : i32
    %dma_wait3A_288 = tpu.memref_slice %arg2[%add3A_104, %dma_wait3A_287] : memref<32768x1024xf32, #tpu.memory_space<hbm>> -> memref<8x1024xf32, #tpu.memory_space<hbm>>
    tpu.wait_dma2 semaphore(%arg18 : memref<!tpu.dma_semaphore, #tpu.memory_space<semaphore_mem>>) src(%dma_wait3A_288 : memref<8x1024xf32, #tpu.memory_space<hbm>>) dst(%arg6 : memref<8x1024xf32, #tpu.memory_space<vmem>>)
    %dma_wait3A_289 = arith.constant 0 : i32
    %dma_wait3A_290 = tpu.memref_slice %arg2[%add3A_110, %dma_wait3A_289] : memref<32768x1024xf32, #tpu.memory_space<hbm>> -> memref<8x1024xf32, #tpu.memory_space<hbm>>
    %dma_wait3A_291 = arith.constant 0 : i32
    %dma_wait3A_292 = tpu.memref_slice %arg2[%add3A_110, %dma_wait3A_291] : memref<32768x1024xf32, #tpu.memory_space<hbm>> -> memref<8x1024xf32, #tpu.memory_space<hbm>>
    tpu.wait_dma2 semaphore(%arg24 : memref<!tpu.dma_semaphore, #tpu.memory_space<semaphore_mem>>) src(%dma_wait3A_292 : memref<8x1024xf32, #tpu.memory_space<hbm>>) dst(%arg7 : memref<8x1024xf32, #tpu.memory_space<vmem>>)
    %parallel_loop3A_293 = arith.constant 0 : i32
    %parallel_loop3A_294 = arith.constant 512 : i32
    %parallel_loop3A_295 = arith.constant 1 : i32
    %parallel_loop3A_296 = arith.constant 5.000000e-01 : f32
    scf.for %parallel_loop3A_553 = %parallel_loop3A_293 to %parallel_loop3A_294 step %parallel_loop3A_295  : i32 {
      %parallel_loop3A_554 = arith.constant 6 : i32
      %parallel_loop3A_555 = arith.shrsi %parallel_loop3A_553, %parallel_loop3A_554 : i32
      %parallel_loop3A_556 = arith.constant 63 : i32
      %parallel_loop3A_557 = arith.andi %parallel_loop3A_553, %parallel_loop3A_556 : i32
      %parallel_loop3A_558 = arith.constant 16 : i32
      %parallel_loop3A_559 = arith.muli %parallel_loop3A_557, %parallel_loop3A_558 : i32
      %parallel_loop3A_560 = arith.index_cast %parallel_loop3A_555 : i32 to index
      %parallel_loop3A_561 = arith.index_cast %parallel_loop3A_559 : i32 to index
      %parallel_loop3A_562 = tpu.vector_load %arg6[%parallel_loop3A_560, %parallel_loop3A_561] {strides = array<i32>} : memref<8x1024xf32, #tpu.memory_space<vmem>>, vector<1x16xf32>,
      %parallel_loop3A_563 = vector.shape_cast %parallel_loop3A_562 : vector<1x16xf32> to vector<16xf32>
      %parallel_loop3A_564 = arith.index_cast %parallel_loop3A_555 : i32 to index
      %parallel_loop3A_565 = arith.index_cast %parallel_loop3A_559 : i32 to index
      %parallel_loop3A_566 = tpu.vector_load %arg7[%parallel_loop3A_564, %parallel_loop3A_565] {strides = array<i32>} : memref<8x1024xf32, #tpu.memory_space<vmem>>, vector<1x16xf32>,
      %parallel_loop3A_567 = vector.shape_cast %parallel_loop3A_566 : vector<1x16xf32> to vector<16xf32>
      %parallel_loop3A_568 = arith.addf %parallel_loop3A_563, %parallel_loop3A_567 : vector<16xf32>
      %parallel_loop3A_569 = vector.broadcast %parallel_loop3A_296 : f32 to vector<16xf32>
      %parallel_loop3A_570 = arith.mulf %parallel_loop3A_568, %parallel_loop3A_569 : vector<16xf32>
      %parallel_loop3A_571 = arith.index_cast %parallel_loop3A_555 : i32 to index
      %parallel_loop3A_572 = arith.index_cast %parallel_loop3A_559 : i32 to index
      %parallel_loop3A_573 = tpu.vector_load %arg6[%parallel_loop3A_571, %parallel_loop3A_572] {strides = array<i32>} : memref<8x1024xf32, #tpu.memory_space<vmem>>, vector<1x16xf32>,
      %parallel_loop3A_574 = vector.shape_cast %parallel_loop3A_573 : vector<1x16xf32> to vector<16xf32>
      %parallel_loop3A_575 = vector.shape_cast %parallel_loop3A_570 : vector<16xf32> to vector<1x16xf32>
      tpu.vector_store %arg6[%parallel_loop3A_571, %parallel_loop3A_572], %parallel_loop3A_575 {strides = array<i32>} : memref<8x1024xf32, #tpu.memory_space<vmem>>, vector<1x16xf32>,
    } {sc.loop_unroll_factor = 4 : i64, sc.parallel_access}
    %add3A_297 = arith.constant 48 : i32
    %add3A_298 = arith.addi %mul3A_11, %add3A_297 : i32
    %dma_start3A_299 = arith.constant 0 : i32
    %dma_start3A_300 = tpu.memref_slice %arg4[%add3A_298, %dma_start3A_299] : memref<4096x1024xf32, #tpu.memory_space<hbm>> -> memref<8x1024xf32, #tpu.memory_space<hbm>>
    %dma_start3A_301 = arith.constant 0 : i32
    %dma_start3A_302 = tpu.memref_slice %arg4[%add3A_298, %dma_start3A_301] : memref<4096x1024xf32, #tpu.memory_space<hbm>> -> memref<8x1024xf32, #tpu.memory_space<hbm>>
    tpu.enqueue_dma source(%arg6 : memref<8x1024xf32, #tpu.memory_space<vmem>>) target(%dma_start3A_302 : memref<8x1024xf32, #tpu.memory_space<hbm>>) target_semaphore(%arg30 : memref<!tpu.dma_semaphore, #tpu.memory_space<semaphore_mem>>)
    %dma_wait3A_303 = arith.constant 0 : i32
    %dma_wait3A_304 = tpu.memref_slice %arg4[%add3A_298, %dma_wait3A_303] : memref<4096x1024xf32, #tpu.memory_space<hbm>> -> memref<8x1024xf32, #tpu.memory_space<hbm>>
    %dma_wait3A_305 = arith.constant 0 : i32
    %dma_wait3A_306 = tpu.memref_slice %arg4[%add3A_298, %dma_wait3A_305] : memref<4096x1024xf32, #tpu.memory_space<hbm>> -> memref<8x1024xf32, #tpu.memory_space<hbm>>
    tpu.wait_dma2 semaphore(%arg30 : memref<!tpu.dma_semaphore, #tpu.memory_space<semaphore_mem>>) src(%arg6 : memref<8x1024xf32, #tpu.memory_space<vmem>>) dst(%dma_wait3A_306 : memref<8x1024xf32, #tpu.memory_space<hbm>>)
    %add3A_307 = arith.constant 96 : i32
    %add3A_308 = arith.addi %add3A_7, %add3A_307 : i32
    %dma_start3A_309 = arith.constant 0 : i32
    %dma_start3A_310 = tpu.memref_slice %arg2[%add3A_308, %dma_start3A_309] : memref<32768x1024xf32, #tpu.memory_space<hbm>> -> memref<8x1024xf32, #tpu.memory_space<hbm>>
    %dma_start3A_311 = arith.constant 0 : i32
    %dma_start3A_312 = tpu.memref_slice %arg2[%add3A_308, %dma_start3A_311] : memref<32768x1024xf32, #tpu.memory_space<hbm>> -> memref<8x1024xf32, #tpu.memory_space<hbm>>
    tpu.enqueue_dma source(%dma_start3A_312 : memref<8x1024xf32, #tpu.memory_space<hbm>>) target(%arg6 : memref<8x1024xf32, #tpu.memory_space<vmem>>) target_semaphore(%arg18 : memref<!tpu.dma_semaphore, #tpu.memory_space<semaphore_mem>>)
    %add3A_313 = arith.constant 96 : i32
    %add3A_314 = arith.addi %add3A_9, %add3A_313 : i32
    %dma_start3A_315 = arith.constant 0 : i32
    %dma_start3A_316 = tpu.memref_slice %arg2[%add3A_314, %dma_start3A_315] : memref<32768x1024xf32, #tpu.memory_space<hbm>> -> memref<8x1024xf32, #tpu.memory_space<hbm>>
    %dma_start3A_317 = arith.constant 0 : i32
    %dma_start3A_318 = tpu.memref_slice %arg2[%add3A_314, %dma_start3A_317] : memref<32768x1024xf32, #tpu.memory_space<hbm>> -> memref<8x1024xf32, #tpu.memory_space<hbm>>
    tpu.enqueue_dma source(%dma_start3A_318 : memref<8x1024xf32, #tpu.memory_space<hbm>>) target(%arg7 : memref<8x1024xf32, #tpu.memory_space<vmem>>) target_semaphore(%arg24 : memref<!tpu.dma_semaphore, #tpu.memory_space<semaphore_mem>>)
    %dma_wait3A_319 = arith.constant 0 : i32
    %dma_wait3A_320 = tpu.memref_slice %arg2[%add3A_138, %dma_wait3A_319] : memref<32768x1024xf32, #tpu.memory_space<hbm>> -> memref<8x1024xf32, #tpu.memory_space<hbm>>
    %dma_wait3A_321 = arith.constant 0 : i32
    %dma_wait3A_322 = tpu.memref_slice %arg2[%add3A_138, %dma_wait3A_321] : memref<32768x1024xf32, #tpu.memory_space<hbm>> -> memref<8x1024xf32, #tpu.memory_space<hbm>>
    tpu.wait_dma2 semaphore(%arg19 : memref<!tpu.dma_semaphore, #tpu.memory_space<semaphore_mem>>) src(%dma_wait3A_322 : memref<8x1024xf32, #tpu.memory_space<hbm>>) dst(%arg8 : memref<8x1024xf32, #tpu.memory_space<vmem>>)
    %dma_wait3A_323 = arith.constant 0 : i32
    %dma_wait3A_324 = tpu.memref_slice %arg2[%add3A_144, %dma_wait3A_323] : memref<32768x1024xf32, #tpu.memory_space<hbm>> -> memref<8x1024xf32, #tpu.memory_space<hbm>>
    %dma_wait3A_325 = arith.constant 0 : i32
    %dma_wait3A_326 = tpu.memref_slice %arg2[%add3A_144, %dma_wait3A_325] : memref<32768x1024xf32, #tpu.memory_space<hbm>> -> memref<8x1024xf32, #tpu.memory_space<hbm>>
    tpu.wait_dma2 semaphore(%arg25 : memref<!tpu.dma_semaphore, #tpu.memory_space<semaphore_mem>>) src(%dma_wait3A_326 : memref<8x1024xf32, #tpu.memory_space<hbm>>) dst(%arg9 : memref<8x1024xf32, #tpu.memory_space<vmem>>)
    %parallel_loop3A_327 = arith.constant 0 : i32
    %parallel_loop3A_328 = arith.constant 512 : i32
    %parallel_loop3A_329 = arith.constant 1 : i32
    %parallel_loop3A_330 = arith.constant 5.000000e-01 : f32
    scf.for %parallel_loop3A_553 = %parallel_loop3A_327 to %parallel_loop3A_328 step %parallel_loop3A_329  : i32 {
      %parallel_loop3A_554 = arith.constant 6 : i32
      %parallel_loop3A_555 = arith.shrsi %parallel_loop3A_553, %parallel_loop3A_554 : i32
      %parallel_loop3A_556 = arith.constant 63 : i32
      %parallel_loop3A_557 = arith.andi %parallel_loop3A_553, %parallel_loop3A_556 : i32
      %parallel_loop3A_558 = arith.constant 16 : i32
      %parallel_loop3A_559 = arith.muli %parallel_loop3A_557, %parallel_loop3A_558 : i32
      %parallel_loop3A_560 = arith.index_cast %parallel_loop3A_555 : i32 to index
      %parallel_loop3A_561 = arith.index_cast %parallel_loop3A_559 : i32 to index
      %parallel_loop3A_562 = tpu.vector_load %arg8[%parallel_loop3A_560, %parallel_loop3A_561] {strides = array<i32>} : memref<8x1024xf32, #tpu.memory_space<vmem>>, vector<1x16xf32>,
      %parallel_loop3A_563 = vector.shape_cast %parallel_loop3A_562 : vector<1x16xf32> to vector<16xf32>
      %parallel_loop3A_564 = arith.index_cast %parallel_loop3A_555 : i32 to index
      %parallel_loop3A_565 = arith.index_cast %parallel_loop3A_559 : i32 to index
      %parallel_loop3A_566 = tpu.vector_load %arg9[%parallel_loop3A_564, %parallel_loop3A_565] {strides = array<i32>} : memref<8x1024xf32, #tpu.memory_space<vmem>>, vector<1x16xf32>,
      %parallel_loop3A_567 = vector.shape_cast %parallel_loop3A_566 : vector<1x16xf32> to vector<16xf32>
      %parallel_loop3A_568 = arith.addf %parallel_loop3A_563, %parallel_loop3A_567 : vector<16xf32>
      %parallel_loop3A_569 = vector.broadcast %parallel_loop3A_330 : f32 to vector<16xf32>
      %parallel_loop3A_570 = arith.mulf %parallel_loop3A_568, %parallel_loop3A_569 : vector<16xf32>
      %parallel_loop3A_571 = arith.index_cast %parallel_loop3A_555 : i32 to index
      %parallel_loop3A_572 = arith.index_cast %parallel_loop3A_559 : i32 to index
      %parallel_loop3A_573 = tpu.vector_load %arg8[%parallel_loop3A_571, %parallel_loop3A_572] {strides = array<i32>} : memref<8x1024xf32, #tpu.memory_space<vmem>>, vector<1x16xf32>,
      %parallel_loop3A_574 = vector.shape_cast %parallel_loop3A_573 : vector<1x16xf32> to vector<16xf32>
      %parallel_loop3A_575 = vector.shape_cast %parallel_loop3A_570 : vector<16xf32> to vector<1x16xf32>
      tpu.vector_store %arg8[%parallel_loop3A_571, %parallel_loop3A_572], %parallel_loop3A_575 {strides = array<i32>} : memref<8x1024xf32, #tpu.memory_space<vmem>>, vector<1x16xf32>,
    } {sc.loop_unroll_factor = 4 : i64, sc.parallel_access}
    %add3A_331 = arith.constant 56 : i32
    %add3A_332 = arith.addi %mul3A_11, %add3A_331 : i32
    %dma_start3A_333 = arith.constant 0 : i32
    %dma_start3A_334 = tpu.memref_slice %arg4[%add3A_332, %dma_start3A_333] : memref<4096x1024xf32, #tpu.memory_space<hbm>> -> memref<8x1024xf32, #tpu.memory_space<hbm>>
    %dma_start3A_335 = arith.constant 0 : i32
    %dma_start3A_336 = tpu.memref_slice %arg4[%add3A_332, %dma_start3A_335] : memref<4096x1024xf32, #tpu.memory_space<hbm>> -> memref<8x1024xf32, #tpu.memory_space<hbm>>
    tpu.enqueue_dma source(%arg8 : memref<8x1024xf32, #tpu.memory_space<vmem>>) target(%dma_start3A_336 : memref<8x1024xf32, #tpu.memory_space<hbm>>) target_semaphore(%arg31 : memref<!tpu.dma_semaphore, #tpu.memory_space<semaphore_mem>>)
    %dma_wait3A_337 = arith.constant 0 : i32
    %dma_wait3A_338 = tpu.memref_slice %arg4[%add3A_332, %dma_wait3A_337] : memref<4096x1024xf32, #tpu.memory_space<hbm>> -> memref<8x1024xf32, #tpu.memory_space<hbm>>
    %dma_wait3A_339 = arith.constant 0 : i32
    %dma_wait3A_340 = tpu.memref_slice %arg4[%add3A_332, %dma_wait3A_339] : memref<4096x1024xf32, #tpu.memory_space<hbm>> -> memref<8x1024xf32, #tpu.memory_space<hbm>>
    tpu.wait_dma2 semaphore(%arg31 : memref<!tpu.dma_semaphore, #tpu.memory_space<semaphore_mem>>) src(%arg8 : memref<8x1024xf32, #tpu.memory_space<vmem>>) dst(%dma_wait3A_340 : memref<8x1024xf32, #tpu.memory_space<hbm>>)
    %add3A_341 = arith.constant 104 : i32
    %add3A_342 = arith.addi %add3A_7, %add3A_341 : i32
    %dma_start3A_343 = arith.constant 0 : i32
    %dma_start3A_344 = tpu.memref_slice %arg2[%add3A_342, %dma_start3A_343] : memref<32768x1024xf32, #tpu.memory_space<hbm>> -> memref<8x1024xf32, #tpu.memory_space<hbm>>
    %dma_start3A_345 = arith.constant 0 : i32
    %dma_start3A_346 = tpu.memref_slice %arg2[%add3A_342, %dma_start3A_345] : memref<32768x1024xf32, #tpu.memory_space<hbm>> -> memref<8x1024xf32, #tpu.memory_space<hbm>>
    tpu.enqueue_dma source(%dma_start3A_346 : memref<8x1024xf32, #tpu.memory_space<hbm>>) target(%arg8 : memref<8x1024xf32, #tpu.memory_space<vmem>>) target_semaphore(%arg19 : memref<!tpu.dma_semaphore, #tpu.memory_space<semaphore_mem>>)
    %add3A_347 = arith.constant 104 : i32
    %add3A_348 = arith.addi %add3A_9, %add3A_347 : i32
    %dma_start3A_349 = arith.constant 0 : i32
    %dma_start3A_350 = tpu.memref_slice %arg2[%add3A_348, %dma_start3A_349] : memref<32768x1024xf32, #tpu.memory_space<hbm>> -> memref<8x1024xf32, #tpu.memory_space<hbm>>
    %dma_start3A_351 = arith.constant 0 : i32
    %dma_start3A_352 = tpu.memref_slice %arg2[%add3A_348, %dma_start3A_351] : memref<32768x1024xf32, #tpu.memory_space<hbm>> -> memref<8x1024xf32, #tpu.memory_space<hbm>>
    tpu.enqueue_dma source(%dma_start3A_352 : memref<8x1024xf32, #tpu.memory_space<hbm>>) target(%arg9 : memref<8x1024xf32, #tpu.memory_space<vmem>>) target_semaphore(%arg25 : memref<!tpu.dma_semaphore, #tpu.memory_space<semaphore_mem>>)
    %dma_wait3A_353 = arith.constant 0 : i32
    %dma_wait3A_354 = tpu.memref_slice %arg2[%add3A_172, %dma_wait3A_353] : memref<32768x1024xf32, #tpu.memory_space<hbm>> -> memref<8x1024xf32, #tpu.memory_space<hbm>>
    %dma_wait3A_355 = arith.constant 0 : i32
    %dma_wait3A_356 = tpu.memref_slice %arg2[%add3A_172, %dma_wait3A_355] : memref<32768x1024xf32, #tpu.memory_space<hbm>> -> memref<8x1024xf32, #tpu.memory_space<hbm>>
    tpu.wait_dma2 semaphore(%arg20 : memref<!tpu.dma_semaphore, #tpu.memory_space<semaphore_mem>>) src(%dma_wait3A_356 : memref<8x1024xf32, #tpu.memory_space<hbm>>) dst(%arg10 : memref<8x1024xf32, #tpu.memory_space<vmem>>)
    %dma_wait3A_357 = arith.constant 0 : i32
    %dma_wait3A_358 = tpu.memref_slice %arg2[%add3A_178, %dma_wait3A_357] : memref<32768x1024xf32, #tpu.memory_space<hbm>> -> memref<8x1024xf32, #tpu.memory_space<hbm>>
    %dma_wait3A_359 = arith.constant 0 : i32
    %dma_wait3A_360 = tpu.memref_slice %arg2[%add3A_178, %dma_wait3A_359] : memref<32768x1024xf32, #tpu.memory_space<hbm>> -> memref<8x1024xf32, #tpu.memory_space<hbm>>
    tpu.wait_dma2 semaphore(%arg26 : memref<!tpu.dma_semaphore, #tpu.memory_space<semaphore_mem>>) src(%dma_wait3A_360 : memref<8x1024xf32, #tpu.memory_space<hbm>>) dst(%arg11 : memref<8x1024xf32, #tpu.memory_space<vmem>>)
    %parallel_loop3A_361 = arith.constant 0 : i32
    %parallel_loop3A_362 = arith.constant 512 : i32
    %parallel_loop3A_363 = arith.constant 1 : i32
    %parallel_loop3A_364 = arith.constant 5.000000e-01 : f32
    scf.for %parallel_loop3A_553 = %parallel_loop3A_361 to %parallel_loop3A_362 step %parallel_loop3A_363  : i32 {
      %parallel_loop3A_554 = arith.constant 6 : i32
      %parallel_loop3A_555 = arith.shrsi %parallel_loop3A_553, %parallel_loop3A_554 : i32
      %parallel_loop3A_556 = arith.constant 63 : i32
      %parallel_loop3A_557 = arith.andi %parallel_loop3A_553, %parallel_loop3A_556 : i32
      %parallel_loop3A_558 = arith.constant 16 : i32
      %parallel_loop3A_559 = arith.muli %parallel_loop3A_557, %parallel_loop3A_558 : i32
      %parallel_loop3A_560 = arith.index_cast %parallel_loop3A_555 : i32 to index
      %parallel_loop3A_561 = arith.index_cast %parallel_loop3A_559 : i32 to index
      %parallel_loop3A_562 = tpu.vector_load %arg10[%parallel_loop3A_560, %parallel_loop3A_561] {strides = array<i32>} : memref<8x1024xf32, #tpu.memory_space<vmem>>, vector<1x16xf32>,
      %parallel_loop3A_563 = vector.shape_cast %parallel_loop3A_562 : vector<1x16xf32> to vector<16xf32>
      %parallel_loop3A_564 = arith.index_cast %parallel_loop3A_555 : i32 to index
      %parallel_loop3A_565 = arith.index_cast %parallel_loop3A_559 : i32 to index
      %parallel_loop3A_566 = tpu.vector_load %arg11[%parallel_loop3A_564, %parallel_loop3A_565] {strides = array<i32>} : memref<8x1024xf32, #tpu.memory_space<vmem>>, vector<1x16xf32>,
      %parallel_loop3A_567 = vector.shape_cast %parallel_loop3A_566 : vector<1x16xf32> to vector<16xf32>
      %parallel_loop3A_568 = arith.addf %parallel_loop3A_563, %parallel_loop3A_567 : vector<16xf32>
      %parallel_loop3A_569 = vector.broadcast %parallel_loop3A_364 : f32 to vector<16xf32>
      %parallel_loop3A_570 = arith.mulf %parallel_loop3A_568, %parallel_loop3A_569 : vector<16xf32>
      %parallel_loop3A_571 = arith.index_cast %parallel_loop3A_555 : i32 to index
      %parallel_loop3A_572 = arith.index_cast %parallel_loop3A_559 : i32 to index
      %parallel_loop3A_573 = tpu.vector_load %arg10[%parallel_loop3A_571, %parallel_loop3A_572] {strides = array<i32>} : memref<8x1024xf32, #tpu.memory_space<vmem>>, vector<1x16xf32>,
      %parallel_loop3A_574 = vector.shape_cast %parallel_loop3A_573 : vector<1x16xf32> to vector<16xf32>
      %parallel_loop3A_575 = vector.shape_cast %parallel_loop3A_570 : vector<16xf32> to vector<1x16xf32>
      tpu.vector_store %arg10[%parallel_loop3A_571, %parallel_loop3A_572], %parallel_loop3A_575 {strides = array<i32>} : memref<8x1024xf32, #tpu.memory_space<vmem>>, vector<1x16xf32>,
    } {sc.loop_unroll_factor = 4 : i64, sc.parallel_access}
    %add3A_365 = arith.constant 64 : i32
    %add3A_366 = arith.addi %mul3A_11, %add3A_365 : i32
    %dma_start3A_367 = arith.constant 0 : i32
    %dma_start3A_368 = tpu.memref_slice %arg4[%add3A_366, %dma_start3A_367] : memref<4096x1024xf32, #tpu.memory_space<hbm>> -> memref<8x1024xf32, #tpu.memory_space<hbm>>
    %dma_start3A_369 = arith.constant 0 : i32
    %dma_start3A_370 = tpu.memref_slice %arg4[%add3A_366, %dma_start3A_369] : memref<4096x1024xf32, #tpu.memory_space<hbm>> -> memref<8x1024xf32, #tpu.memory_space<hbm>>
    tpu.enqueue_dma source(%arg10 : memref<8x1024xf32, #tpu.memory_space<vmem>>) target(%dma_start3A_370 : memref<8x1024xf32, #tpu.memory_space<hbm>>) target_semaphore(%arg32 : memref<!tpu.dma_semaphore, #tpu.memory_space<semaphore_mem>>)
    %dma_wait3A_371 = arith.constant 0 : i32
    %dma_wait3A_372 = tpu.memref_slice %arg4[%add3A_366, %dma_wait3A_371] : memref<4096x1024xf32, #tpu.memory_space<hbm>> -> memref<8x1024xf32, #tpu.memory_space<hbm>>
    %dma_wait3A_373 = arith.constant 0 : i32
    %dma_wait3A_374 = tpu.memref_slice %arg4[%add3A_366, %dma_wait3A_373] : memref<4096x1024xf32, #tpu.memory_space<hbm>> -> memref<8x1024xf32, #tpu.memory_space<hbm>>
    tpu.wait_dma2 semaphore(%arg32 : memref<!tpu.dma_semaphore, #tpu.memory_space<semaphore_mem>>) src(%arg10 : memref<8x1024xf32, #tpu.memory_space<vmem>>) dst(%dma_wait3A_374 : memref<8x1024xf32, #tpu.memory_space<hbm>>)
    %add3A_375 = arith.constant 112 : i32
    %add3A_376 = arith.addi %add3A_7, %add3A_375 : i32
    %dma_start3A_377 = arith.constant 0 : i32
    %dma_start3A_378 = tpu.memref_slice %arg2[%add3A_376, %dma_start3A_377] : memref<32768x1024xf32, #tpu.memory_space<hbm>> -> memref<8x1024xf32, #tpu.memory_space<hbm>>
    %dma_start3A_379 = arith.constant 0 : i32
    %dma_start3A_380 = tpu.memref_slice %arg2[%add3A_376, %dma_start3A_379] : memref<32768x1024xf32, #tpu.memory_space<hbm>> -> memref<8x1024xf32, #tpu.memory_space<hbm>>
    tpu.enqueue_dma source(%dma_start3A_380 : memref<8x1024xf32, #tpu.memory_space<hbm>>) target(%arg10 : memref<8x1024xf32, #tpu.memory_space<vmem>>) target_semaphore(%arg20 : memref<!tpu.dma_semaphore, #tpu.memory_space<semaphore_mem>>)
    %add3A_381 = arith.constant 112 : i32
    %add3A_382 = arith.addi %add3A_9, %add3A_381 : i32
    %dma_start3A_383 = arith.constant 0 : i32
    %dma_start3A_384 = tpu.memref_slice %arg2[%add3A_382, %dma_start3A_383] : memref<32768x1024xf32, #tpu.memory_space<hbm>> -> memref<8x1024xf32, #tpu.memory_space<hbm>>
    %dma_start3A_385 = arith.constant 0 : i32
    %dma_start3A_386 = tpu.memref_slice %arg2[%add3A_382, %dma_start3A_385] : memref<32768x1024xf32, #tpu.memory_space<hbm>> -> memref<8x1024xf32, #tpu.memory_space<hbm>>
    tpu.enqueue_dma source(%dma_start3A_386 : memref<8x1024xf32, #tpu.memory_space<hbm>>) target(%arg11 : memref<8x1024xf32, #tpu.memory_space<vmem>>) target_semaphore(%arg26 : memref<!tpu.dma_semaphore, #tpu.memory_space<semaphore_mem>>)
    %dma_wait3A_387 = arith.constant 0 : i32
    %dma_wait3A_388 = tpu.memref_slice %arg2[%add3A_206, %dma_wait3A_387] : memref<32768x1024xf32, #tpu.memory_space<hbm>> -> memref<8x1024xf32, #tpu.memory_space<hbm>>
    %dma_wait3A_389 = arith.constant 0 : i32
    %dma_wait3A_390 = tpu.memref_slice %arg2[%add3A_206, %dma_wait3A_389] : memref<32768x1024xf32, #tpu.memory_space<hbm>> -> memref<8x1024xf32, #tpu.memory_space<hbm>>
    tpu.wait_dma2 semaphore(%arg21 : memref<!tpu.dma_semaphore, #tpu.memory_space<semaphore_mem>>) src(%dma_wait3A_390 : memref<8x1024xf32, #tpu.memory_space<hbm>>) dst(%arg12 : memref<8x1024xf32, #tpu.memory_space<vmem>>)
    %dma_wait3A_391 = arith.constant 0 : i32
    %dma_wait3A_392 = tpu.memref_slice %arg2[%add3A_212, %dma_wait3A_391] : memref<32768x1024xf32, #tpu.memory_space<hbm>> -> memref<8x1024xf32, #tpu.memory_space<hbm>>
    %dma_wait3A_393 = arith.constant 0 : i32
    %dma_wait3A_394 = tpu.memref_slice %arg2[%add3A_212, %dma_wait3A_393] : memref<32768x1024xf32, #tpu.memory_space<hbm>> -> memref<8x1024xf32, #tpu.memory_space<hbm>>
    tpu.wait_dma2 semaphore(%arg27 : memref<!tpu.dma_semaphore, #tpu.memory_space<semaphore_mem>>) src(%dma_wait3A_394 : memref<8x1024xf32, #tpu.memory_space<hbm>>) dst(%arg13 : memref<8x1024xf32, #tpu.memory_space<vmem>>)
    %parallel_loop3A_395 = arith.constant 0 : i32
    %parallel_loop3A_396 = arith.constant 512 : i32
    %parallel_loop3A_397 = arith.constant 1 : i32
    %parallel_loop3A_398 = arith.constant 5.000000e-01 : f32
    scf.for %parallel_loop3A_553 = %parallel_loop3A_395 to %parallel_loop3A_396 step %parallel_loop3A_397  : i32 {
      %parallel_loop3A_554 = arith.constant 6 : i32
      %parallel_loop3A_555 = arith.shrsi %parallel_loop3A_553, %parallel_loop3A_554 : i32
      %parallel_loop3A_556 = arith.constant 63 : i32
      %parallel_loop3A_557 = arith.andi %parallel_loop3A_553, %parallel_loop3A_556 : i32
      %parallel_loop3A_558 = arith.constant 16 : i32
      %parallel_loop3A_559 = arith.muli %parallel_loop3A_557, %parallel_loop3A_558 : i32
      %parallel_loop3A_560 = arith.index_cast %parallel_loop3A_555 : i32 to index
      %parallel_loop3A_561 = arith.index_cast %parallel_loop3A_559 : i32 to index
      %parallel_loop3A_562 = tpu.vector_load %arg12[%parallel_loop3A_560, %parallel_loop3A_561] {strides = array<i32>} : memref<8x1024xf32, #tpu.memory_space<vmem>>, vector<1x16xf32>,
      %parallel_loop3A_563 = vector.shape_cast %parallel_loop3A_562 : vector<1x16xf32> to vector<16xf32>
      %parallel_loop3A_564 = arith.index_cast %parallel_loop3A_555 : i32 to index
      %parallel_loop3A_565 = arith.index_cast %parallel_loop3A_559 : i32 to index
      %parallel_loop3A_566 = tpu.vector_load %arg13[%parallel_loop3A_564, %parallel_loop3A_565] {strides = array<i32>} : memref<8x1024xf32, #tpu.memory_space<vmem>>, vector<1x16xf32>,
      %parallel_loop3A_567 = vector.shape_cast %parallel_loop3A_566 : vector<1x16xf32> to vector<16xf32>
      %parallel_loop3A_568 = arith.addf %parallel_loop3A_563, %parallel_loop3A_567 : vector<16xf32>
      %parallel_loop3A_569 = vector.broadcast %parallel_loop3A_398 : f32 to vector<16xf32>
      %parallel_loop3A_570 = arith.mulf %parallel_loop3A_568, %parallel_loop3A_569 : vector<16xf32>
      %parallel_loop3A_571 = arith.index_cast %parallel_loop3A_555 : i32 to index
      %parallel_loop3A_572 = arith.index_cast %parallel_loop3A_559 : i32 to index
      %parallel_loop3A_573 = tpu.vector_load %arg12[%parallel_loop3A_571, %parallel_loop3A_572] {strides = array<i32>} : memref<8x1024xf32, #tpu.memory_space<vmem>>, vector<1x16xf32>,
      %parallel_loop3A_574 = vector.shape_cast %parallel_loop3A_573 : vector<1x16xf32> to vector<16xf32>
      %parallel_loop3A_575 = vector.shape_cast %parallel_loop3A_570 : vector<16xf32> to vector<1x16xf32>
      tpu.vector_store %arg12[%parallel_loop3A_571, %parallel_loop3A_572], %parallel_loop3A_575 {strides = array<i32>} : memref<8x1024xf32, #tpu.memory_space<vmem>>, vector<1x16xf32>,
    } {sc.loop_unroll_factor = 4 : i64, sc.parallel_access}
    %add3A_399 = arith.constant 72 : i32
    %add3A_400 = arith.addi %mul3A_11, %add3A_399 : i32
    %dma_start3A_401 = arith.constant 0 : i32
    %dma_start3A_402 = tpu.memref_slice %arg4[%add3A_400, %dma_start3A_401] : memref<4096x1024xf32, #tpu.memory_space<hbm>> -> memref<8x1024xf32, #tpu.memory_space<hbm>>
    %dma_start3A_403 = arith.constant 0 : i32
    %dma_start3A_404 = tpu.memref_slice %arg4[%add3A_400, %dma_start3A_403] : memref<4096x1024xf32, #tpu.memory_space<hbm>> -> memref<8x1024xf32, #tpu.memory_space<hbm>>
    tpu.enqueue_dma source(%arg12 : memref<8x1024xf32, #tpu.memory_space<vmem>>) target(%dma_start3A_404 : memref<8x1024xf32, #tpu.memory_space<hbm>>) target_semaphore(%arg33 : memref<!tpu.dma_semaphore, #tpu.memory_space<semaphore_mem>>)
    %dma_wait3A_405 = arith.constant 0 : i32
    %dma_wait3A_406 = tpu.memref_slice %arg4[%add3A_400, %dma_wait3A_405] : memref<4096x1024xf32, #tpu.memory_space<hbm>> -> memref<8x1024xf32, #tpu.memory_space<hbm>>
    %dma_wait3A_407 = arith.constant 0 : i32
    %dma_wait3A_408 = tpu.memref_slice %arg4[%add3A_400, %dma_wait3A_407] : memref<4096x1024xf32, #tpu.memory_space<hbm>> -> memref<8x1024xf32, #tpu.memory_space<hbm>>
    tpu.wait_dma2 semaphore(%arg33 : memref<!tpu.dma_semaphore, #tpu.memory_space<semaphore_mem>>) src(%arg12 : memref<8x1024xf32, #tpu.memory_space<vmem>>) dst(%dma_wait3A_408 : memref<8x1024xf32, #tpu.memory_space<hbm>>)
    %add3A_409 = arith.constant 120 : i32
    %add3A_410 = arith.addi %add3A_7, %add3A_409 : i32
    %dma_start3A_411 = arith.constant 0 : i32
    %dma_start3A_412 = tpu.memref_slice %arg2[%add3A_410, %dma_start3A_411] : memref<32768x1024xf32, #tpu.memory_space<hbm>> -> memref<8x1024xf32, #tpu.memory_space<hbm>>
    %dma_start3A_413 = arith.constant 0 : i32
    %dma_start3A_414 = tpu.memref_slice %arg2[%add3A_410, %dma_start3A_413] : memref<32768x1024xf32, #tpu.memory_space<hbm>> -> memref<8x1024xf32, #tpu.memory_space<hbm>>
    tpu.enqueue_dma source(%dma_start3A_414 : memref<8x1024xf32, #tpu.memory_space<hbm>>) target(%arg12 : memref<8x1024xf32, #tpu.memory_space<vmem>>) target_semaphore(%arg21 : memref<!tpu.dma_semaphore, #tpu.memory_space<semaphore_mem>>)
    %add3A_415 = arith.constant 120 : i32
    %add3A_416 = arith.addi %add3A_9, %add3A_415 : i32
    %dma_start3A_417 = arith.constant 0 : i32
    %dma_start3A_418 = tpu.memref_slice %arg2[%add3A_416, %dma_start3A_417] : memref<32768x1024xf32, #tpu.memory_space<hbm>> -> memref<8x1024xf32, #tpu.memory_space<hbm>>
    %dma_start3A_419 = arith.constant 0 : i32
    %dma_start3A_420 = tpu.memref_slice %arg2[%add3A_416, %dma_start3A_419] : memref<32768x1024xf32, #tpu.memory_space<hbm>> -> memref<8x1024xf32, #tpu.memory_space<hbm>>
    tpu.enqueue_dma source(%dma_start3A_420 : memref<8x1024xf32, #tpu.memory_space<hbm>>) target(%arg13 : memref<8x1024xf32, #tpu.memory_space<vmem>>) target_semaphore(%arg27 : memref<!tpu.dma_semaphore, #tpu.memory_space<semaphore_mem>>)
    %dma_wait3A_421 = arith.constant 0 : i32
    %dma_wait3A_422 = tpu.memref_slice %arg2[%add3A_240, %dma_wait3A_421] : memref<32768x1024xf32, #tpu.memory_space<hbm>> -> memref<8x1024xf32, #tpu.memory_space<hbm>>
    %dma_wait3A_423 = arith.constant 0 : i32
    %dma_wait3A_424 = tpu.memref_slice %arg2[%add3A_240, %dma_wait3A_423] : memref<32768x1024xf32, #tpu.memory_space<hbm>> -> memref<8x1024xf32, #tpu.memory_space<hbm>>
    tpu.wait_dma2 semaphore(%arg22 : memref<!tpu.dma_semaphore, #tpu.memory_space<semaphore_mem>>) src(%dma_wait3A_424 : memref<8x1024xf32, #tpu.memory_space<hbm>>) dst(%arg14 : memref<8x1024xf32, #tpu.memory_space<vmem>>)
    %dma_wait3A_425 = arith.constant 0 : i32
    %dma_wait3A_426 = tpu.memref_slice %arg2[%add3A_246, %dma_wait3A_425] : memref<32768x1024xf32, #tpu.memory_space<hbm>> -> memref<8x1024xf32, #tpu.memory_space<hbm>>
    %dma_wait3A_427 = arith.constant 0 : i32
    %dma_wait3A_428 = tpu.memref_slice %arg2[%add3A_246, %dma_wait3A_427] : memref<32768x1024xf32, #tpu.memory_space<hbm>> -> memref<8x1024xf32, #tpu.memory_space<hbm>>
    tpu.wait_dma2 semaphore(%arg28 : memref<!tpu.dma_semaphore, #tpu.memory_space<semaphore_mem>>) src(%dma_wait3A_428 : memref<8x1024xf32, #tpu.memory_space<hbm>>) dst(%arg15 : memref<8x1024xf32, #tpu.memory_space<vmem>>)
    %parallel_loop3A_429 = arith.constant 0 : i32
    %parallel_loop3A_430 = arith.constant 512 : i32
    %parallel_loop3A_431 = arith.constant 1 : i32
    %parallel_loop3A_432 = arith.constant 5.000000e-01 : f32
    scf.for %parallel_loop3A_553 = %parallel_loop3A_429 to %parallel_loop3A_430 step %parallel_loop3A_431  : i32 {
      %parallel_loop3A_554 = arith.constant 6 : i32
      %parallel_loop3A_555 = arith.shrsi %parallel_loop3A_553, %parallel_loop3A_554 : i32
      %parallel_loop3A_556 = arith.constant 63 : i32
      %parallel_loop3A_557 = arith.andi %parallel_loop3A_553, %parallel_loop3A_556 : i32
      %parallel_loop3A_558 = arith.constant 16 : i32
      %parallel_loop3A_559 = arith.muli %parallel_loop3A_557, %parallel_loop3A_558 : i32
      %parallel_loop3A_560 = arith.index_cast %parallel_loop3A_555 : i32 to index
      %parallel_loop3A_561 = arith.index_cast %parallel_loop3A_559 : i32 to index
      %parallel_loop3A_562 = tpu.vector_load %arg14[%parallel_loop3A_560, %parallel_loop3A_561] {strides = array<i32>} : memref<8x1024xf32, #tpu.memory_space<vmem>>, vector<1x16xf32>,
      %parallel_loop3A_563 = vector.shape_cast %parallel_loop3A_562 : vector<1x16xf32> to vector<16xf32>
      %parallel_loop3A_564 = arith.index_cast %parallel_loop3A_555 : i32 to index
      %parallel_loop3A_565 = arith.index_cast %parallel_loop3A_559 : i32 to index
      %parallel_loop3A_566 = tpu.vector_load %arg15[%parallel_loop3A_564, %parallel_loop3A_565] {strides = array<i32>} : memref<8x1024xf32, #tpu.memory_space<vmem>>, vector<1x16xf32>,
      %parallel_loop3A_567 = vector.shape_cast %parallel_loop3A_566 : vector<1x16xf32> to vector<16xf32>
      %parallel_loop3A_568 = arith.addf %parallel_loop3A_563, %parallel_loop3A_567 : vector<16xf32>
      %parallel_loop3A_569 = vector.broadcast %parallel_loop3A_432 : f32 to vector<16xf32>
      %parallel_loop3A_570 = arith.mulf %parallel_loop3A_568, %parallel_loop3A_569 : vector<16xf32>
      %parallel_loop3A_571 = arith.index_cast %parallel_loop3A_555 : i32 to index
      %parallel_loop3A_572 = arith.index_cast %parallel_loop3A_559 : i32 to index
      %parallel_loop3A_573 = tpu.vector_load %arg14[%parallel_loop3A_571, %parallel_loop3A_572] {strides = array<i32>} : memref<8x1024xf32, #tpu.memory_space<vmem>>, vector<1x16xf32>,
      %parallel_loop3A_574 = vector.shape_cast %parallel_loop3A_573 : vector<1x16xf32> to vector<16xf32>
      %parallel_loop3A_575 = vector.shape_cast %parallel_loop3A_570 : vector<16xf32> to vector<1x16xf32>
      tpu.vector_store %arg14[%parallel_loop3A_571, %parallel_loop3A_572], %parallel_loop3A_575 {strides = array<i32>} : memref<8x1024xf32, #tpu.memory_space<vmem>>, vector<1x16xf32>,
    } {sc.loop_unroll_factor = 4 : i64, sc.parallel_access}
    %add3A_433 = arith.constant 80 : i32
    %add3A_434 = arith.addi %mul3A_11, %add3A_433 : i32
    %dma_start3A_435 = arith.constant 0 : i32
    %dma_start3A_436 = tpu.memref_slice %arg4[%add3A_434, %dma_start3A_435] : memref<4096x1024xf32, #tpu.memory_space<hbm>> -> memref<8x1024xf32, #tpu.memory_space<hbm>>
    %dma_start3A_437 = arith.constant 0 : i32
    %dma_start3A_438 = tpu.memref_slice %arg4[%add3A_434, %dma_start3A_437] : memref<4096x1024xf32, #tpu.memory_space<hbm>> -> memref<8x1024xf32, #tpu.memory_space<hbm>>
    tpu.enqueue_dma source(%arg14 : memref<8x1024xf32, #tpu.memory_space<vmem>>) target(%dma_start3A_438 : memref<8x1024xf32, #tpu.memory_space<hbm>>) target_semaphore(%arg34 : memref<!tpu.dma_semaphore, #tpu.memory_space<semaphore_mem>>)
    %dma_wait3A_439 = arith.constant 0 : i32
    %dma_wait3A_440 = tpu.memref_slice %arg2[%add3A_274, %dma_wait3A_439] : memref<32768x1024xf32, #tpu.memory_space<hbm>> -> memref<8x1024xf32, #tpu.memory_space<hbm>>
    %dma_wait3A_441 = arith.constant 0 : i32
    %dma_wait3A_442 = tpu.memref_slice %arg2[%add3A_274, %dma_wait3A_441] : memref<32768x1024xf32, #tpu.memory_space<hbm>> -> memref<8x1024xf32, #tpu.memory_space<hbm>>
    tpu.wait_dma2 semaphore(%arg23 : memref<!tpu.dma_semaphore, #tpu.memory_space<semaphore_mem>>) src(%dma_wait3A_442 : memref<8x1024xf32, #tpu.memory_space<hbm>>) dst(%arg16 : memref<8x1024xf32, #tpu.memory_space<vmem>>)
    %dma_wait3A_443 = arith.constant 0 : i32
    %dma_wait3A_444 = tpu.memref_slice %arg2[%add3A_280, %dma_wait3A_443] : memref<32768x1024xf32, #tpu.memory_space<hbm>> -> memref<8x1024xf32, #tpu.memory_space<hbm>>
    %dma_wait3A_445 = arith.constant 0 : i32
    %dma_wait3A_446 = tpu.memref_slice %arg2[%add3A_280, %dma_wait3A_445] : memref<32768x1024xf32, #tpu.memory_space<hbm>> -> memref<8x1024xf32, #tpu.memory_space<hbm>>
    tpu.wait_dma2 semaphore(%arg29 : memref<!tpu.dma_semaphore, #tpu.memory_space<semaphore_mem>>) src(%dma_wait3A_446 : memref<8x1024xf32, #tpu.memory_space<hbm>>) dst(%arg17 : memref<8x1024xf32, #tpu.memory_space<vmem>>)
    %parallel_loop3A_447 = arith.constant 0 : i32
    %parallel_loop3A_448 = arith.constant 512 : i32
    %parallel_loop3A_449 = arith.constant 1 : i32
    %parallel_loop3A_450 = arith.constant 5.000000e-01 : f32
    scf.for %parallel_loop3A_553 = %parallel_loop3A_447 to %parallel_loop3A_448 step %parallel_loop3A_449  : i32 {
      %parallel_loop3A_554 = arith.constant 6 : i32
      %parallel_loop3A_555 = arith.shrsi %parallel_loop3A_553, %parallel_loop3A_554 : i32
      %parallel_loop3A_556 = arith.constant 63 : i32
      %parallel_loop3A_557 = arith.andi %parallel_loop3A_553, %parallel_loop3A_556 : i32
      %parallel_loop3A_558 = arith.constant 16 : i32
      %parallel_loop3A_559 = arith.muli %parallel_loop3A_557, %parallel_loop3A_558 : i32
      %parallel_loop3A_560 = arith.index_cast %parallel_loop3A_555 : i32 to index
      %parallel_loop3A_561 = arith.index_cast %parallel_loop3A_559 : i32 to index
      %parallel_loop3A_562 = tpu.vector_load %arg16[%parallel_loop3A_560, %parallel_loop3A_561] {strides = array<i32>} : memref<8x1024xf32, #tpu.memory_space<vmem>>, vector<1x16xf32>,
      %parallel_loop3A_563 = vector.shape_cast %parallel_loop3A_562 : vector<1x16xf32> to vector<16xf32>
      %parallel_loop3A_564 = arith.index_cast %parallel_loop3A_555 : i32 to index
      %parallel_loop3A_565 = arith.index_cast %parallel_loop3A_559 : i32 to index
      %parallel_loop3A_566 = tpu.vector_load %arg17[%parallel_loop3A_564, %parallel_loop3A_565] {strides = array<i32>} : memref<8x1024xf32, #tpu.memory_space<vmem>>, vector<1x16xf32>,
      %parallel_loop3A_567 = vector.shape_cast %parallel_loop3A_566 : vector<1x16xf32> to vector<16xf32>
      %parallel_loop3A_568 = arith.addf %parallel_loop3A_563, %parallel_loop3A_567 : vector<16xf32>
      %parallel_loop3A_569 = vector.broadcast %parallel_loop3A_450 : f32 to vector<16xf32>
      %parallel_loop3A_570 = arith.mulf %parallel_loop3A_568, %parallel_loop3A_569 : vector<16xf32>
      %parallel_loop3A_571 = arith.index_cast %parallel_loop3A_555 : i32 to index
      %parallel_loop3A_572 = arith.index_cast %parallel_loop3A_559 : i32 to index
      %parallel_loop3A_573 = tpu.vector_load %arg16[%parallel_loop3A_571, %parallel_loop3A_572] {strides = array<i32>} : memref<8x1024xf32, #tpu.memory_space<vmem>>, vector<1x16xf32>,
      %parallel_loop3A_574 = vector.shape_cast %parallel_loop3A_573 : vector<1x16xf32> to vector<16xf32>
      %parallel_loop3A_575 = vector.shape_cast %parallel_loop3A_570 : vector<16xf32> to vector<1x16xf32>
      tpu.vector_store %arg16[%parallel_loop3A_571, %parallel_loop3A_572], %parallel_loop3A_575 {strides = array<i32>} : memref<8x1024xf32, #tpu.memory_space<vmem>>, vector<1x16xf32>,
    } {sc.loop_unroll_factor = 4 : i64, sc.parallel_access}
    %add3A_451 = arith.constant 88 : i32
    %add3A_452 = arith.addi %mul3A_11, %add3A_451 : i32
    %dma_start3A_453 = arith.constant 0 : i32
    %dma_start3A_454 = tpu.memref_slice %arg4[%add3A_452, %dma_start3A_453] : memref<4096x1024xf32, #tpu.memory_space<hbm>> -> memref<8x1024xf32, #tpu.memory_space<hbm>>
    %dma_start3A_455 = arith.constant 0 : i32
    %dma_start3A_456 = tpu.memref_slice %arg4[%add3A_452, %dma_start3A_455] : memref<4096x1024xf32, #tpu.memory_space<hbm>> -> memref<8x1024xf32, #tpu.memory_space<hbm>>
    tpu.enqueue_dma source(%arg16 : memref<8x1024xf32, #tpu.memory_space<vmem>>) target(%dma_start3A_456 : memref<8x1024xf32, #tpu.memory_space<hbm>>) target_semaphore(%arg35 : memref<!tpu.dma_semaphore, #tpu.memory_space<semaphore_mem>>)
    %dma_wait3A_457 = arith.constant 0 : i32
    %dma_wait3A_458 = tpu.memref_slice %arg2[%add3A_308, %dma_wait3A_457] : memref<32768x1024xf32, #tpu.memory_space<hbm>> -> memref<8x1024xf32, #tpu.memory_space<hbm>>
    %dma_wait3A_459 = arith.constant 0 : i32
    %dma_wait3A_460 = tpu.memref_slice %arg2[%add3A_308, %dma_wait3A_459] : memref<32768x1024xf32, #tpu.memory_space<hbm>> -> memref<8x1024xf32, #tpu.memory_space<hbm>>
    tpu.wait_dma2 semaphore(%arg18 : memref<!tpu.dma_semaphore, #tpu.memory_space<semaphore_mem>>) src(%dma_wait3A_460 : memref<8x1024xf32, #tpu.memory_space<hbm>>) dst(%arg6 : memref<8x1024xf32, #tpu.memory_space<vmem>>)
    %dma_wait3A_461 = arith.constant 0 : i32
    %dma_wait3A_462 = tpu.memref_slice %arg2[%add3A_314, %dma_wait3A_461] : memref<32768x1024xf32, #tpu.memory_space<hbm>> -> memref<8x1024xf32, #tpu.memory_space<hbm>>
    %dma_wait3A_463 = arith.constant 0 : i32
    %dma_wait3A_464 = tpu.memref_slice %arg2[%add3A_314, %dma_wait3A_463] : memref<32768x1024xf32, #tpu.memory_space<hbm>> -> memref<8x1024xf32, #tpu.memory_space<hbm>>
    tpu.wait_dma2 semaphore(%arg24 : memref<!tpu.dma_semaphore, #tpu.memory_space<semaphore_mem>>) src(%dma_wait3A_464 : memref<8x1024xf32, #tpu.memory_space<hbm>>) dst(%arg7 : memref<8x1024xf32, #tpu.memory_space<vmem>>)
    %parallel_loop3A_465 = arith.constant 0 : i32
    %parallel_loop3A_466 = arith.constant 512 : i32
    %parallel_loop3A_467 = arith.constant 1 : i32
    %parallel_loop3A_468 = arith.constant 5.000000e-01 : f32
    scf.for %parallel_loop3A_553 = %parallel_loop3A_465 to %parallel_loop3A_466 step %parallel_loop3A_467  : i32 {
      %parallel_loop3A_554 = arith.constant 6 : i32
      %parallel_loop3A_555 = arith.shrsi %parallel_loop3A_553, %parallel_loop3A_554 : i32
      %parallel_loop3A_556 = arith.constant 63 : i32
      %parallel_loop3A_557 = arith.andi %parallel_loop3A_553, %parallel_loop3A_556 : i32
      %parallel_loop3A_558 = arith.constant 16 : i32
      %parallel_loop3A_559 = arith.muli %parallel_loop3A_557, %parallel_loop3A_558 : i32
      %parallel_loop3A_560 = arith.index_cast %parallel_loop3A_555 : i32 to index
      %parallel_loop3A_561 = arith.index_cast %parallel_loop3A_559 : i32 to index
      %parallel_loop3A_562 = tpu.vector_load %arg6[%parallel_loop3A_560, %parallel_loop3A_561] {strides = array<i32>} : memref<8x1024xf32, #tpu.memory_space<vmem>>, vector<1x16xf32>,
      %parallel_loop3A_563 = vector.shape_cast %parallel_loop3A_562 : vector<1x16xf32> to vector<16xf32>
      %parallel_loop3A_564 = arith.index_cast %parallel_loop3A_555 : i32 to index
      %parallel_loop3A_565 = arith.index_cast %parallel_loop3A_559 : i32 to index
      %parallel_loop3A_566 = tpu.vector_load %arg7[%parallel_loop3A_564, %parallel_loop3A_565] {strides = array<i32>} : memref<8x1024xf32, #tpu.memory_space<vmem>>, vector<1x16xf32>,
      %parallel_loop3A_567 = vector.shape_cast %parallel_loop3A_566 : vector<1x16xf32> to vector<16xf32>
      %parallel_loop3A_568 = arith.addf %parallel_loop3A_563, %parallel_loop3A_567 : vector<16xf32>
      %parallel_loop3A_569 = vector.broadcast %parallel_loop3A_468 : f32 to vector<16xf32>
      %parallel_loop3A_570 = arith.mulf %parallel_loop3A_568, %parallel_loop3A_569 : vector<16xf32>
      %parallel_loop3A_571 = arith.index_cast %parallel_loop3A_555 : i32 to index
      %parallel_loop3A_572 = arith.index_cast %parallel_loop3A_559 : i32 to index
      %parallel_loop3A_573 = tpu.vector_load %arg6[%parallel_loop3A_571, %parallel_loop3A_572] {strides = array<i32>} : memref<8x1024xf32, #tpu.memory_space<vmem>>, vector<1x16xf32>,
      %parallel_loop3A_574 = vector.shape_cast %parallel_loop3A_573 : vector<1x16xf32> to vector<16xf32>
      %parallel_loop3A_575 = vector.shape_cast %parallel_loop3A_570 : vector<16xf32> to vector<1x16xf32>
      tpu.vector_store %arg6[%parallel_loop3A_571, %parallel_loop3A_572], %parallel_loop3A_575 {strides = array<i32>} : memref<8x1024xf32, #tpu.memory_space<vmem>>, vector<1x16xf32>,
    } {sc.loop_unroll_factor = 4 : i64, sc.parallel_access}
    %add3A_469 = arith.constant 96 : i32
    %add3A_470 = arith.addi %mul3A_11, %add3A_469 : i32
    %dma_start3A_471 = arith.constant 0 : i32
    %dma_start3A_472 = tpu.memref_slice %arg4[%add3A_470, %dma_start3A_471] : memref<4096x1024xf32, #tpu.memory_space<hbm>> -> memref<8x1024xf32, #tpu.memory_space<hbm>>
    %dma_start3A_473 = arith.constant 0 : i32
    %dma_start3A_474 = tpu.memref_slice %arg4[%add3A_470, %dma_start3A_473] : memref<4096x1024xf32, #tpu.memory_space<hbm>> -> memref<8x1024xf32, #tpu.memory_space<hbm>>
    tpu.enqueue_dma source(%arg6 : memref<8x1024xf32, #tpu.memory_space<vmem>>) target(%dma_start3A_474 : memref<8x1024xf32, #tpu.memory_space<hbm>>) target_semaphore(%arg30 : memref<!tpu.dma_semaphore, #tpu.memory_space<semaphore_mem>>)
    %dma_wait3A_475 = arith.constant 0 : i32
    %dma_wait3A_476 = tpu.memref_slice %arg2[%add3A_342, %dma_wait3A_475] : memref<32768x1024xf32, #tpu.memory_space<hbm>> -> memref<8x1024xf32, #tpu.memory_space<hbm>>
    %dma_wait3A_477 = arith.constant 0 : i32
    %dma_wait3A_478 = tpu.memref_slice %arg2[%add3A_342, %dma_wait3A_477] : memref<32768x1024xf32, #tpu.memory_space<hbm>> -> memref<8x1024xf32, #tpu.memory_space<hbm>>
    tpu.wait_dma2 semaphore(%arg19 : memref<!tpu.dma_semaphore, #tpu.memory_space<semaphore_mem>>) src(%dma_wait3A_478 : memref<8x1024xf32, #tpu.memory_space<hbm>>) dst(%arg8 : memref<8x1024xf32, #tpu.memory_space<vmem>>)
    %dma_wait3A_479 = arith.constant 0 : i32
    %dma_wait3A_480 = tpu.memref_slice %arg2[%add3A_348, %dma_wait3A_479] : memref<32768x1024xf32, #tpu.memory_space<hbm>> -> memref<8x1024xf32, #tpu.memory_space<hbm>>
    %dma_wait3A_481 = arith.constant 0 : i32
    %dma_wait3A_482 = tpu.memref_slice %arg2[%add3A_348, %dma_wait3A_481] : memref<32768x1024xf32, #tpu.memory_space<hbm>> -> memref<8x1024xf32, #tpu.memory_space<hbm>>
    tpu.wait_dma2 semaphore(%arg25 : memref<!tpu.dma_semaphore, #tpu.memory_space<semaphore_mem>>) src(%dma_wait3A_482 : memref<8x1024xf32, #tpu.memory_space<hbm>>) dst(%arg9 : memref<8x1024xf32, #tpu.memory_space<vmem>>)
    %parallel_loop3A_483 = arith.constant 0 : i32
    %parallel_loop3A_484 = arith.constant 512 : i32
    %parallel_loop3A_485 = arith.constant 1 : i32
    %parallel_loop3A_486 = arith.constant 5.000000e-01 : f32
    scf.for %parallel_loop3A_553 = %parallel_loop3A_483 to %parallel_loop3A_484 step %parallel_loop3A_485  : i32 {
      %parallel_loop3A_554 = arith.constant 6 : i32
      %parallel_loop3A_555 = arith.shrsi %parallel_loop3A_553, %parallel_loop3A_554 : i32
      %parallel_loop3A_556 = arith.constant 63 : i32
      %parallel_loop3A_557 = arith.andi %parallel_loop3A_553, %parallel_loop3A_556 : i32
      %parallel_loop3A_558 = arith.constant 16 : i32
      %parallel_loop3A_559 = arith.muli %parallel_loop3A_557, %parallel_loop3A_558 : i32
      %parallel_loop3A_560 = arith.index_cast %parallel_loop3A_555 : i32 to index
      %parallel_loop3A_561 = arith.index_cast %parallel_loop3A_559 : i32 to index
      %parallel_loop3A_562 = tpu.vector_load %arg8[%parallel_loop3A_560, %parallel_loop3A_561] {strides = array<i32>} : memref<8x1024xf32, #tpu.memory_space<vmem>>, vector<1x16xf32>,
      %parallel_loop3A_563 = vector.shape_cast %parallel_loop3A_562 : vector<1x16xf32> to vector<16xf32>
      %parallel_loop3A_564 = arith.index_cast %parallel_loop3A_555 : i32 to index
      %parallel_loop3A_565 = arith.index_cast %parallel_loop3A_559 : i32 to index
      %parallel_loop3A_566 = tpu.vector_load %arg9[%parallel_loop3A_564, %parallel_loop3A_565] {strides = array<i32>} : memref<8x1024xf32, #tpu.memory_space<vmem>>, vector<1x16xf32>,
      %parallel_loop3A_567 = vector.shape_cast %parallel_loop3A_566 : vector<1x16xf32> to vector<16xf32>
      %parallel_loop3A_568 = arith.addf %parallel_loop3A_563, %parallel_loop3A_567 : vector<16xf32>
      %parallel_loop3A_569 = vector.broadcast %parallel_loop3A_486 : f32 to vector<16xf32>
      %parallel_loop3A_570 = arith.mulf %parallel_loop3A_568, %parallel_loop3A_569 : vector<16xf32>
      %parallel_loop3A_571 = arith.index_cast %parallel_loop3A_555 : i32 to index
      %parallel_loop3A_572 = arith.index_cast %parallel_loop3A_559 : i32 to index
      %parallel_loop3A_573 = tpu.vector_load %arg8[%parallel_loop3A_571, %parallel_loop3A_572] {strides = array<i32>} : memref<8x1024xf32, #tpu.memory_space<vmem>>, vector<1x16xf32>,
      %parallel_loop3A_574 = vector.shape_cast %parallel_loop3A_573 : vector<1x16xf32> to vector<16xf32>
      %parallel_loop3A_575 = vector.shape_cast %parallel_loop3A_570 : vector<16xf32> to vector<1x16xf32>
      tpu.vector_store %arg8[%parallel_loop3A_571, %parallel_loop3A_572], %parallel_loop3A_575 {strides = array<i32>} : memref<8x1024xf32, #tpu.memory_space<vmem>>, vector<1x16xf32>,
    } {sc.loop_unroll_factor = 4 : i64, sc.parallel_access}
    %add3A_487 = arith.constant 104 : i32
    %add3A_488 = arith.addi %mul3A_11, %add3A_487 : i32
    %dma_start3A_489 = arith.constant 0 : i32
    %dma_start3A_490 = tpu.memref_slice %arg4[%add3A_488, %dma_start3A_489] : memref<4096x1024xf32, #tpu.memory_space<hbm>> -> memref<8x1024xf32, #tpu.memory_space<hbm>>
    %dma_start3A_491 = arith.constant 0 : i32
    %dma_start3A_492 = tpu.memref_slice %arg4[%add3A_488, %dma_start3A_491] : memref<4096x1024xf32, #tpu.memory_space<hbm>> -> memref<8x1024xf32, #tpu.memory_space<hbm>>
    tpu.enqueue_dma source(%arg8 : memref<8x1024xf32, #tpu.memory_space<vmem>>) target(%dma_start3A_492 : memref<8x1024xf32, #tpu.memory_space<hbm>>) target_semaphore(%arg31 : memref<!tpu.dma_semaphore, #tpu.memory_space<semaphore_mem>>)
    %dma_wait3A_493 = arith.constant 0 : i32
    %dma_wait3A_494 = tpu.memref_slice %arg2[%add3A_376, %dma_wait3A_493] : memref<32768x1024xf32, #tpu.memory_space<hbm>> -> memref<8x1024xf32, #tpu.memory_space<hbm>>
    %dma_wait3A_495 = arith.constant 0 : i32
    %dma_wait3A_496 = tpu.memref_slice %arg2[%add3A_376, %dma_wait3A_495] : memref<32768x1024xf32, #tpu.memory_space<hbm>> -> memref<8x1024xf32, #tpu.memory_space<hbm>>
    tpu.wait_dma2 semaphore(%arg20 : memref<!tpu.dma_semaphore, #tpu.memory_space<semaphore_mem>>) src(%dma_wait3A_496 : memref<8x1024xf32, #tpu.memory_space<hbm>>) dst(%arg10 : memref<8x1024xf32, #tpu.memory_space<vmem>>)
    %dma_wait3A_497 = arith.constant 0 : i32
    %dma_wait3A_498 = tpu.memref_slice %arg2[%add3A_382, %dma_wait3A_497] : memref<32768x1024xf32, #tpu.memory_space<hbm>> -> memref<8x1024xf32, #tpu.memory_space<hbm>>
    %dma_wait3A_499 = arith.constant 0 : i32
    %dma_wait3A_500 = tpu.memref_slice %arg2[%add3A_382, %dma_wait3A_499] : memref<32768x1024xf32, #tpu.memory_space<hbm>> -> memref<8x1024xf32, #tpu.memory_space<hbm>>
    tpu.wait_dma2 semaphore(%arg26 : memref<!tpu.dma_semaphore, #tpu.memory_space<semaphore_mem>>) src(%dma_wait3A_500 : memref<8x1024xf32, #tpu.memory_space<hbm>>) dst(%arg11 : memref<8x1024xf32, #tpu.memory_space<vmem>>)
    %parallel_loop3A_501 = arith.constant 0 : i32
    %parallel_loop3A_502 = arith.constant 512 : i32
    %parallel_loop3A_503 = arith.constant 1 : i32
    %parallel_loop3A_504 = arith.constant 5.000000e-01 : f32
    scf.for %parallel_loop3A_553 = %parallel_loop3A_501 to %parallel_loop3A_502 step %parallel_loop3A_503  : i32 {
      %parallel_loop3A_554 = arith.constant 6 : i32
      %parallel_loop3A_555 = arith.shrsi %parallel_loop3A_553, %parallel_loop3A_554 : i32
      %parallel_loop3A_556 = arith.constant 63 : i32
      %parallel_loop3A_557 = arith.andi %parallel_loop3A_553, %parallel_loop3A_556 : i32
      %parallel_loop3A_558 = arith.constant 16 : i32
      %parallel_loop3A_559 = arith.muli %parallel_loop3A_557, %parallel_loop3A_558 : i32
      %parallel_loop3A_560 = arith.index_cast %parallel_loop3A_555 : i32 to index
      %parallel_loop3A_561 = arith.index_cast %parallel_loop3A_559 : i32 to index
      %parallel_loop3A_562 = tpu.vector_load %arg10[%parallel_loop3A_560, %parallel_loop3A_561] {strides = array<i32>} : memref<8x1024xf32, #tpu.memory_space<vmem>>, vector<1x16xf32>,
      %parallel_loop3A_563 = vector.shape_cast %parallel_loop3A_562 : vector<1x16xf32> to vector<16xf32>
      %parallel_loop3A_564 = arith.index_cast %parallel_loop3A_555 : i32 to index
      %parallel_loop3A_565 = arith.index_cast %parallel_loop3A_559 : i32 to index
      %parallel_loop3A_566 = tpu.vector_load %arg11[%parallel_loop3A_564, %parallel_loop3A_565] {strides = array<i32>} : memref<8x1024xf32, #tpu.memory_space<vmem>>, vector<1x16xf32>,
      %parallel_loop3A_567 = vector.shape_cast %parallel_loop3A_566 : vector<1x16xf32> to vector<16xf32>
      %parallel_loop3A_568 = arith.addf %parallel_loop3A_563, %parallel_loop3A_567 : vector<16xf32>
      %parallel_loop3A_569 = vector.broadcast %parallel_loop3A_504 : f32 to vector<16xf32>
      %parallel_loop3A_570 = arith.mulf %parallel_loop3A_568, %parallel_loop3A_569 : vector<16xf32>
      %parallel_loop3A_571 = arith.index_cast %parallel_loop3A_555 : i32 to index
      %parallel_loop3A_572 = arith.index_cast %parallel_loop3A_559 : i32 to index
      %parallel_loop3A_573 = tpu.vector_load %arg10[%parallel_loop3A_571, %parallel_loop3A_572] {strides = array<i32>} : memref<8x1024xf32, #tpu.memory_space<vmem>>, vector<1x16xf32>,
      %parallel_loop3A_574 = vector.shape_cast %parallel_loop3A_573 : vector<1x16xf32> to vector<16xf32>
      %parallel_loop3A_575 = vector.shape_cast %parallel_loop3A_570 : vector<16xf32> to vector<1x16xf32>
      tpu.vector_store %arg10[%parallel_loop3A_571, %parallel_loop3A_572], %parallel_loop3A_575 {strides = array<i32>} : memref<8x1024xf32, #tpu.memory_space<vmem>>, vector<1x16xf32>,
    } {sc.loop_unroll_factor = 4 : i64, sc.parallel_access}
    %add3A_505 = arith.constant 112 : i32
    %add3A_506 = arith.addi %mul3A_11, %add3A_505 : i32
    %dma_start3A_507 = arith.constant 0 : i32
    %dma_start3A_508 = tpu.memref_slice %arg4[%add3A_506, %dma_start3A_507] : memref<4096x1024xf32, #tpu.memory_space<hbm>> -> memref<8x1024xf32, #tpu.memory_space<hbm>>
    %dma_start3A_509 = arith.constant 0 : i32
    %dma_start3A_510 = tpu.memref_slice %arg4[%add3A_506, %dma_start3A_509] : memref<4096x1024xf32, #tpu.memory_space<hbm>> -> memref<8x1024xf32, #tpu.memory_space<hbm>>
    tpu.enqueue_dma source(%arg10 : memref<8x1024xf32, #tpu.memory_space<vmem>>) target(%dma_start3A_510 : memref<8x1024xf32, #tpu.memory_space<hbm>>) target_semaphore(%arg32 : memref<!tpu.dma_semaphore, #tpu.memory_space<semaphore_mem>>)
    %dma_wait3A_511 = arith.constant 0 : i32
    %dma_wait3A_512 = tpu.memref_slice %arg2[%add3A_410, %dma_wait3A_511] : memref<32768x1024xf32, #tpu.memory_space<hbm>> -> memref<8x1024xf32, #tpu.memory_space<hbm>>
    %dma_wait3A_513 = arith.constant 0 : i32
    %dma_wait3A_514 = tpu.memref_slice %arg2[%add3A_410, %dma_wait3A_513] : memref<32768x1024xf32, #tpu.memory_space<hbm>> -> memref<8x1024xf32, #tpu.memory_space<hbm>>
    tpu.wait_dma2 semaphore(%arg21 : memref<!tpu.dma_semaphore, #tpu.memory_space<semaphore_mem>>) src(%dma_wait3A_514 : memref<8x1024xf32, #tpu.memory_space<hbm>>) dst(%arg12 : memref<8x1024xf32, #tpu.memory_space<vmem>>)
    %dma_wait3A_515 = arith.constant 0 : i32
    %dma_wait3A_516 = tpu.memref_slice %arg2[%add3A_416, %dma_wait3A_515] : memref<32768x1024xf32, #tpu.memory_space<hbm>> -> memref<8x1024xf32, #tpu.memory_space<hbm>>
    %dma_wait3A_517 = arith.constant 0 : i32
    %dma_wait3A_518 = tpu.memref_slice %arg2[%add3A_416, %dma_wait3A_517] : memref<32768x1024xf32, #tpu.memory_space<hbm>> -> memref<8x1024xf32, #tpu.memory_space<hbm>>
    tpu.wait_dma2 semaphore(%arg27 : memref<!tpu.dma_semaphore, #tpu.memory_space<semaphore_mem>>) src(%dma_wait3A_518 : memref<8x1024xf32, #tpu.memory_space<hbm>>) dst(%arg13 : memref<8x1024xf32, #tpu.memory_space<vmem>>)
    %parallel_loop3A_519 = arith.constant 0 : i32
    %parallel_loop3A_520 = arith.constant 512 : i32
    %parallel_loop3A_521 = arith.constant 1 : i32
    %parallel_loop3A_522 = arith.constant 5.000000e-01 : f32
    scf.for %parallel_loop3A_553 = %parallel_loop3A_519 to %parallel_loop3A_520 step %parallel_loop3A_521  : i32 {
      %parallel_loop3A_554 = arith.constant 6 : i32
      %parallel_loop3A_555 = arith.shrsi %parallel_loop3A_553, %parallel_loop3A_554 : i32
      %parallel_loop3A_556 = arith.constant 63 : i32
      %parallel_loop3A_557 = arith.andi %parallel_loop3A_553, %parallel_loop3A_556 : i32
      %parallel_loop3A_558 = arith.constant 16 : i32
      %parallel_loop3A_559 = arith.muli %parallel_loop3A_557, %parallel_loop3A_558 : i32
      %parallel_loop3A_560 = arith.index_cast %parallel_loop3A_555 : i32 to index
      %parallel_loop3A_561 = arith.index_cast %parallel_loop3A_559 : i32 to index
      %parallel_loop3A_562 = tpu.vector_load %arg12[%parallel_loop3A_560, %parallel_loop3A_561] {strides = array<i32>} : memref<8x1024xf32, #tpu.memory_space<vmem>>, vector<1x16xf32>,
      %parallel_loop3A_563 = vector.shape_cast %parallel_loop3A_562 : vector<1x16xf32> to vector<16xf32>
      %parallel_loop3A_564 = arith.index_cast %parallel_loop3A_555 : i32 to index
      %parallel_loop3A_565 = arith.index_cast %parallel_loop3A_559 : i32 to index
      %parallel_loop3A_566 = tpu.vector_load %arg13[%parallel_loop3A_564, %parallel_loop3A_565] {strides = array<i32>} : memref<8x1024xf32, #tpu.memory_space<vmem>>, vector<1x16xf32>,
      %parallel_loop3A_567 = vector.shape_cast %parallel_loop3A_566 : vector<1x16xf32> to vector<16xf32>
      %parallel_loop3A_568 = arith.addf %parallel_loop3A_563, %parallel_loop3A_567 : vector<16xf32>
      %parallel_loop3A_569 = vector.broadcast %parallel_loop3A_522 : f32 to vector<16xf32>
      %parallel_loop3A_570 = arith.mulf %parallel_loop3A_568, %parallel_loop3A_569 : vector<16xf32>
      %parallel_loop3A_571 = arith.index_cast %parallel_loop3A_555 : i32 to index
      %parallel_loop3A_572 = arith.index_cast %parallel_loop3A_559 : i32 to index
      %parallel_loop3A_573 = tpu.vector_load %arg12[%parallel_loop3A_571, %parallel_loop3A_572] {strides = array<i32>} : memref<8x1024xf32, #tpu.memory_space<vmem>>, vector<1x16xf32>,
      %parallel_loop3A_574 = vector.shape_cast %parallel_loop3A_573 : vector<1x16xf32> to vector<16xf32>
      %parallel_loop3A_575 = vector.shape_cast %parallel_loop3A_570 : vector<16xf32> to vector<1x16xf32>
      tpu.vector_store %arg12[%parallel_loop3A_571, %parallel_loop3A_572], %parallel_loop3A_575 {strides = array<i32>} : memref<8x1024xf32, #tpu.memory_space<vmem>>, vector<1x16xf32>,
    } {sc.loop_unroll_factor = 4 : i64, sc.parallel_access}
    %add3A_523 = arith.constant 120 : i32
    %add3A_524 = arith.addi %mul3A_11, %add3A_523 : i32
    %dma_start3A_525 = arith.constant 0 : i32
    %dma_start3A_526 = tpu.memref_slice %arg4[%add3A_524, %dma_start3A_525] : memref<4096x1024xf32, #tpu.memory_space<hbm>> -> memref<8x1024xf32, #tpu.memory_space<hbm>>
    %dma_start3A_527 = arith.constant 0 : i32
    %dma_start3A_528 = tpu.memref_slice %arg4[%add3A_524, %dma_start3A_527] : memref<4096x1024xf32, #tpu.memory_space<hbm>> -> memref<8x1024xf32, #tpu.memory_space<hbm>>
    tpu.enqueue_dma source(%arg12 : memref<8x1024xf32, #tpu.memory_space<vmem>>) target(%dma_start3A_528 : memref<8x1024xf32, #tpu.memory_space<hbm>>) target_semaphore(%arg33 : memref<!tpu.dma_semaphore, #tpu.memory_space<semaphore_mem>>)
    %dma_wait3A_529 = arith.constant 0 : i32
    %dma_wait3A_530 = tpu.memref_slice %arg4[%add3A_434, %dma_wait3A_529] : memref<4096x1024xf32, #tpu.memory_space<hbm>> -> memref<8x1024xf32, #tpu.memory_space<hbm>>
    %dma_wait3A_531 = arith.constant 0 : i32
    %dma_wait3A_532 = tpu.memref_slice %arg4[%add3A_434, %dma_wait3A_531] : memref<4096x1024xf32, #tpu.memory_space<hbm>> -> memref<8x1024xf32, #tpu.memory_space<hbm>>
    tpu.wait_dma2 semaphore(%arg34 : memref<!tpu.dma_semaphore, #tpu.memory_space<semaphore_mem>>) src(%arg14 : memref<8x1024xf32, #tpu.memory_space<vmem>>) dst(%dma_wait3A_532 : memref<8x1024xf32, #tpu.memory_space<hbm>>)
    %dma_wait3A_533 = arith.constant 0 : i32
    %dma_wait3A_534 = tpu.memref_slice %arg4[%add3A_452, %dma_wait3A_533] : memref<4096x1024xf32, #tpu.memory_space<hbm>> -> memref<8x1024xf32, #tpu.memory_space<hbm>>
    %dma_wait3A_535 = arith.constant 0 : i32
    %dma_wait3A_536 = tpu.memref_slice %arg4[%add3A_452, %dma_wait3A_535] : memref<4096x1024xf32, #tpu.memory_space<hbm>> -> memref<8x1024xf32, #tpu.memory_space<hbm>>
    tpu.wait_dma2 semaphore(%arg35 : memref<!tpu.dma_semaphore, #tpu.memory_space<semaphore_mem>>) src(%arg16 : memref<8x1024xf32, #tpu.memory_space<vmem>>) dst(%dma_wait3A_536 : memref<8x1024xf32, #tpu.memory_space<hbm>>)
    %dma_wait3A_537 = arith.constant 0 : i32
    %dma_wait3A_538 = tpu.memref_slice %arg4[%add3A_470, %dma_wait3A_537] : memref<4096x1024xf32, #tpu.memory_space<hbm>> -> memref<8x1024xf32, #tpu.memory_space<hbm>>
    %dma_wait3A_539 = arith.constant 0 : i32
    %dma_wait3A_540 = tpu.memref_slice %arg4[%add3A_470, %dma_wait3A_539] : memref<4096x1024xf32, #tpu.memory_space<hbm>> -> memref<8x1024xf32, #tpu.memory_space<hbm>>
    tpu.wait_dma2 semaphore(%arg30 : memref<!tpu.dma_semaphore, #tpu.memory_space<semaphore_mem>>) src(%arg6 : memref<8x1024xf32, #tpu.memory_space<vmem>>) dst(%dma_wait3A_540 : memref<8x1024xf32, #tpu.memory_space<hbm>>)
    %dma_wait3A_541 = arith.constant 0 : i32
    %dma_wait3A_542 = tpu.memref_slice %arg4[%add3A_488, %dma_wait3A_541] : memref<4096x1024xf32, #tpu.memory_space<hbm>> -> memref<8x1024xf32, #tpu.memory_space<hbm>>
    %dma_wait3A_543 = arith.constant 0 : i32
    %dma_wait3A_544 = tpu.memref_slice %arg4[%add3A_488, %dma_wait3A_543] : memref<4096x1024xf32, #tpu.memory_space<hbm>> -> memref<8x1024xf32, #tpu.memory_space<hbm>>
    tpu.wait_dma2 semaphore(%arg31 : memref<!tpu.dma_semaphore, #tpu.memory_space<semaphore_mem>>) src(%arg8 : memref<8x1024xf32, #tpu.memory_space<vmem>>) dst(%dma_wait3A_544 : memref<8x1024xf32, #tpu.memory_space<hbm>>)
    %dma_wait3A_545 = arith.constant 0 : i32
    %dma_wait3A_546 = tpu.memref_slice %arg4[%add3A_506, %dma_wait3A_545] : memref<4096x1024xf32, #tpu.memory_space<hbm>> -> memref<8x1024xf32, #tpu.memory_space<hbm>>
    %dma_wait3A_547 = arith.constant 0 : i32
    %dma_wait3A_548 = tpu.memref_slice %arg4[%add3A_506, %dma_wait3A_547] : memref<4096x1024xf32, #tpu.memory_space<hbm>> -> memref<8x1024xf32, #tpu.memory_space<hbm>>
    tpu.wait_dma2 semaphore(%arg32 : memref<!tpu.dma_semaphore, #tpu.memory_space<semaphore_mem>>) src(%arg10 : memref<8x1024xf32, #tpu.memory_space<vmem>>) dst(%dma_wait3A_548 : memref<8x1024xf32, #tpu.memory_space<hbm>>)
    %dma_wait3A_549 = arith.constant 0 : i32
    %dma_wait3A_550 = tpu.memref_slice %arg4[%add3A_524, %dma_wait3A_549] : memref<4096x1024xf32, #tpu.memory_space<hbm>> -> memref<8x1024xf32, #tpu.memory_space<hbm>>
    %dma_wait3A_551 = arith.constant 0 : i32
    %dma_wait3A_552 = tpu.memref_slice %arg4[%add3A_524, %dma_wait3A_551] : memref<4096x1024xf32, #tpu.memory_space<hbm>> -> memref<8x1024xf32, #tpu.memory_space<hbm>>
    tpu.wait_dma2 semaphore(%arg33 : memref<!tpu.dma_semaphore, #tpu.memory_space<semaphore_mem>>) src(%arg12 : memref<8x1024xf32, #tpu.memory_space<vmem>>) dst(%dma_wait3A_552 : memref<8x1024xf32, #tpu.memory_space<hbm>>)
    return
  }
}

</mosaic_0001>

<sc_bundles>
// kernel: kernel.3.cloned.1.call-start
scs
__scs_entry_jumppad:
0x0: {  	(pc) =	sbr.rel $0x88, $3  }
0x1: {  	(tag) =	ssettag $0x0;
	lr =	simm.s32 $0x1  }
0x2: {  	[smem:$0x3F9F] =	sst lr;
	_ =	strace $0xD0000000  }
0x3: {  	_ = 	snop  }
0x4: {  	_ = 	snop  }
0x5: {  	_ = 	snop  }
0x6: {  	_ = 	snop  }
0x7: {  	_ = 	snop  }
__scs_overlays_trampoline_lowered:
0x8: {  	[smem:$0x3FAE] =	sst s0  }
0x9: {  	[smem:$0x3FAF] =	sst s1  }
0xa: {  	[smem:$0x3FB0] =	sst s2  }
0xb: {  	[smem:$0x3FB1] =	sst s3  }
0xc: {  	[smem:$0x3FB2] =	sst s4  }
0xd: {  	[smem:$0x3FB3] =	sst s5  }
0xe: {  	[smem:$0x3FB4] =	sst s6  }
0xf: {  	[smem:$0x3FB5] =	sst s7  }
0x10: {  	[smem:$0x3FB6] =	sst s8  }
0x11: {  	[smem:$0x3FB7] =	sst s9;
	s0 =	simm.s32 @!p0 $0x0  }
0x12: {  	s1 =	sld [smem:$0x3F9D];
	s0 =	simm.s32 @p0 $0x1  }
0x13: {  	[smem:$0x3FB8] =	sst s0;
	s0 =	simm.s32 @!p1 $0x0  }
0x14: {  	s2 =	sld [smem:$0x3F9C];
	s0 =	simm.s32 @p1 $0x1  }
0x15: {  	[smem:$0x3FB9] =	sst s0;
	s0 =	simm.s32 @!p2 $0x0  }
0x16: {  	s3 =	sld [smem:$0x3FDB];
	s0 =	simm.s32 @p2 $0x1  }
0x17: {  	s4 =	simm.s32 $0x1BF5;
	[smem:$0x3FBB] =	sst s0  }
0x18: {  	s0 =	sld [smem:$0x3F9E];
	_ =	swait.ge [sflag:s4], $0x0  }
0x19: {  	s7 =	sld [smem:$0x3F9F]  }
0x1a: {  	s8 =	sadd.s32 $0xFFFFE003, lr  }
0x1b: {  	s9 =	sadd.s32 $0xFFFFFEF7, lr;
	s5 =	simm.s32 $0xFFFFFFFF;
	p2 =	slt.u32 s8, $0xFFFFF086  }
0x1c: {  	p1 =	slt.u32 s9, $0xF7A;
	s5 =	simm.s32 @!p2 $0x0  }
0x1d: {  	s5 =	simm.s32 @p1 $0x1;
	p0 =	seq.s32 s7, s2  }
0x1e: {  	s7 =	smul.u32 @!p0 $0xF7A, s2;
	p2 =	seq.s32 @!p0 s5, $0x0  }
0x1f: {  	s9 =	smul.u32 $0xF7A, s1;
	s8 =	simm.s32 @!p0 $0x1BF5;
	p2 =	por !p2, p0  }
0x20: {  	[sflag:s8] =	ssyncset.s32 @!p0 $0xFFFFF086;
	s6 =	sadd.s32 @!p0 s3, s7;
	s7 =	simm.s32 @!p0 $0x108  }
0x21: {  	s3 =	sadd.s32 s3, s9;
	s6 =	sadd.s32 @!p0 $0x88, s6;
	s7 =	simm.s32 @p2 $0x1082  }
0x22: {  	[simem:s7], [sflag:s8] =	dma.local @!p0 [hbm:s6], $0xF7A  }
0x23: {  	s9 =	sor.u32 $0xD0000000, s2;
	s6 =	simm.s32 $0x108;
	_ =	swait.ge @!p0 [sflag:s8], $0x0  }
0x24: {  	s3 =	sadd.s32 $0x88, s3;
	s6 =	simm.s32 @!p1 $0x1082;
	[sflag:s4] =	ssyncset.s32 $0xFFFFF086  }
0x25: {  	[simem:s6], [sflag:s4] =	dma.local [hbm:s3], $0xF7A  }
0x26: {  	[smem:$0x3F9F] =	sst s1;
	(tag) =	ssettag s2;
	_ =	strace s9  }
0x27: {  	s1 =	sld [smem:$0x3FAF]  }
0x28: {  	s2 =	sld [smem:$0x3FB0]  }
0x29: {  	s4 =	sld [smem:$0x3FB2]  }
0x2a: {  	p0 =	seq.s32 s5, $0x0;
	s5 =	sld [smem:$0x3FB3]  }
0x2b: {  	s6 =	sld [smem:$0x3FB4]  }
0x2c: {  	s7 =	sld [smem:$0x3FB5]  }
0x2d: {  	s3 =	simm.s32 $0x108;
	s8 =	sld [smem:$0x3FB6]  }
0x2e: {  	s3 =	simm.s32 @!p0 $0x1082;
	s9 =	sld [smem:$0x3FB7]  }
0x2f: {  	lr =	sadd.s32 s0, s3;
	s0 =	sld [smem:$0x3FAE]  }
0x30: {  	s3 =	sld [smem:$0x3FB1]  }
0x31: {  	[smem:$0x3FBA] =	sst s10  }
0x32: {  	s10 =	sld [smem:$0x3FB8];
	_ =	sdelay $0x3  }
0x33: {  	p0 =	seq.s32 s10, $0x1;
	s10 =	sld [smem:$0x3FBA];
	_ =	sdelay $0x3  }
0x34: {  	[smem:$0x3FBA] =	sst s10  }
0x35: {  	s10 =	sld [smem:$0x3FB9];
	_ =	sdelay $0x3  }
0x36: {  	p1 =	seq.s32 s10, $0x1;
	s10 =	sld [smem:$0x3FBA];
	_ =	sdelay $0x3  }
0x37: {  	[smem:$0x3FBA] =	sst s10  }
0x38: {  	s10 =	sld [smem:$0x3FBB]  }
0x39: {  	_ = 	snop;
	(pc) =	sbr.ind lr, $3  }
0x3a: {  	_ = 	snop  }
0x3b: {  	_ = 	snop  }
0x3c: {  	p2 =	seq.s32 s10, $0x1;
	s10 =	sld [smem:$0x3FBA]  }
0x3d: {  	_ =	shalt  }
0x3e: {  	_ =	shalt  }
0x3f: {  	_ =	shalt  }
0x40: {  	_ =	shalt  }
0x41: {  	_ =	shalt  }
0x42: {  	_ =	shalt  }
0x43: {  	_ =	shalt  }
0x44: {  	_ =	shalt  }
0x45: {  	_ =	shalt  }
0x46: {  	_ =	shalt  }
0x47: {  	_ =	shalt  }
0x48: {  	_ =	shalt  }
0x49: {  	_ =	shalt  }
0x4a: {  	_ =	shalt  }
0x4b: {  	_ =	shalt  }
0x4c: {  	_ =	shalt  }
0x4d: {  	_ =	shalt  }
0x4e: {  	_ =	shalt  }
0x4f: {  	_ =	shalt  }
0x50: {  	_ =	shalt  }
0x51: {  	_ =	shalt  }
0x52: {  	_ =	shalt  }
0x53: {  	_ =	shalt  }
0x54: {  	_ =	shalt  }
0x55: {  	_ =	shalt  }
0x56: {  	_ =	shalt  }
0x57: {  	_ =	shalt  }
0x58: {  	_ =	shalt  }
0x59: {  	_ =	shalt  }
0x5a: {  	_ =	shalt  }
0x5b: {  	_ =	shalt  }
0x5c: {  	_ =	shalt  }
0x5d: {  	_ =	shalt  }
0x5e: {  	_ =	shalt  }
0x5f: {  	_ =	shalt  }
0x60: {  	_ =	shalt  }
0x61: {  	_ =	shalt  }
0x62: {  	_ =	shalt  }
0x63: {  	_ =	shalt  }
0x64: {  	_ =	shalt  }
0x65: {  	_ =	shalt  }
0x66: {  	_ =	shalt  }
0x67: {  	_ =	shalt  }
0x68: {  	_ =	shalt  }
0x69: {  	_ =	shalt  }
0x6a: {  	_ =	shalt  }
0x6b: {  	_ =	shalt  }
0x6c: {  	_ =	shalt  }
0x6d: {  	_ =	shalt  }
0x6e: {  	_ =	shalt  }
0x6f: {  	_ =	shalt  }
0x70: {  	_ =	shalt  }
0x71: {  	_ =	shalt  }
0x72: {  	_ =	shalt  }
0x73: {  	_ =	shalt  }
0x74: {  	_ =	shalt  }
0x75: {  	_ =	shalt  }
0x76: {  	_ =	shalt  }
0x77: {  	_ =	shalt  }
0x78: {  	_ =	shalt  }
0x79: {  	_ =	shalt  }
0x7a: {  	_ =	shalt  }
0x7b: {  	_ =	shalt  }
0x7c: {  	_ =	shalt  }
0x7d: {  	_ =	shalt  }
0x7e: {  	_ =	shalt  }
0x7f: {  	_ =	shalt  }
0x80: {  	_ =	shalt  }
0x81: {  	_ =	shalt  }
0x82: {  	_ =	shalt  }
0x83: {  	_ =	shalt  }
0x84: {  	_ =	shalt  }
0x85: {  	_ =	shalt  }
0x86: {  	_ =	shalt  }
0x87: {  	_ =	shalt  }
.Lfunc_end0:
.L_simem_size_0:
called_computation_lowered:
.L_overlay_start_0:
0x88: {  	s2 =	sld [smem:$0x3FD9]  }
0x89: {  	s3 =	sld [smem:$0x3FFE];
	_ =	sdelay $0x1  }
0x8a: {  	s1 =	srdreg.scid  }
0x8b: {  	s0 =	sand.u32 $0x1, s1  }
0x8c: {  	s17 =	sshll.u32 s0, $0xA;
	s2 =	sadd.s32 s3, s2  }
0x8d: {  	s2 =	sadd.s32 s2, s17  }
0x8e: {  	[smem:$0x3FC6] =	sst s2  }
0x8f: {  	_ = 	snop  }
0x90: {  	s2 =	sld [smem:$0x3FC9]  }
0x91: {  	s18 =	sld [smem:$0x3FD0];
	(tm) =	ssettm $0x1  }
0x92: {  	s4 =	sld [smem:$0x3FFB];
	_ =	sdelay $0x3  }
0x93: {  	_ =	strace s4  }
0x94: {  	s4 =	sld [smem:$0x3FFC];
	_ =	sdelay $0x3  }
0x95: {  	_ =	strace s4  }
0x96: {  	s4 =	sld [smem:$0x3FFD];
	_ =	sdelay $0x3  }
0x97: {  	_ =	strace s4  }
0x98: {  	_ =	strace $0x8FFFFFFF  }
0x99: {  	s19 =	sld [smem:$0x3FDB];
	_ =	sdelay $0x1  }
0x9a: {  	s5 =	simm.s32 $_scs_section_size  }
0x9b: {  	s6 =	simm.s32 $_size__tile_overlayer_lowered;
	s7 =	simm.s32 $_tile_overlayer_lowered  }
0x9c: {  	s22 =	simm.s32 $0x1BFF;
	s21 =	sshll.u32 s7, $0x1;
	s4 =	sadd.s32 s5, s19  }
0x9d: {  	s8 =	simm.s32 $0x0;
	s20 =	sshll.u32 s6, $0x1;
	s6 =	sadd.s32 s21, s4  }
0x9e: {  	[timem:s8], [sflag:s22] =	dma.local [hbm:s6], s20  }
0x9f: {  	_ =	swait.ge [sflag:s22], s20  }
0xa0: {  	s5 =	ssub.s32 $0x0, s20;
	[sflag:s22] =	ssyncset.done $0x0  }
0xa1: {  	[sflag:s22] =	ssyncadd.s32 s5;
	_ =	sdelay $0x1  }
0xa2: {  	s23 =	simm.s32 $0x1B8B  }
0xa3: {  	_ =	swait.ge [sflag:s23], $0x1  }
0xa4: {  	[sflag:s23] =	ssyncset.done $0x0  }
0xa5: {  	s25 =	simm.s32 $0x1B8E;
	s24 =	sld [smem:$0x3FFE];
	[sflag:s23] =	ssyncadd.s32 $0xFFFFFFFF  }
0xa6: {  	s26 =	simm.s32 $execute0_lowered;
	[smem:$0x3FD2] =	sst s25  }
0xa7: {  	s6 =	sshll.u32 s26, $0x1;
	_ =	strace $0x80000046;
	[dreg:$0x1] =	wrdreg $0xFFFFFFFF  }
0xa8: {  	s28 =	simm.s32 $_size_execute0_lowered;
	s4 =	sadd.s32 s4, s6;
	[dreg:$0x0] =	wrdreg $0x0  }
0xa9: {  	s6 =	sshll.u32 s28, $0x1;
	[dreg:$0x2] =	wrdreg s4  }
0xaa: {  	[dreg:$0x3] =	wrdreg s6  }
0xab: {  	[dreg:$0x4] =	wrdreg $0xC0  }
0xac: {  	_ =	task [dreg:s8], $0x5FFFF  }
0xad: {  	[dreg:$0x1] =	wrdreg $0xFFFFFFFF  }
0xae: {  	[dreg:$0x0] =	wrdreg $0x60  }
0xaf: {  	[dreg:$0x2] =	wrdreg s2  }
0xb0: {  	[dreg:$0x3] =	wrdreg s24  }
0xb1: {  	[dreg:$0x4] =	wrdreg s18  }
0xb2: {  	[dreg:$0x5] =	wrdreg $0x9  }
0xb3: {  	_ =	task.clear_ibuf [dreg:s8], $0x6FFFF;
	_ =	strace $0x90000046  }
0xb4: {  	s29 =	simm.s32 $0x9;
	_ =	strace $0x80000048  }
0xb5: {  	_ =	swait.ge [sflag:s29], $0x1  }
0xb6: {  	[sflag:s29] =	ssyncadd.s32 $0xFFFFFFFF  }
0xb7: {  	_ =	strace $0x90000048  }
0xb8: {  	_ =	sfence  }
0xb9: {  	s30 =	sld [smem:$0x0];
	_ =	sdelay $0x2  }
0xba: {  	s31 =	sshll.u32 s1, $0xD;
	s1 =	sshrl.u32 s1, $0x2  }
0xbb: {  	s3 =	sand.u32 $0x4000, s31;
	s1 =	sadd.s32 s1, s30  }
0xbc: {  	s0 =	sor.u32 s3, s0;
	s1 =	sshll.u32 s1, $0x11  }
0xbd: {  	s0 =	sor.u32 s1, s0  }
0xbe: {  	s0 =	sadd.s32 $0x8F2B, s0  }
0xbf: {  	[sflag:s0] =	ssyncadd.remote.s32 $0x1  }
0xc0: {  	_ =	sfence.sel $0xFFFF  }
0xc1: {  	[dreg:$0x0] =	wrdreg $0xFFFFFFFF;
	(pc) =	sbr.abs _section_cstart, $3  }
0xc2: {  	[dreg:$0x1] =	wrdreg $0xFFFFFFFF  }
0xc3: {  	_ =	task.clear_ibuf [dreg:s8], $0x2FFFF;
	_ =	strace $0x9FFFFFFF  }
0xc4: {  	(tm) =	ssettm $0x7FFFFFFF  }
0xc5: {  	_ =	shalt  }
tec
execute0_lowered:
.L_overlay_start_1:
0x0: {  	(tag) =	ssettag $0x1  }
0x1: {  	s7 =	rddreg [dreg:$0x0]  }
0x2: {  	s0 =	rddreg [dreg:$0x1]  }
0x3: {  	s1 =	rddreg [dreg:$0x2];
	s2 =	simm.s32 $0x0  }
0x4: {  	[smem:$0x7FF] =	sst s2;
	s0 =	sadd.s32 $0x400, s0  }
0x5: {  	s10 =	sadd.s32 $0x80000, s7;
	_ =	strace $0x80000047;
	[dreg:$0x4] =	wrdreg s0  }
0x6: {  	s11 =	sadd.s32 $0x400, s7;
	[dreg:$0x5] =	wrdreg s10  }
0x7: {  	s12 =	sadd.s32 $0x80400, s7;
	[dreg:$0x6] =	wrdreg s11  }
0x8: {  	s13 =	sadd.s32 $0x800, s7;
	[dreg:$0x7] =	wrdreg s12  }
0x9: {  	s14 =	sadd.s32 $0x80800, s7;
	[dreg:$0x8] =	wrdreg s13  }
0xa: {  	s15 =	sadd.s32 $0xC00, s7;
	[dreg:$0x9] =	wrdreg s14  }
0xb: {  	s16 =	sadd.s32 $0x80C00, s7;
	[dreg:$0xa] =	wrdreg s15  }
0xc: {  	s17 =	sadd.s32 $0x1000, s7;
	[dreg:$0xb] =	wrdreg s16  }
0xd: {  	s18 =	sadd.s32 $0x81000, s7;
	[dreg:$0xc] =	wrdreg s17  }
0xe: {  	s19 =	sadd.s32 $0x1400, s7;
	[dreg:$0xd] =	wrdreg s18  }
0xf: {  	s20 =	sadd.s32 $0x81400, s7;
	[dreg:$0xe] =	wrdreg s19  }
0x10: {  	s21 =	sadd.s32 $0x1800, s7;
	[dreg:$0xf] =	wrdreg s20  }
0x11: {  	s22 =	sadd.s32 $0x81800, s7;
	[dreg:$0x12] =	wrdreg s21  }
0x12: {  	s24 =	sadd.s32 $0x1C00, s7;
	[dreg:$0x13] =	wrdreg s22  }
0x13: {  	s25 =	sadd.s32 $0x81C00, s7;
	[dreg:$0x15] =	wrdreg s24  }
0x14: {  	s28 =	sadd.s32 $0x2000, s7;
	[dreg:$0x16] =	wrdreg s25  }
0x15: {  	s29 =	sadd.s32 $0x82000, s7;
	[dreg:$0x18] =	wrdreg s28  }
0x16: {  	s8 =	sadd.s32 $0x82800, s7;
	[dreg:$0x1a] =	wrdreg s29  }
0x17: {  	[smem:$0x7E8] =	sst s8;
	s10 =	sadd.s32 $0x2C00, s7  }
0x18: {  	s11 =	sadd.s32 $0x82C00, s7;
	[smem:$0x7EA] =	sst s10  }
0x19: {  	s13 =	sadd.s32 $0x3000, s7;
	[smem:$0x7EB] =	sst s11  }
0x1a: {  	s3 =	srdreg.scid;
	s14 =	sadd.s32 $0x83000, s7;
	[smem:$0x7ED] =	sst s13  }
0x1b: {  	s6 =	stileid.u32;
	s16 =	sadd.s32 $0x3400, s7;
	[smem:$0x7EE] =	sst s14  }
0x1c: {  	s3 =	sand.u32 $0x1, s3;
	s17 =	sadd.s32 $0x83400, s7;
	[smem:$0x7F0] =	sst s16  }
0x1d: {  	s6 =	sshll.u32 s6, $0x8;
	s19 =	sadd.s32 $0x3800, s7;
	[smem:$0x7F1] =	sst s17  }
0x1e: {  	s4 =	ssub.s32 $0x2, s3;
	s20 =	sadd.s32 $0x83800, s7;
	[smem:$0x7F3] =	sst s19  }
0x1f: {  	s3 =	sshll.u32 s3, $0x7;
	s22 =	sadd.s32 $0x3C00, s7;
	[smem:$0x7F4] =	sst s20  }
0x20: {  	s3 =	sor.u32 s3, s6;
	s6 =	sadd.s32 $0x2800, s7;
	[smem:$0x7F6] =	sst s22  }
0x21: {  	s5 =	sshrl.u32 s4, $0x1;
	s3 =	sshll.u32 s3, $0x7;
	[dreg:$0x1f] =	wrdreg s6  }
0x22: {  	s9 =	ssub.s32 s4, s5;
	s4 =	sadd.s32 $0x82400, s7;
	[dreg:$0x10] =	wrdreg s3  }
0x23: {  	s0 =	smax.u32 s9, $0x1;
	[dreg:$0x1d] =	wrdreg s4  }
0x24: {  	s1 =	sadd.s32 s1, s3;
	s3 =	sadd.s32 $0x2400, s7;
	[dreg:$0x19] =	wrdreg s0  }
0x25: {  	[dreg:$0x1c] =	wrdreg s3  }
0x26: {  	s31 =	simm.s32 $0xC080;
	s23 =	sadd.s32 $0x400, s1;
	[dreg:$0x11] =	wrdreg s1  }
0x27: {  	s8 =	simm.s32 $0x7;
	s26 =	sadd.s32 $0x800, s1;
	[dreg:$0x14] =	wrdreg s23  }
0x28: {  	s22 =	simm.s32 $0x8080;
	s30 =	sadd.s32 $0xC00, s1;
	[dreg:$0x17] =	wrdreg s26  }
0x29: {  	s10 =	simm.s32 $0x2;
	s5 =	sadd.s32 $0x1000, s1;
	[dreg:$0x1b] =	wrdreg s30  }
0x2a: {  	s11 =	simm.s32 $0x8;
	s9 =	sadd.s32 $0x1400, s1;
	[dreg:$0x1e] =	wrdreg s5  }
0x2b: {  	s13 =	simm.s32 $0x3;
	s12 =	sadd.s32 $0x1800, s1;
	[smem:$0x7E9] =	sst s9  }
0x2c: {  	s14 =	simm.s32 $0x9;
	s15 =	sadd.s32 $0x1C00, s1;
	[smem:$0x7EC] =	sst s12  }
0x2d: {  	s19 =	simm.s32 $0xA;
	s18 =	sadd.s32 $0x2000, s1;
	[smem:$0x7EF] =	sst s15  }
0x2e: {  	s20 =	simm.s32 $0x10;
	s21 =	sadd.s32 $0x2400, s1;
	[smem:$0x7F2] =	sst s18  }
0x2f: {  	s16 =	simm.s32 $0x12;
	s24 =	sadd.s32 $0x2800, s1;
	[smem:$0x7F5] =	sst s21  }
0x30: {  	s17 =	simm.s32 $0x0;
	s25 =	sadd.s32 $0x2C00, s1;
	[smem:$0x7F8] =	sst s24  }
0x31: {  	s28 =	sadd.s32 $0x3400, s1;
	s29 =	sadd.s32 $0x3800, s1;
	[smem:$0x7F9] =	sst s25  }
0x32: {  	s23 =	sadd.s32 $0x83C00, s7;
	s26 =	sadd.s32 $0x3000, s1;
	[smem:$0x7FB] =	sst s28  }
0x33: {  	[smem:$0x7FC] =	sst s29;
	s30 =	sadd.s32 $0x3C00, s1;
	s1 =	simm.s32 $0x80  }
0x34: {  	s21 =	simm.s32 $0x4080;
	s24 =	simm.s32 $0x14080;
	s7 =	simm.s32 $0x1  }
0x35: {  	s9 =	simm.s32 $0xD;
	s12 =	simm.s32 $0xE;
	[smem:$0x7F7] =	sst s23  }
0x36: {  	s15 =	simm.s32 $0xF;
	s18 =	simm.s32 $0x4;
	[smem:$0x7FA] =	sst s26  }
0x37: {  	s25 =	simm.s32 $0xC;
	[smem:$0x7FD] =	sst s30;
	s23 =	simm.s32 $0x10080  }
.LBB2_1:
0x38: {  	s0 =	rddreg [dreg:$0x4];
	s3 =	simm.s32 $0x13  }
0x39: {  	[tilespmem:s2], [sflag:$0x13] =	stream.linear.gather [hbm4b:s0+s2], $0x80, $0x38;
	[tilespmem:$0x18080] =	vst v63  }
0x3a: {  	_ =	swait.ge [sflag:s3], $0x80  }
0x3b: {  	[sflag:s3] =	ssyncset.done $0x0  }
0x3c: {  	[sflag:s3] =	ssyncadd.s32 $0xFFFFFF80  }
0x3d: {  	v0 =	vld [tilespmem:$0x0];
	_ =	sdelay $0x4  }
0x3e: {  	(v2sf) =	vpush v0, $0x0;
	_ =	sdelay $0xe  }
0x3f: {  	s3 =	spop (v2sf)  }
0x40: {  	s4 =	rddreg [dreg:$0x10];
	s3 =	sshll.u32 s3, $0x14  }
0x41: {  	s5 =	rddreg [dreg:$0x0];
	s3 =	sor.u32 s4, s3  }
0x42: {  	s6 =	rddreg [dreg:$0x5];
	s4 =	sadd.s32 s5, s3;
	s26 =	sand.u32 $0x1FF7C000, s3  }
0x43: {  	[tilespmem:s1], [sflag:$0x1] =	stream.linear.gather [hbm4b:s4+s2], $0x2000, $0x38;
	[tilespmem:$0x18080] =	vst v63  }
0x44: {  	s28 =	simm.s32 $0x2080;
	s30 =	rddreg [dreg:$0x6];
	s3 =	sadd.s32 s26, s6  }
0x45: {  	[tilespmem:s28], [sflag:$0x7] =	stream.linear.gather [hbm4b:s3+s2], $0x2000, $0x38;
	[tilespmem:$0x18080] =	vst v63  }
0x46: {  	s1 =	sadd.s32 s26, s30;
	s4 =	rddreg [dreg:$0x7]  }
0x47: {  	[tilespmem:s21], [sflag:$0x2] =	stream.linear.gather [hbm4b:s1+s2], $0x2000, $0x38;
	[tilespmem:$0x18080] =	vst v63  }
0x48: {  	s6 =	simm.s32 $0x6080;
	s5 =	sadd.s32 s26, s4;
	s21 =	rddreg [dreg:$0x8]  }
0x49: {  	[tilespmem:s6], [sflag:$0x8] =	stream.linear.gather [hbm4b:s5+s2], $0x2000, $0x38;
	[tilespmem:$0x18080] =	vst v63  }
0x4a: {  	s30 =	rddreg [dreg:$0x9];
	s28 =	sadd.s32 s26, s21  }
0x4b: {  	[tilespmem:s22], [sflag:$0x3] =	stream.linear.gather [hbm4b:s28+s2], $0x2000, $0x38;
	[tilespmem:$0x18080] =	vst v63  }
0x4c: {  	s0 =	sadd.s32 s26, s30;
	s3 =	rddreg [dreg:$0xa];
	s1 =	simm.s32 $0xA080  }
0x4d: {  	[tilespmem:s1], [sflag:$0x9] =	stream.linear.gather [hbm4b:s0+s2], $0x2000, $0x38;
	[tilespmem:$0x18080] =	vst v63  }
0x4e: {  	s4 =	sadd.s32 s26, s3;
	s5 =	rddreg [dreg:$0xb]  }
0x4f: {  	[tilespmem:s31], [sflag:$0x4] =	stream.linear.gather [hbm4b:s4+s2], $0x2000, $0x38;
	[tilespmem:$0x18080] =	vst v63  }
0x50: {  	s21 =	simm.s32 $0xE080;
	s6 =	sadd.s32 s26, s5;
	s22 =	rddreg [dreg:$0xc]  }
0x51: {  	[tilespmem:s21], [sflag:$0xA] =	stream.linear.gather [hbm4b:s6+s2], $0x2000, $0x38;
	[tilespmem:$0x18080] =	vst v63  }
0x52: {  	s30 =	rddreg [dreg:$0xd];
	s28 =	sadd.s32 s26, s22  }
0x53: {  	[tilespmem:s23], [sflag:$0x5] =	stream.linear.gather [hbm4b:s28+s2], $0x2000, $0x38;
	[tilespmem:$0x18080] =	vst v63  }
0x54: {  	s3 =	rddreg [dreg:$0xe];
	s0 =	sadd.s32 s26, s30;
	s1 =	simm.s32 $0x12080  }
0x55: {  	[tilespmem:s1], [sflag:$0xB] =	stream.linear.gather [hbm4b:s0+s2], $0x2000, $0x38;
	[tilespmem:$0x18080] =	vst v63  }
0x56: {  	s5 =	rddreg [dreg:$0xf];
	s4 =	sadd.s32 s26, s3  }
0x57: {  	[tilespmem:s24], [sflag:$0x6] =	stream.linear.gather [hbm4b:s4+s2], $0x2000, $0x38;
	[tilespmem:$0x18080] =	vst v63  }
0x58: {  	s6 =	sadd.s32 s26, s5;
	s21 =	simm.s32 $0x16080  }
0x59: {  	[tilespmem:s21], [sflag:$0xC] =	stream.linear.gather [hbm4b:s6+s2], $0x2000, $0x38;
	[tilespmem:$0x18080] =	vst v63  }
0x5a: {  	_ =	swait.ge [sflag:s7], $0x2000  }
0x5b: {  	[sflag:s7] =	ssyncset.done $0x0  }
0x5c: {  	[sflag:s7] =	ssyncadd.s32 $0xFFFFE000  }
0x5d: {  	s22 =	sand.u32 $0x1C00, s2;
	s23 =	sand.u32 $0x380, s2;
	_ =	swait.ge [sflag:s8], $0x2000  }
0x5e: {  	s5 =	sand.u32 $0x40, s2;
	s3 =	sor.u32 s23, s22;
	[sflag:s8] =	ssyncset.done $0x0  }
0x5f: {  	s29 =	sor.u32 s5, s3;
	[sflag:s8] =	ssyncadd.s32 $0xFFFFE000  }
0x60: {  	v0 =	vld [tilespmem:s29+$0xB0]  }
0x61: {  	v1 =	vld [tilespmem:s29+$0x20B0]  }
0x62: {  	v2 =	vld [tilespmem:s29+$0x80]  }
0x63: {  	v3 =	vld [tilespmem:s29+$0x2080]  }
0x64: {  	s28 =	simm.s32 $0x8;
	s24 =	simm.s32 $0x200;
	v4 =	vld [tilespmem:s29+$0x90]  }
0x65: {  	s3 =	simm.s32 $0x40;
	s4 =	sand.u32 $0x380, s28;
	s30 =	sand.u32 $0x1C00, s24;
	v5 =	vld [tilespmem:s29+$0x2090]  }
0x66: {  	s6 =	sand.u32 $0x40, s3;
	s4 =	sor.u32 s4, s30;
	v6 =	vld [tilespmem:s29+$0xA0]  }
0x67: {  	s31 =	sor.u32 s6, s4;
	v7 =	vld [tilespmem:s29+$0x20A0];
	v1 =	vadd.f32 v1, v0  }
0x68: {  	v0 =	vld [tilespmem:s31+$0xB0];
	v2 =	vadd.f32 v3, v2  }
0x69: {  	v3 =	vld [tilespmem:s31+$0x20B0];
	v8 =	vmul.f32 $5.000000000e-01, v1  }
0x6a: {  	v5 =	vadd.f32 v5, v4;
	v4 =	vld [tilespmem:s31+$0x2080];
	v9 =	vmul.f32 $5.000000000e-01, v2  }
0x6b: {  	v1 =	vld [tilespmem:s31+$0x80];
	[tilespmem:s29+$0xB0] =	vst v8  }
0x6c: {  	s5 =	simm.s32 $0x400;
	s4 =	simm.s32 $0x4;
	s6 =	simm.s32 $0x10;
	v6 =	vadd.f32 v7, v6;
	v2 =	vld [tilespmem:s31+$0x90];
	v5 =	vmul.f32 $5.000000000e-01, v5;
	[tilespmem:s29+$0x80] =	vst v9  }
.LBB2_2:
0x6d: {  	s28 =	sand.u32 $0x1C00, s5;
	s30 =	sand.u32 $0x380, s6;
	v7 =	vld [tilespmem:s31+$0x2090];
	s3 =	sadd.s32 $0x40, s3  }
0x6e: {  	s4 =	sadd.s32 $0x4, s4;
	s0 =	sand.u32 $0x40, s3;
	s28 =	sor.u32 s30, s28;
	v8 =	vld [tilespmem:s31+$0xA0];
	v3 =	vadd.f32 v3, v0;
	[tilespmem:s29+$0x90] =	vst v5;
	v5 =	vmul.f32 $5.000000000e-01, v6  }
0x6f: {  	p0 =	slt.u32 s4, $0x1FC;
	s0 =	sor.u32 s0, s28;
	v6 =	vld [tilespmem:s31+$0x20A0]  }
.Ltmp0:
0x70: {  	v0 =	vld [tilespmem:s0+$0xB0];
	v4 =	vadd.f32 v4, v1;
	v9 =	vmul.f32 $5.000000000e-01, v3;
	[tilespmem:s29+$0xA0] =	vst v5;
	s29 =	smov.u32 s31;
	s31 =	smov.u32 s0;
	(pc) =	sbr.rel @p0 .LBB2_2-.Ltmp0, $4  }
0x71: {  	v3 =	vld [tilespmem:s31+$0x20B0]  }
0x72: {  	v1 =	vld [tilespmem:s31+$0x80];
	v5 =	vmul.f32 $5.000000000e-01, v4;
	v7 =	vadd.f32 v7, v2;
	[tilespmem:s29+$0xB0] =	vst v9  }
0x73: {  	v4 =	vld [tilespmem:s31+$0x2080]  }
0x74: {  	s5 =	sadd.s32 $0x200, s5;
	s6 =	sadd.s32 $0x8, s6;
	v2 =	vld [tilespmem:s31+$0x90];
	[tilespmem:s29+$0x80] =	vst v5;
	v5 =	vmul.f32 $5.000000000e-01, v7;
	v6 =	vadd.f32 v6, v8  }
0x75: {  	v7 =	vld [tilespmem:s31+$0x2090]  }
0x76: {  	v8 =	vld [tilespmem:s31+$0xA0]  }
0x77: {  	v9 =	vld [tilespmem:s31+$0x20A0];
	_ =	sdelay $0x1  }
0x78: {  	v0 =	vadd.f32 v3, v0  }
0x79: {  	v3 =	vmul.f32 $5.000000000e-01, v6;
	v1 =	vadd.f32 v4, v1  }
0x7a: {  	[tilespmem:s29+$0x90] =	vst v5;
	v0 =	vmul.f32 $5.000000000e-01, v0;
	v2 =	vadd.f32 v7, v2  }
0x7b: {  	[tilespmem:s29+$0xA0] =	vst v3;
	v1 =	vmul.f32 $5.000000000e-01, v1;
	v3 =	vadd.f32 v9, v8  }
0x7c: {  	[tilespmem:s31+$0xB0] =	vst v0;
	v0 =	vmul.f32 $5.000000000e-01, v2  }
0x7d: {  	[tilespmem:s31+$0x80] =	vst v1;
	v1 =	vmul.f32 $5.000000000e-01, v3  }
0x7e: {  	[tilespmem:s31+$0x90] =	vst v0  }
0x7f: {  	[tilespmem:s31+$0xA0] =	vst v1  }
0x80: {  	s0 =	simm.s32 $0x0;
	s1 =	simm.s32 $0x80;
	s3 =	rddreg [dreg:$0x11]  }
0x81: {  	[hbm4b:s3+s0] =	stream.linear.scatter [tilespmem:s1], [sflag:$0xD], $0x2000, $0x38;
	[tilespmem:$0x18080] =	vst v63  }
0x82: {  	_ =	swait.ge [sflag:s9], $0x2000  }
0x83: {  	[sflag:s9] =	ssyncset.done $0x0;
	s6 =	rddreg [dreg:$0x12]  }
0x84: {  	s21 =	rddreg [dreg:$0x13];
	[sflag:s9] =	ssyncadd.s32 $0xFFFFE000;
	s3 =	sadd.s32 s26, s6  }
0x85: {  	[tilespmem:s1], [sflag:$0x1] =	stream.linear.gather [hbm4b:s3+s0], $0x2000, $0x38;
	[tilespmem:$0x18080] =	vst v63  }
0x86: {  	s22 =	simm.s32 $0x2080;
	s3 =	sadd.s32 s26, s21  }
0x87: {  	[tilespmem:s22], [sflag:$0x7] =	stream.linear.gather [hbm4b:s3+s0], $0x2000, $0x38;
	[tilespmem:$0x18080] =	vst v63  }
0x88: {  	_ =	swait.ge [sflag:s10], $0x2000  }
0x89: {  	[sflag:s10] =	ssyncset.done $0x0  }
0x8a: {  	[sflag:s10] =	ssyncadd.s32 $0xFFFFE000  }
0x8b: {  	s23 =	sand.u32 $0x1C00, s0;
	s4 =	sand.u32 $0x380, s0;
	_ =	swait.ge [sflag:s11], $0x2000  }
0x8c: {  	s0 =	sand.u32 $0x40, s0;
	s3 =	sor.u32 s4, s23;
	[sflag:s11] =	ssyncset.done $0x0  }
0x8d: {  	s29 =	sor.u32 s0, s3;
	[sflag:s11] =	ssyncadd.s32 $0xFFFFE000  }
0x8e: {  	v0 =	vld [tilespmem:s29+$0x40B0]  }
0x8f: {  	v1 =	vld [tilespmem:s29+$0x60B0]  }
0x90: {  	v2 =	vld [tilespmem:s29+$0x4080]  }
0x91: {  	v3 =	vld [tilespmem:s29+$0x6080]  }
0x92: {  	s24 =	simm.s32 $0x200;
	s28 =	simm.s32 $0x8;
	v4 =	vld [tilespmem:s29+$0x4090]  }
0x93: {  	s30 =	sand.u32 $0x380, s28;
	s0 =	sand.u32 $0x1C00, s24;
	s3 =	simm.s32 $0x40;
	v5 =	vld [tilespmem:s29+$0x6090]  }
0x94: {  	s5 =	sand.u32 $0x40, s3;
	s0 =	sor.u32 s30, s0;
	v6 =	vld [tilespmem:s29+$0x40A0]  }
0x95: {  	s31 =	sor.u32 s5, s0;
	v7 =	vld [tilespmem:s29+$0x60A0];
	v1 =	vadd.f32 v1, v0  }
0x96: {  	v0 =	vld [tilespmem:s31+$0x40B0];
	v2 =	vadd.f32 v3, v2  }
0x97: {  	v3 =	vld [tilespmem:s31+$0x60B0];
	v8 =	vmul.f32 $5.000000000e-01, v1  }
0x98: {  	v5 =	vadd.f32 v5, v4;
	v4 =	vld [tilespmem:s31+$0x6080];
	v63 =	vmul.f32 $5.000000000e-01, v2  }
0x99: {  	v1 =	vld [tilespmem:s31+$0x4080];
	[tilespmem:s29+$0x40B0] =	vst v8  }
0x9a: {  	s6 =	simm.s32 $0x10;
	s4 =	simm.s32 $0x4;
	s5 =	simm.s32 $0x400;
	v6 =	vadd.f32 v7, v6;
	v2 =	vld [tilespmem:s31+$0x4090];
	v5 =	vmul.f32 $5.000000000e-01, v5;
	[tilespmem:s29+$0x4080] =	vst v63  }
.LBB2_4:
0x9b: {  	s0 =	sand.u32 $0x1C00, s5;
	s28 =	sand.u32 $0x380, s6;
	v7 =	vld [tilespmem:s31+$0x6090];
	s3 =	sadd.s32 $0x40, s3  }
0x9c: {  	s4 =	sadd.s32 $0x4, s4;
	s30 =	sand.u32 $0x40, s3;
	s0 =	sor.u32 s28, s0;
	v8 =	vld [tilespmem:s31+$0x40A0];
	v3 =	vadd.f32 v3, v0;
	[tilespmem:s29+$0x4090] =	vst v5;
	v5 =	vmul.f32 $5.000000000e-01, v6  }
0x9d: {  	p0 =	slt.u32 s4, $0x1FC;
	s0 =	sor.u32 s30, s0;
	v6 =	vld [tilespmem:s31+$0x60A0]  }
.Ltmp1:
0x9e: {  	v0 =	vld [tilespmem:s0+$0x40B0];
	v4 =	vadd.f32 v4, v1;
	v9 =	vmul.f32 $5.000000000e-01, v3;
	[tilespmem:s29+$0x40A0] =	vst v5;
	s29 =	smov.u32 s31;
	s31 =	smov.u32 s0;
	(pc) =	sbr.rel @p0 .LBB2_4-.Ltmp1, $4  }
0x9f: {  	v3 =	vld [tilespmem:s31+$0x60B0]  }
0xa0: {  	v1 =	vld [tilespmem:s31+$0x4080];
	v5 =	vmul.f32 $5.000000000e-01, v4;
	v7 =	vadd.f32 v7, v2;
	[tilespmem:s29+$0x40B0] =	vst v9  }
0xa1: {  	v4 =	vld [tilespmem:s31+$0x6080]  }
0xa2: {  	s5 =	sadd.s32 $0x200, s5;
	s6 =	sadd.s32 $0x8, s6;
	v2 =	vld [tilespmem:s31+$0x4090];
	[tilespmem:s29+$0x4080] =	vst v5;
	v5 =	vmul.f32 $5.000000000e-01, v7;
	v6 =	vadd.f32 v6, v8  }
0xa3: {  	v7 =	vld [tilespmem:s31+$0x6090]  }
0xa4: {  	v8 =	vld [tilespmem:s31+$0x40A0]  }
0xa5: {  	v9 =	vld [tilespmem:s31+$0x60A0];
	_ =	sdelay $0x1  }
0xa6: {  	v0 =	vadd.f32 v3, v0  }
0xa7: {  	v3 =	vmul.f32 $5.000000000e-01, v6;
	v1 =	vadd.f32 v4, v1  }
0xa8: {  	[tilespmem:s29+$0x4090] =	vst v5;
	v0 =	vmul.f32 $5.000000000e-01, v0;
	v2 =	vadd.f32 v7, v2  }
0xa9: {  	[tilespmem:s29+$0x40A0] =	vst v3;
	v1 =	vmul.f32 $5.000000000e-01, v1;
	v3 =	vadd.f32 v9, v8  }
0xaa: {  	[tilespmem:s31+$0x40B0] =	vst v0;
	v0 =	vmul.f32 $5.000000000e-01, v2  }
0xab: {  	[tilespmem:s31+$0x4080] =	vst v1;
	v1 =	vmul.f32 $5.000000000e-01, v3  }
0xac: {  	[tilespmem:s31+$0x4090] =	vst v0  }
0xad: {  	[tilespmem:s31+$0x40A0] =	vst v1  }
0xae: {  	s0 =	simm.s32 $0x0;
	s1 =	simm.s32 $0x4080;
	s3 =	rddreg [dreg:$0x14]  }
0xaf: {  	[hbm4b:s3+s0] =	stream.linear.scatter [tilespmem:s1], [sflag:$0xE], $0x2000, $0x38;
	[tilespmem:$0x18080] =	vst v63  }
0xb0: {  	_ =	swait.ge [sflag:s12], $0x2000  }
0xb1: {  	[sflag:s12] =	ssyncset.done $0x0;
	s6 =	rddreg [dreg:$0x15]  }
0xb2: {  	s21 =	rddreg [dreg:$0x16];
	[sflag:s12] =	ssyncadd.s32 $0xFFFFE000;
	s3 =	sadd.s32 s26, s6  }
0xb3: {  	[tilespmem:s1], [sflag:$0x2] =	stream.linear.gather [hbm4b:s3+s0], $0x2000, $0x38;
	[tilespmem:$0x18080] =	vst v63  }
0xb4: {  	s22 =	simm.s32 $0x6080;
	s3 =	sadd.s32 s26, s21  }
0xb5: {  	[tilespmem:s22], [sflag:$0x8] =	stream.linear.gather [hbm4b:s3+s0], $0x2000, $0x38;
	[tilespmem:$0x18080] =	vst v63  }
0xb6: {  	_ =	swait.ge [sflag:s13], $0x2000  }
0xb7: {  	[sflag:s13] =	ssyncset.done $0x0  }
0xb8: {  	[sflag:s13] =	ssyncadd.s32 $0xFFFFE000  }
0xb9: {  	s23 =	sand.u32 $0x1C00, s0;
	s4 =	sand.u32 $0x380, s0;
	_ =	swait.ge [sflag:s14], $0x2000  }
0xba: {  	s0 =	sand.u32 $0x40, s0;
	s3 =	sor.u32 s4, s23;
	[sflag:s14] =	ssyncset.done $0x0  }
0xbb: {  	s29 =	sor.u32 s0, s3;
	[sflag:s14] =	ssyncadd.s32 $0xFFFFE000  }
0xbc: {  	v0 =	vld [tilespmem:s29+$0x80B0]  }
0xbd: {  	v1 =	vld [tilespmem:s29+$0xA0B0]  }
0xbe: {  	v2 =	vld [tilespmem:s29+$0x8080]  }
0xbf: {  	v3 =	vld [tilespmem:s29+$0xA080]  }
0xc0: {  	s24 =	simm.s32 $0x200;
	s28 =	simm.s32 $0x8;
	v4 =	vld [tilespmem:s29+$0x8090]  }
0xc1: {  	s30 =	sand.u32 $0x380, s28;
	s0 =	sand.u32 $0x1C00, s24;
	s3 =	simm.s32 $0x40;
	v5 =	vld [tilespmem:s29+$0xA090]  }
0xc2: {  	s5 =	sand.u32 $0x40, s3;
	s0 =	sor.u32 s30, s0;
	v6 =	vld [tilespmem:s29+$0x80A0]  }
0xc3: {  	s31 =	sor.u32 s5, s0;
	v7 =	vld [tilespmem:s29+$0xA0A0];
	v1 =	vadd.f32 v1, v0  }
0xc4: {  	v0 =	vld [tilespmem:s31+$0x80B0];
	v2 =	vadd.f32 v3, v2  }
0xc5: {  	v3 =	vld [tilespmem:s31+$0xA0B0];
	v8 =	vmul.f32 $5.000000000e-01, v1  }
0xc6: {  	v5 =	vadd.f32 v5, v4;
	v4 =	vld [tilespmem:s31+$0xA080];
	v63 =	vmul.f32 $5.000000000e-01, v2  }
0xc7: {  	v1 =	vld [tilespmem:s31+$0x8080];
	[tilespmem:s29+$0x80B0] =	vst v8  }
0xc8: {  	s6 =	simm.s32 $0x10;
	s4 =	simm.s32 $0x4;
	s5 =	simm.s32 $0x400;
	v6 =	vadd.f32 v7, v6;
	v2 =	vld [tilespmem:s31+$0x8090];
	v5 =	vmul.f32 $5.000000000e-01, v5;
	[tilespmem:s29+$0x8080] =	vst v63  }
.LBB2_6:
0xc9: {  	s0 =	sand.u32 $0x1C00, s5;
	s28 =	sand.u32 $0x380, s6;
	v7 =	vld [tilespmem:s31+$0xA090];
	s3 =	sadd.s32 $0x40, s3  }
0xca: {  	s4 =	sadd.s32 $0x4, s4;
	s30 =	sand.u32 $0x40, s3;
	s0 =	sor.u32 s28, s0;
	v8 =	vld [tilespmem:s31+$0x80A0];
	v3 =	vadd.f32 v3, v0;
	[tilespmem:s29+$0x8090] =	vst v5;
	v5 =	vmul.f32 $5.000000000e-01, v6  }
0xcb: {  	p0 =	slt.u32 s4, $0x1FC;
	s0 =	sor.u32 s30, s0;
	v6 =	vld [tilespmem:s31+$0xA0A0]  }
.Ltmp2:
0xcc: {  	v0 =	vld [tilespmem:s0+$0x80B0];
	v4 =	vadd.f32 v4, v1;
	v9 =	vmul.f32 $5.000000000e-01, v3;
	[tilespmem:s29+$0x80A0] =	vst v5;
	s29 =	smov.u32 s31;
	s31 =	smov.u32 s0;
	(pc) =	sbr.rel @p0 .LBB2_6-.Ltmp2, $4  }
0xcd: {  	v3 =	vld [tilespmem:s31+$0xA0B0]  }
0xce: {  	v1 =	vld [tilespmem:s31+$0x8080];
	v5 =	vmul.f32 $5.000000000e-01, v4;
	v7 =	vadd.f32 v7, v2;
	[tilespmem:s29+$0x80B0] =	vst v9  }
0xcf: {  	v4 =	vld [tilespmem:s31+$0xA080]  }
0xd0: {  	s5 =	sadd.s32 $0x200, s5;
	s6 =	sadd.s32 $0x8, s6;
	v2 =	vld [tilespmem:s31+$0x8090];
	[tilespmem:s29+$0x8080] =	vst v5;
	v5 =	vmul.f32 $5.000000000e-01, v7;
	v6 =	vadd.f32 v6, v8  }
0xd1: {  	v7 =	vld [tilespmem:s31+$0xA090]  }
0xd2: {  	v8 =	vld [tilespmem:s31+$0x80A0]  }
0xd3: {  	v9 =	vld [tilespmem:s31+$0xA0A0];
	_ =	sdelay $0x1  }
0xd4: {  	v0 =	vadd.f32 v3, v0  }
0xd5: {  	v3 =	vmul.f32 $5.000000000e-01, v6;
	v1 =	vadd.f32 v4, v1  }
0xd6: {  	[tilespmem:s29+$0x8090] =	vst v5;
	v0 =	vmul.f32 $5.000000000e-01, v0;
	v2 =	vadd.f32 v7, v2  }
0xd7: {  	[tilespmem:s29+$0x80A0] =	vst v3;
	v1 =	vmul.f32 $5.000000000e-01, v1;
	v3 =	vadd.f32 v9, v8  }
0xd8: {  	[tilespmem:s31+$0x80B0] =	vst v0;
	v0 =	vmul.f32 $5.000000000e-01, v2  }
0xd9: {  	[tilespmem:s31+$0x8080] =	vst v1;
	v1 =	vmul.f32 $5.000000000e-01, v3  }
0xda: {  	[tilespmem:s31+$0x8090] =	vst v0  }
0xdb: {  	[tilespmem:s31+$0x80A0] =	vst v1  }
0xdc: {  	s0 =	simm.s32 $0x0;
	s1 =	simm.s32 $0x8080;
	s3 =	rddreg [dreg:$0x17]  }
0xdd: {  	[hbm4b:s3+s0] =	stream.linear.scatter [tilespmem:s1], [sflag:$0xF], $0x2000, $0x38;
	[tilespmem:$0x18080] =	vst v63  }
0xde: {  	_ =	swait.ge [sflag:s15], $0x2000  }
0xdf: {  	[sflag:s15] =	ssyncset.done $0x0;
	s6 =	rddreg [dreg:$0x18]  }
0xe0: {  	s21 =	rddreg [dreg:$0x1a];
	[sflag:s15] =	ssyncadd.s32 $0xFFFFE000;
	s3 =	sadd.s32 s26, s6  }
0xe1: {  	[tilespmem:s1], [sflag:$0x3] =	stream.linear.gather [hbm4b:s3+s0], $0x2000, $0x38;
	[tilespmem:$0x18080] =	vst v63  }
0xe2: {  	s22 =	simm.s32 $0xA080;
	s3 =	sadd.s32 s26, s21  }
0xe3: {  	[tilespmem:s22], [sflag:$0x9] =	stream.linear.gather [hbm4b:s3+s0], $0x2000, $0x38;
	[tilespmem:$0x18080] =	vst v63  }
0xe4: {  	_ =	swait.ge [sflag:s18], $0x2000  }
0xe5: {  	[sflag:s18] =	ssyncset.done $0x0  }
0xe6: {  	[sflag:s18] =	ssyncadd.s32 $0xFFFFE000  }
0xe7: {  	s23 =	sand.u32 $0x1C00, s0;
	s4 =	sand.u32 $0x380, s0;
	_ =	swait.ge [sflag:s19], $0x2000  }
0xe8: {  	s0 =	sand.u32 $0x40, s0;
	s3 =	sor.u32 s4, s23;
	[sflag:s19] =	ssyncset.done $0x0  }
0xe9: {  	s29 =	sor.u32 s0, s3;
	[sflag:s19] =	ssyncadd.s32 $0xFFFFE000  }
0xea: {  	v0 =	vld [tilespmem:s29+$0xC0B0]  }
0xeb: {  	v1 =	vld [tilespmem:s29+$0xE0B0]  }
0xec: {  	v2 =	vld [tilespmem:s29+$0xC080]  }
0xed: {  	v3 =	vld [tilespmem:s29+$0xE080]  }
0xee: {  	s24 =	simm.s32 $0x200;
	s28 =	simm.s32 $0x8;
	v4 =	vld [tilespmem:s29+$0xC090]  }
0xef: {  	s30 =	sand.u32 $0x380, s28;
	s0 =	sand.u32 $0x1C00, s24;
	s3 =	simm.s32 $0x40;
	v5 =	vld [tilespmem:s29+$0xE090]  }
0xf0: {  	s5 =	sand.u32 $0x40, s3;
	s0 =	sor.u32 s30, s0;
	v6 =	vld [tilespmem:s29+$0xC0A0]  }
0xf1: {  	s31 =	sor.u32 s5, s0;
	v7 =	vld [tilespmem:s29+$0xE0A0];
	v1 =	vadd.f32 v1, v0  }
0xf2: {  	v0 =	vld [tilespmem:s31+$0xC0B0];
	v2 =	vadd.f32 v3, v2  }
0xf3: {  	v3 =	vld [tilespmem:s31+$0xE0B0];
	v8 =	vmul.f32 $5.000000000e-01, v1  }
0xf4: {  	v5 =	vadd.f32 v5, v4;
	v4 =	vld [tilespmem:s31+$0xE080];
	v63 =	vmul.f32 $5.000000000e-01, v2  }
0xf5: {  	v1 =	vld [tilespmem:s31+$0xC080];
	[tilespmem:s29+$0xC0B0] =	vst v8  }
0xf6: {  	s6 =	simm.s32 $0x10;
	s4 =	simm.s32 $0x4;
	s5 =	simm.s32 $0x400;
	v6 =	vadd.f32 v7, v6;
	v2 =	vld [tilespmem:s31+$0xC090];
	v5 =	vmul.f32 $5.000000000e-01, v5;
	[tilespmem:s29+$0xC080] =	vst v63  }
.LBB2_8:
0xf7: {  	s0 =	sand.u32 $0x1C00, s5;
	s28 =	sand.u32 $0x380, s6;
	v7 =	vld [tilespmem:s31+$0xE090];
	s3 =	sadd.s32 $0x40, s3  }
0xf8: {  	s4 =	sadd.s32 $0x4, s4;
	s30 =	sand.u32 $0x40, s3;
	s0 =	sor.u32 s28, s0;
	v8 =	vld [tilespmem:s31+$0xC0A0];
	v3 =	vadd.f32 v3, v0;
	[tilespmem:s29+$0xC090] =	vst v5;
	v5 =	vmul.f32 $5.000000000e-01, v6  }
0xf9: {  	p0 =	slt.u32 s4, $0x1FC;
	s0 =	sor.u32 s30, s0;
	v6 =	vld [tilespmem:s31+$0xE0A0]  }
.Ltmp3:
0xfa: {  	v0 =	vld [tilespmem:s0+$0xC0B0];
	v4 =	vadd.f32 v4, v1;
	v9 =	vmul.f32 $5.000000000e-01, v3;
	[tilespmem:s29+$0xC0A0] =	vst v5;
	s29 =	smov.u32 s31;
	s31 =	smov.u32 s0;
	(pc) =	sbr.rel @p0 .LBB2_8-.Ltmp3, $4  }
0xfb: {  	v3 =	vld [tilespmem:s31+$0xE0B0]  }
0xfc: {  	v1 =	vld [tilespmem:s31+$0xC080];
	v5 =	vmul.f32 $5.000000000e-01, v4;
	v7 =	vadd.f32 v7, v2;
	[tilespmem:s29+$0xC0B0] =	vst v9  }
0xfd: {  	v4 =	vld [tilespmem:s31+$0xE080]  }
0xfe: {  	s5 =	sadd.s32 $0x200, s5;
	s6 =	sadd.s32 $0x8, s6;
	v2 =	vld [tilespmem:s31+$0xC090];
	[tilespmem:s29+$0xC080] =	vst v5;
	v5 =	vmul.f32 $5.000000000e-01, v7;
	v6 =	vadd.f32 v6, v8  }
0xff: {  	v7 =	vld [tilespmem:s31+$0xE090]  }
0x100: {  	v8 =	vld [tilespmem:s31+$0xC0A0]  }
0x101: {  	v9 =	vld [tilespmem:s31+$0xE0A0];
	_ =	sdelay $0x1  }
0x102: {  	v0 =	vadd.f32 v3, v0  }
0x103: {  	v3 =	vmul.f32 $5.000000000e-01, v6;
	v1 =	vadd.f32 v4, v1  }
0x104: {  	[tilespmem:s29+$0xC090] =	vst v5;
	v0 =	vmul.f32 $5.000000000e-01, v0;
	v2 =	vadd.f32 v7, v2  }
0x105: {  	[tilespmem:s29+$0xC0A0] =	vst v3;
	v1 =	vmul.f32 $5.000000000e-01, v1;
	v3 =	vadd.f32 v9, v8  }
0x106: {  	[tilespmem:s31+$0xC0B0] =	vst v0;
	v0 =	vmul.f32 $5.000000000e-01, v2  }
0x107: {  	[tilespmem:s31+$0xC080] =	vst v1;
	v1 =	vmul.f32 $5.000000000e-01, v3  }
0x108: {  	[tilespmem:s31+$0xC090] =	vst v0  }
0x109: {  	[tilespmem:s31+$0xC0A0] =	vst v1  }
0x10a: {  	s0 =	simm.s32 $0x0;
	s1 =	simm.s32 $0xC080;
	s3 =	rddreg [dreg:$0x1b]  }
0x10b: {  	[hbm4b:s3+s0] =	stream.linear.scatter [tilespmem:s1], [sflag:$0x10], $0x2000, $0x38;
	[tilespmem:$0x18080] =	vst v63  }
0x10c: {  	_ =	swait.ge [sflag:s20], $0x2000  }
0x10d: {  	[sflag:s20] =	ssyncset.done $0x0;
	s4 =	rddreg [dreg:$0x1c]  }
0x10e: {  	s5 =	rddreg [dreg:$0x1d];
	[sflag:s20] =	ssyncadd.s32 $0xFFFFE000;
	s3 =	sadd.s32 s26, s4  }
0x10f: {  	[tilespmem:s1], [sflag:$0x4] =	stream.linear.gather [hbm4b:s3+s0], $0x2000, $0x38;
	[tilespmem:$0x18080] =	vst v63  }
0x110: {  	s6 =	simm.s32 $0xE080;
	s21 =	simm.s32 $0x5;
	s3 =	sadd.s32 s26, s5  }
0x111: {  	[tilespmem:s6], [sflag:$0xA] =	stream.linear.gather [hbm4b:s3+s0], $0x2000, $0x38;
	[tilespmem:$0x18080] =	vst v63  }
0x112: {  	_ =	swait.ge [sflag:s21], $0x2000  }
0x113: {  	[sflag:s21] =	ssyncset.done $0x0  }
0x114: {  	s22 =	simm.s32 $0xB;
	[sflag:s21] =	ssyncadd.s32 $0xFFFFE000  }
0x115: {  	s23 =	sand.u32 $0x1C00, s0;
	s4 =	sand.u32 $0x380, s0;
	_ =	swait.ge [sflag:s22], $0x2000  }
0x116: {  	s0 =	sand.u32 $0x40, s0;
	s3 =	sor.u32 s4, s23;
	[sflag:s22] =	ssyncset.done $0x0  }
0x117: {  	s29 =	sor.u32 s0, s3;
	[sflag:s22] =	ssyncadd.s32 $0xFFFFE000  }
0x118: {  	v0 =	vld [tilespmem:s29+$0x100B0]  }
0x119: {  	v1 =	vld [tilespmem:s29+$0x120B0]  }
0x11a: {  	v2 =	vld [tilespmem:s29+$0x10080]  }
0x11b: {  	v3 =	vld [tilespmem:s29+$0x12080]  }
0x11c: {  	s24 =	simm.s32 $0x200;
	s28 =	simm.s32 $0x8;
	v4 =	vld [tilespmem:s29+$0x10090]  }
0x11d: {  	s30 =	sand.u32 $0x380, s28;
	s0 =	sand.u32 $0x1C00, s24;
	s3 =	simm.s32 $0x40;
	v5 =	vld [tilespmem:s29+$0x12090]  }
0x11e: {  	s5 =	sand.u32 $0x40, s3;
	s0 =	sor.u32 s30, s0;
	v6 =	vld [tilespmem:s29+$0x100A0]  }
0x11f: {  	s31 =	sor.u32 s5, s0;
	v7 =	vld [tilespmem:s29+$0x120A0];
	v1 =	vadd.f32 v1, v0  }
0x120: {  	v0 =	vld [tilespmem:s31+$0x100B0];
	v2 =	vadd.f32 v3, v2  }
0x121: {  	v3 =	vld [tilespmem:s31+$0x120B0];
	v8 =	vmul.f32 $5.000000000e-01, v1  }
0x122: {  	v5 =	vadd.f32 v5, v4;
	v4 =	vld [tilespmem:s31+$0x12080];
	v63 =	vmul.f32 $5.000000000e-01, v2  }
0x123: {  	v1 =	vld [tilespmem:s31+$0x10080];
	[tilespmem:s29+$0x100B0] =	vst v8  }
0x124: {  	s4 =	simm.s32 $0x4;
	s6 =	simm.s32 $0x10;
	s5 =	simm.s32 $0x400;
	v6 =	vadd.f32 v7, v6;
	v2 =	vld [tilespmem:s31+$0x10090];
	v5 =	vmul.f32 $5.000000000e-01, v5;
	[tilespmem:s29+$0x10080] =	vst v63  }
.LBB2_10:
0x125: {  	s0 =	sand.u32 $0x1C00, s5;
	s28 =	sand.u32 $0x380, s6;
	v7 =	vld [tilespmem:s31+$0x12090];
	s3 =	sadd.s32 $0x40, s3  }
0x126: {  	s4 =	sadd.s32 $0x4, s4;
	s30 =	sand.u32 $0x40, s3;
	s0 =	sor.u32 s28, s0;
	v8 =	vld [tilespmem:s31+$0x100A0];
	v3 =	vadd.f32 v3, v0;
	[tilespmem:s29+$0x10090] =	vst v5;
	v5 =	vmul.f32 $5.000000000e-01, v6  }
0x127: {  	p0 =	slt.u32 s4, $0x1FC;
	s0 =	sor.u32 s30, s0;
	v6 =	vld [tilespmem:s31+$0x120A0]  }
.Ltmp4:
0x128: {  	v0 =	vld [tilespmem:s0+$0x100B0];
	v4 =	vadd.f32 v4, v1;
	v9 =	vmul.f32 $5.000000000e-01, v3;
	[tilespmem:s29+$0x100A0] =	vst v5;
	s29 =	smov.u32 s31;
	s31 =	smov.u32 s0;
	(pc) =	sbr.rel @p0 .LBB2_10-.Ltmp4, $4  }
0x129: {  	v3 =	vld [tilespmem:s31+$0x120B0]  }
0x12a: {  	v1 =	vld [tilespmem:s31+$0x10080];
	v5 =	vmul.f32 $5.000000000e-01, v4;
	v7 =	vadd.f32 v7, v2;
	[tilespmem:s29+$0x100B0] =	vst v9  }
0x12b: {  	v4 =	vld [tilespmem:s31+$0x12080]  }
0x12c: {  	s5 =	sadd.s32 $0x200, s5;
	s6 =	sadd.s32 $0x8, s6;
	v2 =	vld [tilespmem:s31+$0x10090];
	[tilespmem:s29+$0x10080] =	vst v5;
	v5 =	vmul.f32 $5.000000000e-01, v7;
	v6 =	vadd.f32 v6, v8  }
0x12d: {  	v7 =	vld [tilespmem:s31+$0x12090]  }
0x12e: {  	v8 =	vld [tilespmem:s31+$0x100A0]  }
0x12f: {  	v9 =	vld [tilespmem:s31+$0x120A0];
	_ =	sdelay $0x1  }
0x130: {  	v0 =	vadd.f32 v3, v0  }
0x131: {  	v3 =	vmul.f32 $5.000000000e-01, v6;
	v1 =	vadd.f32 v4, v1  }
0x132: {  	[tilespmem:s29+$0x10090] =	vst v5;
	v0 =	vmul.f32 $5.000000000e-01, v0;
	v2 =	vadd.f32 v7, v2  }
0x133: {  	[tilespmem:s29+$0x100A0] =	vst v3;
	v1 =	vmul.f32 $5.000000000e-01, v1;
	v3 =	vadd.f32 v9, v8  }
0x134: {  	[tilespmem:s31+$0x100B0] =	vst v0;
	v0 =	vmul.f32 $5.000000000e-01, v2  }
0x135: {  	[tilespmem:s31+$0x10080] =	vst v1;
	v1 =	vmul.f32 $5.000000000e-01, v3  }
0x136: {  	[tilespmem:s31+$0x10090] =	vst v0  }
0x137: {  	s0 =	simm.s32 $0x0;
	[tilespmem:s31+$0x100A0] =	vst v1  }
0x138: {  	s1 =	simm.s32 $0x10080;
	s30 =	simm.s32 $0x11;
	s3 =	rddreg [dreg:$0x1e]  }
0x139: {  	[hbm4b:s3+s0] =	stream.linear.scatter [tilespmem:s1], [sflag:$0x11], $0x2000, $0x38;
	[tilespmem:$0x18080] =	vst v63  }
0x13a: {  	_ =	swait.ge [sflag:s30], $0x2000  }
0x13b: {  	s4 =	rddreg [dreg:$0x1f]  }
0x13c: {  	[sflag:s30] =	ssyncset.done $0x0;
	s5 =	sld [smem:$0x7E8]  }
0x13d: {  	[sflag:s30] =	ssyncadd.s32 $0xFFFFE000;
	s3 =	sadd.s32 s26, s4  }
0x13e: {  	[tilespmem:s1], [sflag:$0x5] =	stream.linear.gather [hbm4b:s3+s0], $0x2000, $0x38;
	[tilespmem:$0x18080] =	vst v63  }
0x13f: {  	s6 =	simm.s32 $0x12080;
	s21 =	simm.s32 $0x6;
	s3 =	sadd.s32 s26, s5  }
0x140: {  	[tilespmem:s6], [sflag:$0xB] =	stream.linear.gather [hbm4b:s3+s0], $0x2000, $0x38;
	[tilespmem:$0x18080] =	vst v63  }
0x141: {  	_ =	swait.ge [sflag:s21], $0x2000  }
0x142: {  	[sflag:s21] =	ssyncset.done $0x0  }
0x143: {  	[sflag:s21] =	ssyncadd.s32 $0xFFFFE000  }
0x144: {  	s22 =	sand.u32 $0x1C00, s0;
	s4 =	sand.u32 $0x380, s0;
	_ =	swait.ge [sflag:s25], $0x2000  }
0x145: {  	s0 =	sand.u32 $0x40, s0;
	s3 =	sor.u32 s4, s22;
	[sflag:s25] =	ssyncset.done $0x0  }
0x146: {  	s29 =	sor.u32 s0, s3;
	[sflag:s25] =	ssyncadd.s32 $0xFFFFE000  }
0x147: {  	v0 =	vld [tilespmem:s29+$0x140B0]  }
0x148: {  	v1 =	vld [tilespmem:s29+$0x160B0]  }
0x149: {  	v2 =	vld [tilespmem:s29+$0x14080]  }
0x14a: {  	v3 =	vld [tilespmem:s29+$0x16080]  }
0x14b: {  	s24 =	simm.s32 $0x200;
	s28 =	simm.s32 $0x8;
	v4 =	vld [tilespmem:s29+$0x14090]  }
0x14c: {  	s30 =	sand.u32 $0x380, s28;
	s0 =	sand.u32 $0x1C00, s24;
	s3 =	simm.s32 $0x40;
	v5 =	vld [tilespmem:s29+$0x16090]  }
0x14d: {  	s5 =	sand.u32 $0x40, s3;
	s0 =	sor.u32 s30, s0;
	v6 =	vld [tilespmem:s29+$0x140A0]  }
0x14e: {  	s31 =	sor.u32 s5, s0;
	v7 =	vld [tilespmem:s29+$0x160A0];
	v1 =	vadd.f32 v1, v0  }
0x14f: {  	v0 =	vld [tilespmem:s31+$0x140B0];
	v2 =	vadd.f32 v3, v2  }
0x150: {  	v3 =	vld [tilespmem:s31+$0x160B0];
	v8 =	vmul.f32 $5.000000000e-01, v1  }
0x151: {  	v5 =	vadd.f32 v5, v4;
	v4 =	vld [tilespmem:s31+$0x16080];
	v63 =	vmul.f32 $5.000000000e-01, v2  }
0x152: {  	s23 =	simm.s32 $0x10080;
	v1 =	vld [tilespmem:s31+$0x14080];
	[tilespmem:s29+$0x140B0] =	vst v8  }
0x153: {  	s4 =	simm.s32 $0x4;
	s6 =	simm.s32 $0x10;
	s5 =	simm.s32 $0x400;
	v6 =	vadd.f32 v7, v6;
	v2 =	vld [tilespmem:s31+$0x14090];
	v5 =	vmul.f32 $5.000000000e-01, v5;
	[tilespmem:s29+$0x14080] =	vst v63  }
.LBB2_12:
0x154: {  	s0 =	sand.u32 $0x1C00, s5;
	s28 =	sand.u32 $0x380, s6;
	v7 =	vld [tilespmem:s31+$0x16090];
	s3 =	sadd.s32 $0x40, s3  }
0x155: {  	s4 =	sadd.s32 $0x4, s4;
	s30 =	sand.u32 $0x40, s3;
	s0 =	sor.u32 s28, s0;
	v8 =	vld [tilespmem:s31+$0x140A0];
	v3 =	vadd.f32 v3, v0;
	[tilespmem:s29+$0x14090] =	vst v5;
	v5 =	vmul.f32 $5.000000000e-01, v6  }
0x156: {  	p0 =	slt.u32 s4, $0x1FC;
	s0 =	sor.u32 s30, s0;
	v6 =	vld [tilespmem:s31+$0x160A0]  }
.Ltmp5:
0x157: {  	v0 =	vld [tilespmem:s0+$0x140B0];
	v4 =	vadd.f32 v4, v1;
	v9 =	vmul.f32 $5.000000000e-01, v3;
	[tilespmem:s29+$0x140A0] =	vst v5;
	s29 =	smov.u32 s31;
	s31 =	smov.u32 s0;
	(pc) =	sbr.rel @p0 .LBB2_12-.Ltmp5, $4  }
0x158: {  	v3 =	vld [tilespmem:s31+$0x160B0]  }
0x159: {  	v1 =	vld [tilespmem:s31+$0x14080];
	v5 =	vmul.f32 $5.000000000e-01, v4;
	v7 =	vadd.f32 v7, v2;
	[tilespmem:s29+$0x140B0] =	vst v9  }
0x15a: {  	v4 =	vld [tilespmem:s31+$0x16080]  }
0x15b: {  	s5 =	sadd.s32 $0x200, s5;
	s6 =	sadd.s32 $0x8, s6;
	v2 =	vld [tilespmem:s31+$0x14090];
	[tilespmem:s29+$0x14080] =	vst v5;
	v5 =	vmul.f32 $5.000000000e-01, v7;
	v6 =	vadd.f32 v6, v8  }
0x15c: {  	v7 =	vld [tilespmem:s31+$0x16090]  }
0x15d: {  	v8 =	vld [tilespmem:s31+$0x140A0]  }
0x15e: {  	v9 =	vld [tilespmem:s31+$0x160A0];
	_ =	sdelay $0x1  }
0x15f: {  	v0 =	vadd.f32 v3, v0  }
0x160: {  	v3 =	vmul.f32 $5.000000000e-01, v6;
	v1 =	vadd.f32 v4, v1  }
0x161: {  	[tilespmem:s29+$0x14090] =	vst v5;
	v0 =	vmul.f32 $5.000000000e-01, v0;
	v2 =	vadd.f32 v7, v2  }
0x162: {  	[tilespmem:s29+$0x140A0] =	vst v3;
	v1 =	vmul.f32 $5.000000000e-01, v1;
	v3 =	vadd.f32 v9, v8  }
0x163: {  	[tilespmem:s31+$0x140B0] =	vst v0;
	v0 =	vmul.f32 $5.000000000e-01, v2  }
0x164: {  	[tilespmem:s31+$0x14080] =	vst v1;
	v1 =	vmul.f32 $5.000000000e-01, v3  }
0x165: {  	[tilespmem:s31+$0x14090] =	vst v0  }
0x166: {  	[tilespmem:s31+$0x140A0] =	vst v1  }
0x167: {  	s3 =	sld [smem:$0x7E9];
	_ =	sdelay $0x1  }
0x168: {  	s0 =	simm.s32 $0x0;
	s1 =	simm.s32 $0x14080  }
0x169: {  	[hbm4b:s3+s0] =	stream.linear.scatter [tilespmem:s1], [sflag:$0x12], $0x2000, $0x38;
	[tilespmem:$0x18080] =	vst v63  }
0x16a: {  	_ =	swait.ge [sflag:s16], $0x2000  }
0x16b: {  	s4 =	sld [smem:$0x7EA];
	_ =	sdelay $0x1  }
0x16c: {  	[sflag:s16] =	ssyncset.done $0x0;
	s5 =	sld [smem:$0x7EB]  }
0x16d: {  	[sflag:s16] =	ssyncadd.s32 $0xFFFFE000;
	s3 =	sadd.s32 s26, s4  }
0x16e: {  	[tilespmem:s1], [sflag:$0x6] =	stream.linear.gather [hbm4b:s3+s0], $0x2000, $0x38;
	[tilespmem:$0x18080] =	vst v63  }
0x16f: {  	s6 =	simm.s32 $0x16080;
	s3 =	sadd.s32 s26, s5  }
0x170: {  	[tilespmem:s6], [sflag:$0xC] =	stream.linear.gather [hbm4b:s3+s0], $0x2000, $0x38;
	[tilespmem:$0x18080] =	vst v63  }
0x171: {  	_ =	swait.ge [sflag:s7], $0x2000  }
0x172: {  	[sflag:s7] =	ssyncset.done $0x0  }
0x173: {  	[sflag:s7] =	ssyncadd.s32 $0xFFFFE000  }
0x174: {  	s21 =	sand.u32 $0x1C00, s0;
	s4 =	sand.u32 $0x380, s0;
	_ =	swait.ge [sflag:s8], $0x2000  }
0x175: {  	s0 =	sand.u32 $0x40, s0;
	s3 =	sor.u32 s4, s21;
	[sflag:s8] =	ssyncset.done $0x0  }
0x176: {  	s29 =	sor.u32 s0, s3;
	[sflag:s8] =	ssyncadd.s32 $0xFFFFE000  }
0x177: {  	v0 =	vld [tilespmem:s29+$0xB0]  }
0x178: {  	v1 =	vld [tilespmem:s29+$0x20B0]  }
0x179: {  	v2 =	vld [tilespmem:s29+$0x80]  }
0x17a: {  	v3 =	vld [tilespmem:s29+$0x2080]  }
0x17b: {  	s22 =	simm.s32 $0x200;
	s28 =	simm.s32 $0x8;
	v4 =	vld [tilespmem:s29+$0x90]  }
0x17c: {  	s30 =	sand.u32 $0x380, s28;
	s0 =	sand.u32 $0x1C00, s22;
	s3 =	simm.s32 $0x40;
	v5 =	vld [tilespmem:s29+$0x2090]  }
0x17d: {  	s5 =	sand.u32 $0x40, s3;
	s0 =	sor.u32 s30, s0;
	v6 =	vld [tilespmem:s29+$0xA0]  }
0x17e: {  	s31 =	sor.u32 s5, s0;
	v7 =	vld [tilespmem:s29+$0x20A0];
	v1 =	vadd.f32 v1, v0  }
0x17f: {  	v0 =	vld [tilespmem:s31+$0xB0];
	v2 =	vadd.f32 v3, v2  }
0x180: {  	v3 =	vld [tilespmem:s31+$0x20B0];
	v8 =	vmul.f32 $5.000000000e-01, v1  }
0x181: {  	v5 =	vadd.f32 v5, v4;
	v4 =	vld [tilespmem:s31+$0x2080];
	v63 =	vmul.f32 $5.000000000e-01, v2  }
0x182: {  	s24 =	simm.s32 $0x14080;
	v1 =	vld [tilespmem:s31+$0x80];
	[tilespmem:s29+$0xB0] =	vst v8  }
0x183: {  	s4 =	simm.s32 $0x4;
	s6 =	simm.s32 $0x10;
	s5 =	simm.s32 $0x400;
	v6 =	vadd.f32 v7, v6;
	v2 =	vld [tilespmem:s31+$0x90];
	v5 =	vmul.f32 $5.000000000e-01, v5;
	[tilespmem:s29+$0x80] =	vst v63  }
.LBB2_14:
0x184: {  	s0 =	sand.u32 $0x1C00, s5;
	s28 =	sand.u32 $0x380, s6;
	v7 =	vld [tilespmem:s31+$0x2090];
	s3 =	sadd.s32 $0x40, s3  }
0x185: {  	s4 =	sadd.s32 $0x4, s4;
	s30 =	sand.u32 $0x40, s3;
	s0 =	sor.u32 s28, s0;
	v8 =	vld [tilespmem:s31+$0xA0];
	v3 =	vadd.f32 v3, v0;
	[tilespmem:s29+$0x90] =	vst v5;
	v5 =	vmul.f32 $5.000000000e-01, v6  }
0x186: {  	p0 =	slt.u32 s4, $0x1FC;
	s0 =	sor.u32 s30, s0;
	v6 =	vld [tilespmem:s31+$0x20A0]  }
.Ltmp6:
0x187: {  	v0 =	vld [tilespmem:s0+$0xB0];
	v4 =	vadd.f32 v4, v1;
	v9 =	vmul.f32 $5.000000000e-01, v3;
	[tilespmem:s29+$0xA0] =	vst v5;
	s29 =	smov.u32 s31;
	s31 =	smov.u32 s0;
	(pc) =	sbr.rel @p0 .LBB2_14-.Ltmp6, $4  }
0x188: {  	v3 =	vld [tilespmem:s31+$0x20B0]  }
0x189: {  	v1 =	vld [tilespmem:s31+$0x80];
	v5 =	vmul.f32 $5.000000000e-01, v4;
	v7 =	vadd.f32 v7, v2;
	[tilespmem:s29+$0xB0] =	vst v9  }
0x18a: {  	v4 =	vld [tilespmem:s31+$0x2080]  }
0x18b: {  	s5 =	sadd.s32 $0x200, s5;
	s6 =	sadd.s32 $0x8, s6;
	v2 =	vld [tilespmem:s31+$0x90];
	[tilespmem:s29+$0x80] =	vst v5;
	v5 =	vmul.f32 $5.000000000e-01, v7;
	v6 =	vadd.f32 v6, v8  }
0x18c: {  	v7 =	vld [tilespmem:s31+$0x2090]  }
0x18d: {  	v8 =	vld [tilespmem:s31+$0xA0]  }
0x18e: {  	v9 =	vld [tilespmem:s31+$0x20A0];
	_ =	sdelay $0x1  }
0x18f: {  	v0 =	vadd.f32 v3, v0  }
0x190: {  	v3 =	vmul.f32 $5.000000000e-01, v6;
	v1 =	vadd.f32 v4, v1  }
0x191: {  	[tilespmem:s29+$0x90] =	vst v5;
	v0 =	vmul.f32 $5.000000000e-01, v0;
	v2 =	vadd.f32 v7, v2  }
0x192: {  	[tilespmem:s29+$0xA0] =	vst v3;
	v1 =	vmul.f32 $5.000000000e-01, v1;
	v3 =	vadd.f32 v9, v8  }
0x193: {  	[tilespmem:s31+$0xB0] =	vst v0;
	v0 =	vmul.f32 $5.000000000e-01, v2  }
0x194: {  	[tilespmem:s31+$0x80] =	vst v1;
	v1 =	vmul.f32 $5.000000000e-01, v3  }
0x195: {  	[tilespmem:s31+$0x90] =	vst v0  }
0x196: {  	[tilespmem:s31+$0xA0] =	vst v1  }
0x197: {  	s3 =	sld [smem:$0x7EC];
	_ =	sdelay $0x1  }
0x198: {  	s0 =	simm.s32 $0x0;
	s4 =	simm.s32 $0x80  }
0x199: {  	[hbm4b:s3+s0] =	stream.linear.scatter [tilespmem:s4], [sflag:$0xD], $0x2000, $0x38;
	[tilespmem:$0x18080] =	vst v63  }
0x19a: {  	_ =	swait.ge [sflag:s9], $0x2000  }
0x19b: {  	s1 =	sld [smem:$0x7ED];
	_ =	sdelay $0x1  }
0x19c: {  	[sflag:s9] =	ssyncset.done $0x0  }
0x19d: {  	[sflag:s9] =	ssyncadd.s32 $0xFFFFE000;
	s3 =	sadd.s32 s26, s1  }
0x19e: {  	[tilespmem:s4], [sflag:$0x1] =	stream.linear.gather [hbm4b:s3+s0], $0x2000, $0x38;
	[tilespmem:$0x18080] =	vst v63  }
0x19f: {  	s4 =	sld [smem:$0x7EE];
	_ =	sdelay $0x2  }
0x1a0: {  	s5 =	simm.s32 $0x2080;
	s3 =	sadd.s32 s26, s4  }
0x1a1: {  	[tilespmem:s5], [sflag:$0x7] =	stream.linear.gather [hbm4b:s3+s0], $0x2000, $0x38;
	[tilespmem:$0x18080] =	vst v63  }
0x1a2: {  	_ =	swait.ge [sflag:s10], $0x2000  }
0x1a3: {  	[sflag:s10] =	ssyncset.done $0x0  }
0x1a4: {  	[sflag:s10] =	ssyncadd.s32 $0xFFFFE000  }
0x1a5: {  	s6 =	sand.u32 $0x1C00, s0;
	s21 =	sand.u32 $0x380, s0;
	_ =	swait.ge [sflag:s11], $0x2000  }
0x1a6: {  	s0 =	sand.u32 $0x40, s0;
	s3 =	sor.u32 s21, s6;
	[sflag:s11] =	ssyncset.done $0x0  }
0x1a7: {  	s29 =	sor.u32 s0, s3;
	[sflag:s11] =	ssyncadd.s32 $0xFFFFE000  }
0x1a8: {  	v0 =	vld [tilespmem:s29+$0x40B0]  }
0x1a9: {  	v1 =	vld [tilespmem:s29+$0x60B0]  }
0x1aa: {  	v2 =	vld [tilespmem:s29+$0x4080]  }
0x1ab: {  	v3 =	vld [tilespmem:s29+$0x6080]  }
0x1ac: {  	s22 =	simm.s32 $0x200;
	s28 =	simm.s32 $0x8;
	v4 =	vld [tilespmem:s29+$0x4090]  }
0x1ad: {  	s30 =	sand.u32 $0x380, s28;
	s0 =	sand.u32 $0x1C00, s22;
	s3 =	simm.s32 $0x40;
	v5 =	vld [tilespmem:s29+$0x6090]  }
0x1ae: {  	s5 =	sand.u32 $0x40, s3;
	s0 =	sor.u32 s30, s0;
	v6 =	vld [tilespmem:s29+$0x40A0]  }
0x1af: {  	s31 =	sor.u32 s5, s0;
	v7 =	vld [tilespmem:s29+$0x60A0];
	v1 =	vadd.f32 v1, v0  }
0x1b0: {  	v0 =	vld [tilespmem:s31+$0x40B0];
	v2 =	vadd.f32 v3, v2  }
0x1b1: {  	v3 =	vld [tilespmem:s31+$0x60B0];
	v8 =	vmul.f32 $5.000000000e-01, v1  }
0x1b2: {  	v5 =	vadd.f32 v5, v4;
	v4 =	vld [tilespmem:s31+$0x6080];
	v63 =	vmul.f32 $5.000000000e-01, v2  }
0x1b3: {  	s1 =	simm.s32 $0x80;
	v1 =	vld [tilespmem:s31+$0x4080];
	[tilespmem:s29+$0x40B0] =	vst v8  }
0x1b4: {  	s4 =	simm.s32 $0x4;
	s6 =	simm.s32 $0x10;
	s5 =	simm.s32 $0x400;
	v6 =	vadd.f32 v7, v6;
	v2 =	vld [tilespmem:s31+$0x4090];
	v5 =	vmul.f32 $5.000000000e-01, v5;
	[tilespmem:s29+$0x4080] =	vst v63  }
.LBB2_16:
0x1b5: {  	s0 =	sand.u32 $0x1C00, s5;
	s28 =	sand.u32 $0x380, s6;
	v7 =	vld [tilespmem:s31+$0x6090];
	s3 =	sadd.s32 $0x40, s3  }
0x1b6: {  	s4 =	sadd.s32 $0x4, s4;
	s30 =	sand.u32 $0x40, s3;
	s0 =	sor.u32 s28, s0;
	v8 =	vld [tilespmem:s31+$0x40A0];
	v3 =	vadd.f32 v3, v0;
	[tilespmem:s29+$0x4090] =	vst v5;
	v5 =	vmul.f32 $5.000000000e-01, v6  }
0x1b7: {  	p0 =	slt.u32 s4, $0x1FC;
	s0 =	sor.u32 s30, s0;
	v6 =	vld [tilespmem:s31+$0x60A0]  }
.Ltmp7:
0x1b8: {  	v0 =	vld [tilespmem:s0+$0x40B0];
	v4 =	vadd.f32 v4, v1;
	v9 =	vmul.f32 $5.000000000e-01, v3;
	[tilespmem:s29+$0x40A0] =	vst v5;
	s29 =	smov.u32 s31;
	s31 =	smov.u32 s0;
	(pc) =	sbr.rel @p0 .LBB2_16-.Ltmp7, $4  }
0x1b9: {  	v3 =	vld [tilespmem:s31+$0x60B0]  }
0x1ba: {  	v1 =	vld [tilespmem:s31+$0x4080];
	v5 =	vmul.f32 $5.000000000e-01, v4;
	v7 =	vadd.f32 v7, v2;
	[tilespmem:s29+$0x40B0] =	vst v9  }
0x1bb: {  	v4 =	vld [tilespmem:s31+$0x6080]  }
0x1bc: {  	s5 =	sadd.s32 $0x200, s5;
	s6 =	sadd.s32 $0x8, s6;
	v2 =	vld [tilespmem:s31+$0x4090];
	[tilespmem:s29+$0x4080] =	vst v5;
	v5 =	vmul.f32 $5.000000000e-01, v7;
	v6 =	vadd.f32 v6, v8  }
0x1bd: {  	v7 =	vld [tilespmem:s31+$0x6090]  }
0x1be: {  	v8 =	vld [tilespmem:s31+$0x40A0]  }
0x1bf: {  	v9 =	vld [tilespmem:s31+$0x60A0];
	_ =	sdelay $0x1  }
0x1c0: {  	v0 =	vadd.f32 v3, v0  }
0x1c1: {  	v3 =	vmul.f32 $5.000000000e-01, v6;
	v1 =	vadd.f32 v4, v1  }
0x1c2: {  	[tilespmem:s29+$0x4090] =	vst v5;
	v0 =	vmul.f32 $5.000000000e-01, v0;
	v2 =	vadd.f32 v7, v2  }
0x1c3: {  	[tilespmem:s29+$0x40A0] =	vst v3;
	v1 =	vmul.f32 $5.000000000e-01, v1;
	v3 =	vadd.f32 v9, v8  }
0x1c4: {  	[tilespmem:s31+$0x40B0] =	vst v0;
	v0 =	vmul.f32 $5.000000000e-01, v2  }
0x1c5: {  	[tilespmem:s31+$0x4080] =	vst v1;
	v1 =	vmul.f32 $5.000000000e-01, v3  }
0x1c6: {  	[tilespmem:s31+$0x4090] =	vst v0  }
0x1c7: {  	[tilespmem:s31+$0x40A0] =	vst v1  }
0x1c8: {  	s3 =	sld [smem:$0x7EF];
	_ =	sdelay $0x1  }
0x1c9: {  	s0 =	simm.s32 $0x0;
	s4 =	simm.s32 $0x4080  }
0x1ca: {  	[hbm4b:s3+s0] =	stream.linear.scatter [tilespmem:s4], [sflag:$0xE], $0x2000, $0x38;
	[tilespmem:$0x18080] =	vst v63  }
0x1cb: {  	_ =	swait.ge [sflag:s12], $0x2000  }
0x1cc: {  	s22 =	sld [smem:$0x7F0];
	_ =	sdelay $0x1  }
0x1cd: {  	[sflag:s12] =	ssyncset.done $0x0;
	s28 =	sld [smem:$0x7F1]  }
0x1ce: {  	[sflag:s12] =	ssyncadd.s32 $0xFFFFE000;
	s3 =	sadd.s32 s26, s22  }
0x1cf: {  	[tilespmem:s4], [sflag:$0x2] =	stream.linear.gather [hbm4b:s3+s0], $0x2000, $0x38;
	[tilespmem:$0x18080] =	vst v63  }
0x1d0: {  	s30 =	simm.s32 $0x6080;
	s3 =	sadd.s32 s26, s28  }
0x1d1: {  	[tilespmem:s30], [sflag:$0x8] =	stream.linear.gather [hbm4b:s3+s0], $0x2000, $0x38;
	[tilespmem:$0x18080] =	vst v63  }
0x1d2: {  	_ =	swait.ge [sflag:s13], $0x2000  }
0x1d3: {  	[sflag:s13] =	ssyncset.done $0x0  }
0x1d4: {  	[sflag:s13] =	ssyncadd.s32 $0xFFFFE000  }
0x1d5: {  	s5 =	sand.u32 $0x1C00, s0;
	s6 =	sand.u32 $0x380, s0;
	_ =	swait.ge [sflag:s14], $0x2000  }
0x1d6: {  	s0 =	sand.u32 $0x40, s0;
	s3 =	sor.u32 s6, s5;
	[sflag:s14] =	ssyncset.done $0x0  }
0x1d7: {  	s29 =	sor.u32 s0, s3;
	[sflag:s14] =	ssyncadd.s32 $0xFFFFE000  }
0x1d8: {  	v0 =	vld [tilespmem:s29+$0x80B0]  }
0x1d9: {  	v1 =	vld [tilespmem:s29+$0xA0B0]  }
0x1da: {  	v2 =	vld [tilespmem:s29+$0x8080]  }
0x1db: {  	v3 =	vld [tilespmem:s29+$0xA080]  }
0x1dc: {  	s22 =	simm.s32 $0x200;
	s28 =	simm.s32 $0x8;
	v4 =	vld [tilespmem:s29+$0x8090]  }
0x1dd: {  	s30 =	sand.u32 $0x380, s28;
	s0 =	sand.u32 $0x1C00, s22;
	s3 =	simm.s32 $0x40;
	v5 =	vld [tilespmem:s29+$0xA090]  }
0x1de: {  	s5 =	sand.u32 $0x40, s3;
	s0 =	sor.u32 s30, s0;
	v6 =	vld [tilespmem:s29+$0x80A0]  }
0x1df: {  	s31 =	sor.u32 s5, s0;
	v7 =	vld [tilespmem:s29+$0xA0A0];
	v1 =	vadd.f32 v1, v0  }
0x1e0: {  	v0 =	vld [tilespmem:s31+$0x80B0];
	v2 =	vadd.f32 v3, v2  }
0x1e1: {  	v3 =	vld [tilespmem:s31+$0xA0B0];
	v8 =	vmul.f32 $5.000000000e-01, v1  }
0x1e2: {  	v5 =	vadd.f32 v5, v4;
	v4 =	vld [tilespmem:s31+$0xA080];
	v63 =	vmul.f32 $5.000000000e-01, v2  }
0x1e3: {  	s21 =	simm.s32 $0x4080;
	v1 =	vld [tilespmem:s31+$0x8080];
	[tilespmem:s29+$0x80B0] =	vst v8  }
0x1e4: {  	s4 =	simm.s32 $0x4;
	s6 =	simm.s32 $0x10;
	s5 =	simm.s32 $0x400;
	v6 =	vadd.f32 v7, v6;
	v2 =	vld [tilespmem:s31+$0x8090];
	v5 =	vmul.f32 $5.000000000e-01, v5;
	[tilespmem:s29+$0x8080] =	vst v63  }
.LBB2_18:
0x1e5: {  	s0 =	sand.u32 $0x1C00, s5;
	s28 =	sand.u32 $0x380, s6;
	v7 =	vld [tilespmem:s31+$0xA090];
	s3 =	sadd.s32 $0x40, s3  }
0x1e6: {  	s4 =	sadd.s32 $0x4, s4;
	s30 =	sand.u32 $0x40, s3;
	s0 =	sor.u32 s28, s0;
	v8 =	vld [tilespmem:s31+$0x80A0];
	v3 =	vadd.f32 v3, v0;
	[tilespmem:s29+$0x8090] =	vst v5;
	v5 =	vmul.f32 $5.000000000e-01, v6  }
0x1e7: {  	p0 =	slt.u32 s4, $0x1FC;
	s0 =	sor.u32 s30, s0;
	v6 =	vld [tilespmem:s31+$0xA0A0]  }
.Ltmp8:
0x1e8: {  	v0 =	vld [tilespmem:s0+$0x80B0];
	v4 =	vadd.f32 v4, v1;
	v9 =	vmul.f32 $5.000000000e-01, v3;
	[tilespmem:s29+$0x80A0] =	vst v5;
	s29 =	smov.u32 s31;
	s31 =	smov.u32 s0;
	(pc) =	sbr.rel @p0 .LBB2_18-.Ltmp8, $4  }
0x1e9: {  	v3 =	vld [tilespmem:s31+$0xA0B0]  }
0x1ea: {  	v1 =	vld [tilespmem:s31+$0x8080];
	v5 =	vmul.f32 $5.000000000e-01, v4;
	v7 =	vadd.f32 v7, v2;
	[tilespmem:s29+$0x80B0] =	vst v9  }
0x1eb: {  	v4 =	vld [tilespmem:s31+$0xA080]  }
0x1ec: {  	s5 =	sadd.s32 $0x200, s5;
	s6 =	sadd.s32 $0x8, s6;
	v2 =	vld [tilespmem:s31+$0x8090];
	[tilespmem:s29+$0x8080] =	vst v5;
	v5 =	vmul.f32 $5.000000000e-01, v7;
	v6 =	vadd.f32 v6, v8  }
0x1ed: {  	v7 =	vld [tilespmem:s31+$0xA090]  }
0x1ee: {  	v8 =	vld [tilespmem:s31+$0x80A0]  }
0x1ef: {  	v9 =	vld [tilespmem:s31+$0xA0A0];
	_ =	sdelay $0x1  }
0x1f0: {  	v0 =	vadd.f32 v3, v0  }
0x1f1: {  	v3 =	vmul.f32 $5.000000000e-01, v6;
	v1 =	vadd.f32 v4, v1  }
0x1f2: {  	[tilespmem:s29+$0x8090] =	vst v5;
	v0 =	vmul.f32 $5.000000000e-01, v0;
	v2 =	vadd.f32 v7, v2  }
0x1f3: {  	[tilespmem:s29+$0x80A0] =	vst v3;
	v1 =	vmul.f32 $5.000000000e-01, v1;
	v3 =	vadd.f32 v9, v8  }
0x1f4: {  	[tilespmem:s31+$0x80B0] =	vst v0;
	v0 =	vmul.f32 $5.000000000e-01, v2  }
0x1f5: {  	[tilespmem:s31+$0x8080] =	vst v1;
	v1 =	vmul.f32 $5.000000000e-01, v3  }
0x1f6: {  	[tilespmem:s31+$0x8090] =	vst v0  }
0x1f7: {  	[tilespmem:s31+$0x80A0] =	vst v1  }
0x1f8: {  	s3 =	sld [smem:$0x7F2];
	_ =	sdelay $0x1  }
0x1f9: {  	s0 =	simm.s32 $0x0;
	s4 =	simm.s32 $0x8080  }
0x1fa: {  	[hbm4b:s3+s0] =	stream.linear.scatter [tilespmem:s4], [sflag:$0xF], $0x2000, $0x38;
	[tilespmem:$0x18080] =	vst v63  }
0x1fb: {  	_ =	swait.ge [sflag:s15], $0x2000  }
0x1fc: {  	s22 =	sld [smem:$0x7F3];
	_ =	sdelay $0x1  }
0x1fd: {  	[sflag:s15] =	ssyncset.done $0x0;
	s28 =	sld [smem:$0x7F4]  }
0x1fe: {  	[sflag:s15] =	ssyncadd.s32 $0xFFFFE000;
	s3 =	sadd.s32 s26, s22  }
0x1ff: {  	[tilespmem:s4], [sflag:$0x3] =	stream.linear.gather [hbm4b:s3+s0], $0x2000, $0x38;
	[tilespmem:$0x18080] =	vst v63  }
0x200: {  	s30 =	simm.s32 $0xA080;
	s3 =	sadd.s32 s26, s28  }
0x201: {  	[tilespmem:s30], [sflag:$0x9] =	stream.linear.gather [hbm4b:s3+s0], $0x2000, $0x38;
	[tilespmem:$0x18080] =	vst v63  }
0x202: {  	_ =	swait.ge [sflag:s18], $0x2000  }
0x203: {  	[sflag:s18] =	ssyncset.done $0x0  }
0x204: {  	[sflag:s18] =	ssyncadd.s32 $0xFFFFE000  }
0x205: {  	s5 =	sand.u32 $0x380, s0;
	s4 =	sand.u32 $0x1C00, s0;
	_ =	swait.ge [sflag:s19], $0x2000  }
0x206: {  	s0 =	sand.u32 $0x40, s0;
	s3 =	sor.u32 s5, s4;
	[sflag:s19] =	ssyncset.done $0x0  }
0x207: {  	s29 =	sor.u32 s0, s3;
	[sflag:s19] =	ssyncadd.s32 $0xFFFFE000  }
0x208: {  	v0 =	vld [tilespmem:s29+$0xC0B0]  }
0x209: {  	v1 =	vld [tilespmem:s29+$0xE0B0]  }
0x20a: {  	v2 =	vld [tilespmem:s29+$0xC080]  }
0x20b: {  	v3 =	vld [tilespmem:s29+$0xE080]  }
0x20c: {  	s6 =	simm.s32 $0x200;
	s28 =	simm.s32 $0x8;
	v4 =	vld [tilespmem:s29+$0xC090]  }
0x20d: {  	s30 =	sand.u32 $0x380, s28;
	s0 =	sand.u32 $0x1C00, s6;
	s3 =	simm.s32 $0x40;
	v5 =	vld [tilespmem:s29+$0xE090]  }
0x20e: {  	s5 =	sand.u32 $0x40, s3;
	s0 =	sor.u32 s30, s0;
	v6 =	vld [tilespmem:s29+$0xC0A0]  }
0x20f: {  	s31 =	sor.u32 s5, s0;
	v7 =	vld [tilespmem:s29+$0xE0A0];
	v1 =	vadd.f32 v1, v0  }
0x210: {  	v0 =	vld [tilespmem:s31+$0xC0B0];
	v2 =	vadd.f32 v3, v2  }
0x211: {  	v3 =	vld [tilespmem:s31+$0xE0B0];
	v8 =	vmul.f32 $5.000000000e-01, v1  }
0x212: {  	v5 =	vadd.f32 v5, v4;
	v4 =	vld [tilespmem:s31+$0xE080];
	v63 =	vmul.f32 $5.000000000e-01, v2  }
0x213: {  	s22 =	simm.s32 $0x8080;
	v1 =	vld [tilespmem:s31+$0xC080];
	[tilespmem:s29+$0xC0B0] =	vst v8  }
0x214: {  	s4 =	simm.s32 $0x4;
	s6 =	simm.s32 $0x10;
	s5 =	simm.s32 $0x400;
	v6 =	vadd.f32 v7, v6;
	v2 =	vld [tilespmem:s31+$0xC090];
	v5 =	vmul.f32 $5.000000000e-01, v5;
	[tilespmem:s29+$0xC080] =	vst v63  }
.LBB2_20:
0x215: {  	s0 =	sand.u32 $0x1C00, s5;
	s28 =	sand.u32 $0x380, s6;
	v7 =	vld [tilespmem:s31+$0xE090];
	s3 =	sadd.s32 $0x40, s3  }
0x216: {  	s4 =	sadd.s32 $0x4, s4;
	s30 =	sand.u32 $0x40, s3;
	s0 =	sor.u32 s28, s0;
	v8 =	vld [tilespmem:s31+$0xC0A0];
	v3 =	vadd.f32 v3, v0;
	[tilespmem:s29+$0xC090] =	vst v5;
	v5 =	vmul.f32 $5.000000000e-01, v6  }
0x217: {  	p0 =	slt.u32 s4, $0x1FC;
	s0 =	sor.u32 s30, s0;
	v6 =	vld [tilespmem:s31+$0xE0A0]  }
.Ltmp9:
0x218: {  	v0 =	vld [tilespmem:s0+$0xC0B0];
	v4 =	vadd.f32 v4, v1;
	v9 =	vmul.f32 $5.000000000e-01, v3;
	[tilespmem:s29+$0xC0A0] =	vst v5;
	s29 =	smov.u32 s31;
	s31 =	smov.u32 s0;
	(pc) =	sbr.rel @p0 .LBB2_20-.Ltmp9, $4  }
0x219: {  	v3 =	vld [tilespmem:s31+$0xE0B0]  }
0x21a: {  	v1 =	vld [tilespmem:s31+$0xC080];
	v5 =	vmul.f32 $5.000000000e-01, v4;
	v7 =	vadd.f32 v7, v2;
	[tilespmem:s29+$0xC0B0] =	vst v9  }
0x21b: {  	v4 =	vld [tilespmem:s31+$0xE080]  }
0x21c: {  	s5 =	sadd.s32 $0x200, s5;
	s6 =	sadd.s32 $0x8, s6;
	v2 =	vld [tilespmem:s31+$0xC090];
	[tilespmem:s29+$0xC080] =	vst v5;
	v5 =	vmul.f32 $5.000000000e-01, v7;
	v6 =	vadd.f32 v6, v8  }
0x21d: {  	v7 =	vld [tilespmem:s31+$0xE090]  }
0x21e: {  	v8 =	vld [tilespmem:s31+$0xC0A0]  }
0x21f: {  	v9 =	vld [tilespmem:s31+$0xE0A0];
	_ =	sdelay $0x1  }
0x220: {  	v0 =	vadd.f32 v3, v0  }
0x221: {  	v3 =	vmul.f32 $5.000000000e-01, v6;
	v1 =	vadd.f32 v4, v1  }
0x222: {  	[tilespmem:s29+$0xC090] =	vst v5;
	v0 =	vmul.f32 $5.000000000e-01, v0;
	v2 =	vadd.f32 v7, v2  }
0x223: {  	[tilespmem:s29+$0xC0A0] =	vst v3;
	v1 =	vmul.f32 $5.000000000e-01, v1;
	v3 =	vadd.f32 v9, v8  }
0x224: {  	[tilespmem:s31+$0xC0B0] =	vst v0;
	v0 =	vmul.f32 $5.000000000e-01, v2  }
0x225: {  	[tilespmem:s31+$0xC080] =	vst v1;
	v1 =	vmul.f32 $5.000000000e-01, v3  }
0x226: {  	[tilespmem:s31+$0xC090] =	vst v0  }
0x227: {  	[tilespmem:s31+$0xC0A0] =	vst v1  }
0x228: {  	s3 =	sld [smem:$0x7F5];
	_ =	sdelay $0x1  }
0x229: {  	s0 =	simm.s32 $0x0;
	s31 =	simm.s32 $0xC080  }
0x22a: {  	[hbm4b:s3+s0] =	stream.linear.scatter [tilespmem:s31], [sflag:$0x10], $0x2000, $0x38;
	[tilespmem:$0x18080] =	vst v63  }
0x22b: {  	_ =	swait.ge [sflag:s20], $0x2000  }
0x22c: {  	s5 =	sld [smem:$0x7F6];
	_ =	sdelay $0x1  }
0x22d: {  	[sflag:s20] =	ssyncset.done $0x0;
	s6 =	sld [smem:$0x7F7]  }
0x22e: {  	[sflag:s20] =	ssyncadd.s32 $0xFFFFE000;
	s3 =	sadd.s32 s26, s5  }
0x22f: {  	[tilespmem:s31], [sflag:$0x4] =	stream.linear.gather [hbm4b:s3+s0], $0x2000, $0x38;
	[tilespmem:$0x18080] =	vst v63  }
0x230: {  	s4 =	simm.s32 $0xE080;
	s3 =	sadd.s32 s26, s6;
	s26 =	simm.s32 $0x5  }
0x231: {  	[tilespmem:s4], [sflag:$0xA] =	stream.linear.gather [hbm4b:s3+s0], $0x2000, $0x38;
	[tilespmem:$0x18080] =	vst v63  }
0x232: {  	_ =	swait.ge [sflag:s26], $0x2000  }
0x233: {  	[sflag:s26] =	ssyncset.done $0x0  }
0x234: {  	s5 =	simm.s32 $0xB;
	[sflag:s26] =	ssyncadd.s32 $0xFFFFE000  }
0x235: {  	s28 =	sand.u32 $0x1C00, s0;
	s30 =	sand.u32 $0x380, s0;
	_ =	swait.ge [sflag:s5], $0x2000  }
0x236: {  	s0 =	sand.u32 $0x40, s0;
	s3 =	sor.u32 s30, s28;
	[sflag:s5] =	ssyncset.done $0x0  }
0x237: {  	s26 =	sor.u32 s0, s3;
	[sflag:s5] =	ssyncadd.s32 $0xFFFFE000  }
0x238: {  	v0 =	vld [tilespmem:s26+$0x100B0]  }
0x239: {  	v1 =	vld [tilespmem:s26+$0x120B0]  }
0x23a: {  	v2 =	vld [tilespmem:s26+$0x10080]  }
0x23b: {  	v3 =	vld [tilespmem:s26+$0x12080]  }
0x23c: {  	s6 =	simm.s32 $0x8;
	s5 =	simm.s32 $0x200;
	v4 =	vld [tilespmem:s26+$0x10090]  }
0x23d: {  	s28 =	sand.u32 $0x380, s6;
	s3 =	simm.s32 $0x40;
	s0 =	sand.u32 $0x1C00, s5;
	v5 =	vld [tilespmem:s26+$0x12090]  }
0x23e: {  	s30 =	sand.u32 $0x40, s3;
	v6 =	vld [tilespmem:s26+$0x100A0];
	s0 =	sor.u32 s28, s0  }
0x23f: {  	v7 =	vld [tilespmem:s26+$0x120A0];
	s29 =	sor.u32 s30, s0;
	v1 =	vadd.f32 v1, v0  }
0x240: {  	v0 =	vld [tilespmem:s29+$0x100B0];
	v2 =	vadd.f32 v3, v2  }
0x241: {  	v3 =	vld [tilespmem:s29+$0x120B0];
	v8 =	vmul.f32 $5.000000000e-01, v1  }
0x242: {  	v5 =	vadd.f32 v5, v4;
	v4 =	vld [tilespmem:s29+$0x12080];
	v63 =	vmul.f32 $5.000000000e-01, v2  }
0x243: {  	v1 =	vld [tilespmem:s29+$0x10080];
	[tilespmem:s26+$0x100B0] =	vst v8  }
0x244: {  	s4 =	simm.s32 $0x4;
	s6 =	simm.s32 $0x10;
	s5 =	simm.s32 $0x400;
	v6 =	vadd.f32 v7, v6;
	v2 =	vld [tilespmem:s29+$0x10090];
	v5 =	vmul.f32 $5.000000000e-01, v5;
	[tilespmem:s26+$0x10080] =	vst v63  }
.LBB2_22:
0x245: {  	s0 =	sand.u32 $0x1C00, s5;
	s28 =	sand.u32 $0x380, s6;
	v7 =	vld [tilespmem:s29+$0x12090];
	s3 =	sadd.s32 $0x40, s3  }
0x246: {  	s4 =	sadd.s32 $0x4, s4;
	s30 =	sand.u32 $0x40, s3;
	s0 =	sor.u32 s28, s0;
	v8 =	vld [tilespmem:s29+$0x100A0];
	v3 =	vadd.f32 v3, v0;
	[tilespmem:s26+$0x10090] =	vst v5;
	v5 =	vmul.f32 $5.000000000e-01, v6  }
0x247: {  	p0 =	slt.u32 s4, $0x1FC;
	s0 =	sor.u32 s30, s0;
	v6 =	vld [tilespmem:s29+$0x120A0]  }
.Ltmp10:
0x248: {  	v0 =	vld [tilespmem:s0+$0x100B0];
	v4 =	vadd.f32 v4, v1;
	v9 =	vmul.f32 $5.000000000e-01, v3;
	[tilespmem:s26+$0x100A0] =	vst v5;
	s26 =	smov.u32 s29;
	s29 =	smov.u32 s0;
	(pc) =	sbr.rel @p0 .LBB2_22-.Ltmp10, $4  }
0x249: {  	v3 =	vld [tilespmem:s29+$0x120B0]  }
0x24a: {  	v1 =	vld [tilespmem:s29+$0x10080];
	v5 =	vmul.f32 $5.000000000e-01, v4;
	v7 =	vadd.f32 v7, v2;
	[tilespmem:s26+$0x100B0] =	vst v9  }
0x24b: {  	v4 =	vld [tilespmem:s29+$0x12080]  }
0x24c: {  	s5 =	sadd.s32 $0x200, s5;
	s6 =	sadd.s32 $0x8, s6;
	v2 =	vld [tilespmem:s29+$0x10090];
	[tilespmem:s26+$0x10080] =	vst v5;
	v5 =	vmul.f32 $5.000000000e-01, v7;
	v6 =	vadd.f32 v6, v8  }
0x24d: {  	v7 =	vld [tilespmem:s29+$0x12090]  }
0x24e: {  	v8 =	vld [tilespmem:s29+$0x100A0]  }
0x24f: {  	v9 =	vld [tilespmem:s29+$0x120A0];
	_ =	sdelay $0x1  }
0x250: {  	v0 =	vadd.f32 v3, v0  }
0x251: {  	v3 =	vmul.f32 $5.000000000e-01, v6;
	v1 =	vadd.f32 v4, v1  }
0x252: {  	[tilespmem:s26+$0x10090] =	vst v5;
	v0 =	vmul.f32 $5.000000000e-01, v0;
	v2 =	vadd.f32 v7, v2  }
0x253: {  	[tilespmem:s26+$0x100A0] =	vst v3;
	v1 =	vmul.f32 $5.000000000e-01, v1;
	v3 =	vadd.f32 v9, v8  }
0x254: {  	[tilespmem:s29+$0x100B0] =	vst v0;
	v0 =	vmul.f32 $5.000000000e-01, v2  }
0x255: {  	[tilespmem:s29+$0x10080] =	vst v1;
	v1 =	vmul.f32 $5.000000000e-01, v3  }
0x256: {  	[tilespmem:s29+$0x10090] =	vst v0  }
0x257: {  	[tilespmem:s29+$0x100A0] =	vst v1  }
0x258: {  	s3 =	sld [smem:$0x7F8];
	_ =	sdelay $0x1  }
0x259: {  	s0 =	simm.s32 $0x0;
	s4 =	simm.s32 $0x6  }
0x25a: {  	[hbm4b:s3+s0] =	stream.linear.scatter [tilespmem:s23], [sflag:$0x11], $0x2000, $0x38;
	[tilespmem:$0x18080] =	vst v63  }
0x25b: {  	_ =	swait.ge [sflag:s4], $0x2000  }
0x25c: {  	[sflag:s4] =	ssyncset.done $0x0  }
0x25d: {  	[sflag:s4] =	ssyncadd.s32 $0xFFFFE000  }
0x25e: {  	s5 =	sand.u32 $0x1C00, s0;
	s4 =	sand.u32 $0x380, s0;
	_ =	swait.ge [sflag:s25], $0x2000  }
0x25f: {  	s0 =	sand.u32 $0x40, s0;
	s3 =	sor.u32 s4, s5;
	[sflag:s25] =	ssyncset.done $0x0  }
0x260: {  	s26 =	sor.u32 s0, s3;
	[sflag:s25] =	ssyncadd.s32 $0xFFFFE000  }
0x261: {  	v0 =	vld [tilespmem:s26+$0x140B0]  }
0x262: {  	v1 =	vld [tilespmem:s26+$0x160B0]  }
0x263: {  	v2 =	vld [tilespmem:s26+$0x14080]  }
0x264: {  	v3 =	vld [tilespmem:s26+$0x16080]  }
0x265: {  	s6 =	simm.s32 $0x200;
	s28 =	simm.s32 $0x8;
	v4 =	vld [tilespmem:s26+$0x14090]  }
0x266: {  	s30 =	sand.u32 $0x380, s28;
	s0 =	sand.u32 $0x1C00, s6;
	s3 =	simm.s32 $0x40;
	v5 =	vld [tilespmem:s26+$0x16090]  }
0x267: {  	s5 =	sand.u32 $0x40, s3;
	s0 =	sor.u32 s30, s0;
	v6 =	vld [tilespmem:s26+$0x140A0]  }
0x268: {  	s29 =	sor.u32 s5, s0;
	v7 =	vld [tilespmem:s26+$0x160A0];
	v1 =	vadd.f32 v1, v0  }
0x269: {  	v0 =	vld [tilespmem:s29+$0x140B0];
	v2 =	vadd.f32 v3, v2  }
0x26a: {  	v3 =	vld [tilespmem:s29+$0x160B0];
	v8 =	vmul.f32 $5.000000000e-01, v1  }
0x26b: {  	v5 =	vadd.f32 v5, v4;
	v4 =	vld [tilespmem:s29+$0x16080];
	v63 =	vmul.f32 $5.000000000e-01, v2  }
0x26c: {  	v1 =	vld [tilespmem:s29+$0x14080];
	[tilespmem:s26+$0x140B0] =	vst v8  }
0x26d: {  	s4 =	simm.s32 $0x4;
	s6 =	simm.s32 $0x10;
	s5 =	simm.s32 $0x400;
	v6 =	vadd.f32 v7, v6;
	v2 =	vld [tilespmem:s29+$0x14090];
	v5 =	vmul.f32 $5.000000000e-01, v5;
	[tilespmem:s26+$0x14080] =	vst v63  }
.LBB2_24:
0x26e: {  	s0 =	sand.u32 $0x1C00, s5;
	s28 =	sand.u32 $0x380, s6;
	v7 =	vld [tilespmem:s29+$0x16090];
	s3 =	sadd.s32 $0x40, s3  }
0x26f: {  	s4 =	sadd.s32 $0x4, s4;
	s30 =	sand.u32 $0x40, s3;
	s0 =	sor.u32 s28, s0;
	v8 =	vld [tilespmem:s29+$0x140A0];
	v3 =	vadd.f32 v3, v0;
	[tilespmem:s26+$0x14090] =	vst v5;
	v5 =	vmul.f32 $5.000000000e-01, v6  }
0x270: {  	p0 =	slt.u32 s4, $0x1FC;
	s0 =	sor.u32 s30, s0;
	v6 =	vld [tilespmem:s29+$0x160A0]  }
.Ltmp11:
0x271: {  	v0 =	vld [tilespmem:s0+$0x140B0];
	v4 =	vadd.f32 v4, v1;
	v9 =	vmul.f32 $5.000000000e-01, v3;
	[tilespmem:s26+$0x140A0] =	vst v5;
	s26 =	smov.u32 s29;
	s29 =	smov.u32 s0;
	(pc) =	sbr.rel @p0 .LBB2_24-.Ltmp11, $4  }
0x272: {  	v3 =	vld [tilespmem:s29+$0x160B0]  }
0x273: {  	v1 =	vld [tilespmem:s29+$0x14080];
	v5 =	vmul.f32 $5.000000000e-01, v4;
	v7 =	vadd.f32 v7, v2;
	[tilespmem:s26+$0x140B0] =	vst v9  }
0x274: {  	v4 =	vld [tilespmem:s29+$0x16080]  }
0x275: {  	s5 =	sadd.s32 $0x200, s5;
	s6 =	sadd.s32 $0x8, s6;
	v2 =	vld [tilespmem:s29+$0x14090];
	[tilespmem:s26+$0x14080] =	vst v5;
	v5 =	vmul.f32 $5.000000000e-01, v7;
	v6 =	vadd.f32 v6, v8  }
0x276: {  	v7 =	vld [tilespmem:s29+$0x16090]  }
0x277: {  	v8 =	vld [tilespmem:s29+$0x140A0]  }
0x278: {  	v9 =	vld [tilespmem:s29+$0x160A0];
	_ =	sdelay $0x1  }
0x279: {  	v0 =	vadd.f32 v3, v0  }
0x27a: {  	v3 =	vmul.f32 $5.000000000e-01, v6;
	v1 =	vadd.f32 v4, v1  }
0x27b: {  	[tilespmem:s26+$0x14090] =	vst v5;
	v0 =	vmul.f32 $5.000000000e-01, v0;
	v2 =	vadd.f32 v7, v2  }
0x27c: {  	[tilespmem:s26+$0x140A0] =	vst v3;
	v1 =	vmul.f32 $5.000000000e-01, v1;
	v3 =	vadd.f32 v9, v8  }
0x27d: {  	[tilespmem:s29+$0x140B0] =	vst v0;
	v0 =	vmul.f32 $5.000000000e-01, v2  }
0x27e: {  	[tilespmem:s29+$0x14080] =	vst v1;
	v1 =	vmul.f32 $5.000000000e-01, v3  }
0x27f: {  	[tilespmem:s29+$0x14090] =	vst v0  }
0x280: {  	[tilespmem:s29+$0x140A0] =	vst v1  }
0x281: {  	s3 =	sld [smem:$0x7F9];
	_ =	sdelay $0x1  }
0x282: {  	s0 =	simm.s32 $0x0  }
0x283: {  	[hbm4b:s3+s0] =	stream.linear.scatter [tilespmem:s24], [sflag:$0x12], $0x2000, $0x38;
	[tilespmem:$0x18080] =	vst v63  }
0x284: {  	_ =	swait.ge [sflag:s7], $0x2000  }
0x285: {  	[sflag:s7] =	ssyncset.done $0x0  }
0x286: {  	[sflag:s7] =	ssyncadd.s32 $0xFFFFE000  }
0x287: {  	s5 =	sand.u32 $0x1C00, s0;
	s4 =	sand.u32 $0x380, s0;
	_ =	swait.ge [sflag:s8], $0x2000  }
0x288: {  	s0 =	sand.u32 $0x40, s0;
	s3 =	sor.u32 s4, s5;
	[sflag:s8] =	ssyncset.done $0x0  }
0x289: {  	s26 =	sor.u32 s0, s3;
	[sflag:s8] =	ssyncadd.s32 $0xFFFFE000  }
0x28a: {  	v0 =	vld [tilespmem:s26+$0xB0]  }
0x28b: {  	v1 =	vld [tilespmem:s26+$0x20B0]  }
0x28c: {  	v2 =	vld [tilespmem:s26+$0x80]  }
0x28d: {  	v3 =	vld [tilespmem:s26+$0x2080]  }
0x28e: {  	s6 =	simm.s32 $0x200;
	s28 =	simm.s32 $0x8;
	v4 =	vld [tilespmem:s26+$0x90]  }
0x28f: {  	s30 =	sand.u32 $0x380, s28;
	s0 =	sand.u32 $0x1C00, s6;
	s3 =	simm.s32 $0x40;
	v5 =	vld [tilespmem:s26+$0x2090]  }
0x290: {  	s5 =	sand.u32 $0x40, s3;
	s0 =	sor.u32 s30, s0;
	v6 =	vld [tilespmem:s26+$0xA0]  }
0x291: {  	s29 =	sor.u32 s5, s0;
	v7 =	vld [tilespmem:s26+$0x20A0];
	v1 =	vadd.f32 v1, v0  }
0x292: {  	v0 =	vld [tilespmem:s29+$0xB0];
	v2 =	vadd.f32 v3, v2  }
0x293: {  	v3 =	vld [tilespmem:s29+$0x20B0];
	v8 =	vmul.f32 $5.000000000e-01, v1  }
0x294: {  	v5 =	vadd.f32 v5, v4;
	v4 =	vld [tilespmem:s29+$0x2080];
	v63 =	vmul.f32 $5.000000000e-01, v2  }
0x295: {  	v1 =	vld [tilespmem:s29+$0x80];
	[tilespmem:s26+$0xB0] =	vst v8  }
0x296: {  	s4 =	simm.s32 $0x4;
	s6 =	simm.s32 $0x10;
	s5 =	simm.s32 $0x400;
	v6 =	vadd.f32 v7, v6;
	v2 =	vld [tilespmem:s29+$0x90];
	v5 =	vmul.f32 $5.000000000e-01, v5;
	[tilespmem:s26+$0x80] =	vst v63  }
.LBB2_26:
0x297: {  	s0 =	sand.u32 $0x1C00, s5;
	s28 =	sand.u32 $0x380, s6;
	v7 =	vld [tilespmem:s29+$0x2090];
	s3 =	sadd.s32 $0x40, s3  }
0x298: {  	s4 =	sadd.s32 $0x4, s4;
	s30 =	sand.u32 $0x40, s3;
	s0 =	sor.u32 s28, s0;
	v8 =	vld [tilespmem:s29+$0xA0];
	v3 =	vadd.f32 v3, v0;
	[tilespmem:s26+$0x90] =	vst v5;
	v5 =	vmul.f32 $5.000000000e-01, v6  }
0x299: {  	p0 =	slt.u32 s4, $0x1FC;
	s0 =	sor.u32 s30, s0;
	v6 =	vld [tilespmem:s29+$0x20A0]  }
.Ltmp12:
0x29a: {  	v0 =	vld [tilespmem:s0+$0xB0];
	v4 =	vadd.f32 v4, v1;
	v9 =	vmul.f32 $5.000000000e-01, v3;
	[tilespmem:s26+$0xA0] =	vst v5;
	s26 =	smov.u32 s29;
	s29 =	smov.u32 s0;
	(pc) =	sbr.rel @p0 .LBB2_26-.Ltmp12, $4  }
0x29b: {  	v3 =	vld [tilespmem:s29+$0x20B0]  }
0x29c: {  	v1 =	vld [tilespmem:s29+$0x80];
	v5 =	vmul.f32 $5.000000000e-01, v4;
	v7 =	vadd.f32 v7, v2;
	[tilespmem:s26+$0xB0] =	vst v9  }
0x29d: {  	v4 =	vld [tilespmem:s29+$0x2080]  }
0x29e: {  	s5 =	sadd.s32 $0x200, s5;
	s6 =	sadd.s32 $0x8, s6;
	v2 =	vld [tilespmem:s29+$0x90];
	[tilespmem:s26+$0x80] =	vst v5;
	v5 =	vmul.f32 $5.000000000e-01, v7;
	v6 =	vadd.f32 v6, v8  }
0x29f: {  	v7 =	vld [tilespmem:s29+$0x2090]  }
0x2a0: {  	v8 =	vld [tilespmem:s29+$0xA0]  }
0x2a1: {  	v9 =	vld [tilespmem:s29+$0x20A0];
	_ =	sdelay $0x1  }
0x2a2: {  	v0 =	vadd.f32 v3, v0  }
0x2a3: {  	v3 =	vmul.f32 $5.000000000e-01, v6;
	v1 =	vadd.f32 v4, v1  }
0x2a4: {  	[tilespmem:s26+$0x90] =	vst v5;
	v0 =	vmul.f32 $5.000000000e-01, v0;
	v2 =	vadd.f32 v7, v2  }
0x2a5: {  	[tilespmem:s26+$0xA0] =	vst v3;
	v1 =	vmul.f32 $5.000000000e-01, v1;
	v3 =	vadd.f32 v9, v8  }
0x2a6: {  	[tilespmem:s29+$0xB0] =	vst v0;
	v0 =	vmul.f32 $5.000000000e-01, v2  }
0x2a7: {  	[tilespmem:s29+$0x80] =	vst v1;
	v1 =	vmul.f32 $5.000000000e-01, v3  }
0x2a8: {  	[tilespmem:s29+$0x90] =	vst v0  }
0x2a9: {  	[tilespmem:s29+$0xA0] =	vst v1  }
0x2aa: {  	s3 =	sld [smem:$0x7FA];
	_ =	sdelay $0x1  }
0x2ab: {  	s0 =	simm.s32 $0x0  }
0x2ac: {  	[hbm4b:s3+s0] =	stream.linear.scatter [tilespmem:s1], [sflag:$0xD], $0x2000, $0x38;
	[tilespmem:$0x18080] =	vst v63  }
0x2ad: {  	_ =	swait.ge [sflag:s10], $0x2000  }
0x2ae: {  	[sflag:s10] =	ssyncset.done $0x0  }
0x2af: {  	[sflag:s10] =	ssyncadd.s32 $0xFFFFE000  }
0x2b0: {  	s5 =	sand.u32 $0x1C00, s0;
	s4 =	sand.u32 $0x380, s0;
	_ =	swait.ge [sflag:s11], $0x2000  }
0x2b1: {  	s0 =	sand.u32 $0x40, s0;
	s3 =	sor.u32 s4, s5;
	[sflag:s11] =	ssyncset.done $0x0  }
0x2b2: {  	s26 =	sor.u32 s0, s3;
	[sflag:s11] =	ssyncadd.s32 $0xFFFFE000  }
0x2b3: {  	v0 =	vld [tilespmem:s26+$0x40B0]  }
0x2b4: {  	v1 =	vld [tilespmem:s26+$0x60B0]  }
0x2b5: {  	v2 =	vld [tilespmem:s26+$0x4080]  }
0x2b6: {  	v3 =	vld [tilespmem:s26+$0x6080]  }
0x2b7: {  	s6 =	simm.s32 $0x200;
	s28 =	simm.s32 $0x8;
	v4 =	vld [tilespmem:s26+$0x4090]  }
0x2b8: {  	s30 =	sand.u32 $0x380, s28;
	s0 =	sand.u32 $0x1C00, s6;
	s3 =	simm.s32 $0x40;
	v5 =	vld [tilespmem:s26+$0x6090]  }
0x2b9: {  	s5 =	sand.u32 $0x40, s3;
	s0 =	sor.u32 s30, s0;
	v6 =	vld [tilespmem:s26+$0x40A0]  }
0x2ba: {  	s29 =	sor.u32 s5, s0;
	v7 =	vld [tilespmem:s26+$0x60A0];
	v1 =	vadd.f32 v1, v0  }
0x2bb: {  	v0 =	vld [tilespmem:s29+$0x40B0];
	v2 =	vadd.f32 v3, v2  }
0x2bc: {  	v3 =	vld [tilespmem:s29+$0x60B0];
	v8 =	vmul.f32 $5.000000000e-01, v1  }
0x2bd: {  	v5 =	vadd.f32 v5, v4;
	v4 =	vld [tilespmem:s29+$0x6080];
	v63 =	vmul.f32 $5.000000000e-01, v2  }
0x2be: {  	v1 =	vld [tilespmem:s29+$0x4080];
	[tilespmem:s26+$0x40B0] =	vst v8  }
0x2bf: {  	s4 =	simm.s32 $0x4;
	s6 =	simm.s32 $0x10;
	s5 =	simm.s32 $0x400;
	v6 =	vadd.f32 v7, v6;
	v2 =	vld [tilespmem:s29+$0x4090];
	v5 =	vmul.f32 $5.000000000e-01, v5;
	[tilespmem:s26+$0x4080] =	vst v63  }
.LBB2_28:
0x2c0: {  	s0 =	sand.u32 $0x1C00, s5;
	s28 =	sand.u32 $0x380, s6;
	v7 =	vld [tilespmem:s29+$0x6090];
	s3 =	sadd.s32 $0x40, s3  }
0x2c1: {  	s4 =	sadd.s32 $0x4, s4;
	s30 =	sand.u32 $0x40, s3;
	s0 =	sor.u32 s28, s0;
	v8 =	vld [tilespmem:s29+$0x40A0];
	v3 =	vadd.f32 v3, v0;
	[tilespmem:s26+$0x4090] =	vst v5;
	v5 =	vmul.f32 $5.000000000e-01, v6  }
0x2c2: {  	p0 =	slt.u32 s4, $0x1FC;
	s0 =	sor.u32 s30, s0;
	v6 =	vld [tilespmem:s29+$0x60A0]  }
.Ltmp13:
0x2c3: {  	v0 =	vld [tilespmem:s0+$0x40B0];
	v4 =	vadd.f32 v4, v1;
	v9 =	vmul.f32 $5.000000000e-01, v3;
	[tilespmem:s26+$0x40A0] =	vst v5;
	s26 =	smov.u32 s29;
	s29 =	smov.u32 s0;
	(pc) =	sbr.rel @p0 .LBB2_28-.Ltmp13, $4  }
0x2c4: {  	v3 =	vld [tilespmem:s29+$0x60B0]  }
0x2c5: {  	v1 =	vld [tilespmem:s29+$0x4080];
	v5 =	vmul.f32 $5.000000000e-01, v4;
	v7 =	vadd.f32 v7, v2;
	[tilespmem:s26+$0x40B0] =	vst v9  }
0x2c6: {  	v4 =	vld [tilespmem:s29+$0x6080]  }
0x2c7: {  	s5 =	sadd.s32 $0x200, s5;
	s6 =	sadd.s32 $0x8, s6;
	v2 =	vld [tilespmem:s29+$0x4090];
	[tilespmem:s26+$0x4080] =	vst v5;
	v5 =	vmul.f32 $5.000000000e-01, v7;
	v6 =	vadd.f32 v6, v8  }
0x2c8: {  	v7 =	vld [tilespmem:s29+$0x6090]  }
0x2c9: {  	v8 =	vld [tilespmem:s29+$0x40A0]  }
0x2ca: {  	v9 =	vld [tilespmem:s29+$0x60A0];
	_ =	sdelay $0x1  }
0x2cb: {  	v0 =	vadd.f32 v3, v0  }
0x2cc: {  	v3 =	vmul.f32 $5.000000000e-01, v6;
	v1 =	vadd.f32 v4, v1  }
0x2cd: {  	[tilespmem:s26+$0x4090] =	vst v5;
	v0 =	vmul.f32 $5.000000000e-01, v0;
	v2 =	vadd.f32 v7, v2  }
0x2ce: {  	[tilespmem:s26+$0x40A0] =	vst v3;
	v1 =	vmul.f32 $5.000000000e-01, v1;
	v3 =	vadd.f32 v9, v8  }
0x2cf: {  	[tilespmem:s29+$0x40B0] =	vst v0;
	v0 =	vmul.f32 $5.000000000e-01, v2  }
0x2d0: {  	[tilespmem:s29+$0x4080] =	vst v1;
	v1 =	vmul.f32 $5.000000000e-01, v3  }
0x2d1: {  	[tilespmem:s29+$0x4090] =	vst v0  }
0x2d2: {  	[tilespmem:s29+$0x40A0] =	vst v1  }
0x2d3: {  	s3 =	sld [smem:$0x7FB];
	_ =	sdelay $0x1  }
0x2d4: {  	s0 =	simm.s32 $0x0  }
0x2d5: {  	[hbm4b:s3+s0] =	stream.linear.scatter [tilespmem:s21], [sflag:$0xE], $0x2000, $0x38;
	[tilespmem:$0x18080] =	vst v63  }
0x2d6: {  	_ =	swait.ge [sflag:s13], $0x2000  }
0x2d7: {  	[sflag:s13] =	ssyncset.done $0x0  }
0x2d8: {  	[sflag:s13] =	ssyncadd.s32 $0xFFFFE000  }
0x2d9: {  	s5 =	sand.u32 $0x1C00, s0;
	s4 =	sand.u32 $0x380, s0;
	_ =	swait.ge [sflag:s14], $0x2000  }
0x2da: {  	s0 =	sand.u32 $0x40, s0;
	s3 =	sor.u32 s4, s5;
	[sflag:s14] =	ssyncset.done $0x0  }
0x2db: {  	s26 =	sor.u32 s0, s3;
	[sflag:s14] =	ssyncadd.s32 $0xFFFFE000  }
0x2dc: {  	v0 =	vld [tilespmem:s26+$0x80B0]  }
0x2dd: {  	v1 =	vld [tilespmem:s26+$0xA0B0]  }
0x2de: {  	v2 =	vld [tilespmem:s26+$0x8080]  }
0x2df: {  	v3 =	vld [tilespmem:s26+$0xA080]  }
0x2e0: {  	s6 =	simm.s32 $0x200;
	s28 =	simm.s32 $0x8;
	v4 =	vld [tilespmem:s26+$0x8090]  }
0x2e1: {  	s30 =	sand.u32 $0x380, s28;
	s0 =	sand.u32 $0x1C00, s6;
	s3 =	simm.s32 $0x40;
	v5 =	vld [tilespmem:s26+$0xA090]  }
0x2e2: {  	s5 =	sand.u32 $0x40, s3;
	s0 =	sor.u32 s30, s0;
	v6 =	vld [tilespmem:s26+$0x80A0]  }
0x2e3: {  	s29 =	sor.u32 s5, s0;
	v7 =	vld [tilespmem:s26+$0xA0A0];
	v1 =	vadd.f32 v1, v0  }
0x2e4: {  	v0 =	vld [tilespmem:s29+$0x80B0];
	v2 =	vadd.f32 v3, v2  }
0x2e5: {  	v3 =	vld [tilespmem:s29+$0xA0B0];
	v8 =	vmul.f32 $5.000000000e-01, v1  }
0x2e6: {  	v5 =	vadd.f32 v5, v4;
	v4 =	vld [tilespmem:s29+$0xA080];
	v63 =	vmul.f32 $5.000000000e-01, v2  }
0x2e7: {  	v1 =	vld [tilespmem:s29+$0x8080];
	[tilespmem:s26+$0x80B0] =	vst v8  }
0x2e8: {  	s4 =	simm.s32 $0x4;
	s6 =	simm.s32 $0x10;
	s5 =	simm.s32 $0x400;
	v6 =	vadd.f32 v7, v6;
	v2 =	vld [tilespmem:s29+$0x8090];
	v5 =	vmul.f32 $5.000000000e-01, v5;
	[tilespmem:s26+$0x8080] =	vst v63  }
.LBB2_30:
0x2e9: {  	s0 =	sand.u32 $0x1C00, s5;
	s28 =	sand.u32 $0x380, s6;
	v7 =	vld [tilespmem:s29+$0xA090];
	s3 =	sadd.s32 $0x40, s3  }
0x2ea: {  	s4 =	sadd.s32 $0x4, s4;
	s30 =	sand.u32 $0x40, s3;
	s0 =	sor.u32 s28, s0;
	v8 =	vld [tilespmem:s29+$0x80A0];
	v3 =	vadd.f32 v3, v0;
	[tilespmem:s26+$0x8090] =	vst v5;
	v5 =	vmul.f32 $5.000000000e-01, v6  }
0x2eb: {  	p0 =	slt.u32 s4, $0x1FC;
	s0 =	sor.u32 s30, s0;
	v6 =	vld [tilespmem:s29+$0xA0A0]  }
.Ltmp14:
0x2ec: {  	v0 =	vld [tilespmem:s0+$0x80B0];
	v4 =	vadd.f32 v4, v1;
	v9 =	vmul.f32 $5.000000000e-01, v3;
	[tilespmem:s26+$0x80A0] =	vst v5;
	s26 =	smov.u32 s29;
	s29 =	smov.u32 s0;
	(pc) =	sbr.rel @p0 .LBB2_30-.Ltmp14, $4  }
0x2ed: {  	v3 =	vld [tilespmem:s29+$0xA0B0]  }
0x2ee: {  	v1 =	vld [tilespmem:s29+$0x8080];
	v5 =	vmul.f32 $5.000000000e-01, v4;
	v7 =	vadd.f32 v7, v2;
	[tilespmem:s26+$0x80B0] =	vst v9  }
0x2ef: {  	v4 =	vld [tilespmem:s29+$0xA080]  }
0x2f0: {  	s5 =	sadd.s32 $0x200, s5;
	s6 =	sadd.s32 $0x8, s6;
	v2 =	vld [tilespmem:s29+$0x8090];
	[tilespmem:s26+$0x8080] =	vst v5;
	v5 =	vmul.f32 $5.000000000e-01, v7;
	v6 =	vadd.f32 v6, v8  }
0x2f1: {  	v7 =	vld [tilespmem:s29+$0xA090]  }
0x2f2: {  	v8 =	vld [tilespmem:s29+$0x80A0]  }
0x2f3: {  	v9 =	vld [tilespmem:s29+$0xA0A0];
	_ =	sdelay $0x1  }
0x2f4: {  	v0 =	vadd.f32 v3, v0  }
0x2f5: {  	v3 =	vmul.f32 $5.000000000e-01, v6;
	v1 =	vadd.f32 v4, v1  }
0x2f6: {  	[tilespmem:s26+$0x8090] =	vst v5;
	v0 =	vmul.f32 $5.000000000e-01, v0;
	v2 =	vadd.f32 v7, v2  }
0x2f7: {  	[tilespmem:s26+$0x80A0] =	vst v3;
	v1 =	vmul.f32 $5.000000000e-01, v1;
	v3 =	vadd.f32 v9, v8  }
0x2f8: {  	[tilespmem:s29+$0x80B0] =	vst v0;
	v0 =	vmul.f32 $5.000000000e-01, v2  }
0x2f9: {  	[tilespmem:s29+$0x8080] =	vst v1;
	v1 =	vmul.f32 $5.000000000e-01, v3  }
0x2fa: {  	[tilespmem:s29+$0x8090] =	vst v0  }
0x2fb: {  	[tilespmem:s29+$0x80A0] =	vst v1  }
0x2fc: {  	s3 =	sld [smem:$0x7FC];
	_ =	sdelay $0x1  }
0x2fd: {  	s0 =	simm.s32 $0x0  }
0x2fe: {  	[hbm4b:s3+s0] =	stream.linear.scatter [tilespmem:s22], [sflag:$0xF], $0x2000, $0x38;
	[tilespmem:$0x18080] =	vst v63  }
0x2ff: {  	_ =	swait.ge [sflag:s18], $0x2000  }
0x300: {  	[sflag:s18] =	ssyncset.done $0x0  }
0x301: {  	[sflag:s18] =	ssyncadd.s32 $0xFFFFE000  }
0x302: {  	s5 =	sand.u32 $0x1C00, s0;
	s4 =	sand.u32 $0x380, s0;
	_ =	swait.ge [sflag:s19], $0x2000  }
0x303: {  	s0 =	sand.u32 $0x40, s0;
	s3 =	sor.u32 s4, s5;
	[sflag:s19] =	ssyncset.done $0x0  }
0x304: {  	s26 =	sor.u32 s0, s3;
	[sflag:s19] =	ssyncadd.s32 $0xFFFFE000  }
0x305: {  	v0 =	vld [tilespmem:s26+$0xC0B0]  }
0x306: {  	v1 =	vld [tilespmem:s26+$0xE0B0]  }
0x307: {  	v2 =	vld [tilespmem:s26+$0xC080]  }
0x308: {  	v3 =	vld [tilespmem:s26+$0xE080]  }
0x309: {  	s6 =	simm.s32 $0x200;
	s28 =	simm.s32 $0x8;
	v4 =	vld [tilespmem:s26+$0xC090]  }
0x30a: {  	s30 =	sand.u32 $0x380, s28;
	s0 =	sand.u32 $0x1C00, s6;
	s3 =	simm.s32 $0x40;
	v5 =	vld [tilespmem:s26+$0xE090]  }
0x30b: {  	s5 =	sand.u32 $0x40, s3;
	s0 =	sor.u32 s30, s0;
	v6 =	vld [tilespmem:s26+$0xC0A0]  }
0x30c: {  	s29 =	sor.u32 s5, s0;
	v7 =	vld [tilespmem:s26+$0xE0A0];
	v1 =	vadd.f32 v1, v0  }
0x30d: {  	v0 =	vld [tilespmem:s29+$0xC0B0];
	v2 =	vadd.f32 v3, v2  }
0x30e: {  	v3 =	vld [tilespmem:s29+$0xE0B0];
	v8 =	vmul.f32 $5.000000000e-01, v1  }
0x30f: {  	v5 =	vadd.f32 v5, v4;
	v4 =	vld [tilespmem:s29+$0xE080];
	v63 =	vmul.f32 $5.000000000e-01, v2  }
0x310: {  	v1 =	vld [tilespmem:s29+$0xC080];
	[tilespmem:s26+$0xC0B0] =	vst v8  }
0x311: {  	s4 =	simm.s32 $0x4;
	s6 =	simm.s32 $0x10;
	s5 =	simm.s32 $0x400;
	v6 =	vadd.f32 v7, v6;
	v2 =	vld [tilespmem:s29+$0xC090];
	v5 =	vmul.f32 $5.000000000e-01, v5;
	[tilespmem:s26+$0xC080] =	vst v63  }
.LBB2_32:
0x312: {  	s0 =	sand.u32 $0x1C00, s5;
	s28 =	sand.u32 $0x380, s6;
	v7 =	vld [tilespmem:s29+$0xE090];
	s3 =	sadd.s32 $0x40, s3  }
0x313: {  	s4 =	sadd.s32 $0x4, s4;
	s30 =	sand.u32 $0x40, s3;
	s0 =	sor.u32 s28, s0;
	v8 =	vld [tilespmem:s29+$0xC0A0];
	v3 =	vadd.f32 v3, v0;
	[tilespmem:s26+$0xC090] =	vst v5;
	v5 =	vmul.f32 $5.000000000e-01, v6  }
0x314: {  	p0 =	slt.u32 s4, $0x1FC;
	s0 =	sor.u32 s30, s0;
	v6 =	vld [tilespmem:s29+$0xE0A0]  }
.Ltmp15:
0x315: {  	v0 =	vld [tilespmem:s0+$0xC0B0];
	v4 =	vadd.f32 v4, v1;
	v9 =	vmul.f32 $5.000000000e-01, v3;
	[tilespmem:s26+$0xC0A0] =	vst v5;
	s26 =	smov.u32 s29;
	s29 =	smov.u32 s0;
	(pc) =	sbr.rel @p0 .LBB2_32-.Ltmp15, $4  }
0x316: {  	v3 =	vld [tilespmem:s29+$0xE0B0]  }
0x317: {  	v1 =	vld [tilespmem:s29+$0xC080];
	v5 =	vmul.f32 $5.000000000e-01, v4;
	v7 =	vadd.f32 v7, v2;
	[tilespmem:s26+$0xC0B0] =	vst v9  }
0x318: {  	v4 =	vld [tilespmem:s29+$0xE080]  }
0x319: {  	s5 =	sadd.s32 $0x200, s5;
	s6 =	sadd.s32 $0x8, s6;
	v2 =	vld [tilespmem:s29+$0xC090];
	[tilespmem:s26+$0xC080] =	vst v5;
	v5 =	vmul.f32 $5.000000000e-01, v7;
	v6 =	vadd.f32 v6, v8  }
0x31a: {  	v7 =	vld [tilespmem:s29+$0xE090]  }
0x31b: {  	v8 =	vld [tilespmem:s29+$0xC0A0]  }
0x31c: {  	v9 =	vld [tilespmem:s29+$0xE0A0];
	_ =	sdelay $0x1  }
0x31d: {  	v0 =	vadd.f32 v3, v0  }
0x31e: {  	v60 =	vmul.f32 $5.000000000e-01, v6;
	v1 =	vadd.f32 v4, v1  }
0x31f: {  	[tilespmem:s26+$0xC090] =	vst v5;
	v0 =	vmul.f32 $5.000000000e-01, v0;
	v2 =	vadd.f32 v7, v2  }
0x320: {  	[tilespmem:s26+$0xC0A0] =	vst v60;
	v1 =	vmul.f32 $5.000000000e-01, v1;
	v61 =	vadd.f32 v9, v8  }
0x321: {  	[tilespmem:s29+$0xC0B0] =	vst v0;
	v62 =	vmul.f32 $5.000000000e-01, v2  }
0x322: {  	[tilespmem:s29+$0xC080] =	vst v1;
	v63 =	vmul.f32 $5.000000000e-01, v61  }
0x323: {  	[tilespmem:s29+$0xC090] =	vst v62  }
0x324: {  	[tilespmem:s29+$0xC0A0] =	vst v63  }
0x325: {  	s0 =	sld [smem:$0x7FD];
	_ =	sdelay $0x1  }
0x326: {  	s29 =	simm.s32 $0x11  }
0x327: {  	[hbm4b:s0+s2] =	stream.linear.scatter [tilespmem:s31], [sflag:$0x10], $0x2000, $0x38;
	[tilespmem:$0x18080] =	vst v63  }
0x328: {  	_ =	swait.ge [sflag:s29], $0x2000  }
0x329: {  	[sflag:s29] =	ssyncset.done $0x0  }
0x32a: {  	[sflag:s29] =	ssyncadd.s32 $0xFFFFE000  }
0x32b: {  	_ =	swait.ge [sflag:s16], $0x2000  }
0x32c: {  	[sflag:s16] =	ssyncset.done $0x0  }
0x32d: {  	[sflag:s16] =	ssyncadd.s32 $0xFFFFE000  }
0x32e: {  	_ =	swait.ge [sflag:s9], $0x2000  }
0x32f: {  	[sflag:s9] =	ssyncset.done $0x0  }
0x330: {  	[sflag:s9] =	ssyncadd.s32 $0xFFFFE000  }
0x331: {  	_ =	swait.ge [sflag:s12], $0x2000  }
0x332: {  	[sflag:s12] =	ssyncset.done $0x0  }
0x333: {  	[sflag:s12] =	ssyncadd.s32 $0xFFFFE000  }
0x334: {  	_ =	swait.ge [sflag:s15], $0x2000  }
0x335: {  	[sflag:s15] =	ssyncset.done $0x0  }
0x336: {  	[sflag:s15] =	ssyncadd.s32 $0xFFFFE000  }
0x337: {  	_ =	swait.ge [sflag:s20], $0x2000  }
0x338: {  	s17 =	sadd.s32 $0x1, s17;
	s30 =	rddreg [dreg:$0x19]  }
0x339: {  	p0 =	sne.s32 s17, s30  }
.Ltmp16:
0x33a: {  	_ = 	snop;
	(pc) =	sbr.rel @p0 .LBB2_1-.Ltmp16, $3  }
0x33b: {  	_ =	sdelay $0x1  }
0x33c: {  	[sflag:s20] =	ssyncset.done $0x0  }
0x33d: {  	[sflag:s20] =	ssyncadd.s32 $0xFFFFE000  }
0x33e: {  	_ =	sfence.sel $0x180000  }
0x33f: {  	[bflag:$0x0] =	sbarrier.arrive $0xFFFF  }
0x340: {  	_ =	strace $0x90000047  }
0x341: {  	s0 =	stileid.u32;
	[bflag:$0x2] =	sbarrier.arrive $0xFFFF  }
0x342: {  	p0 =	sne.s32 s0, $0x0;
	s0 =	rddreg [dreg:$0x3]  }
0x343: {  	s0 =	sadd.s32 @!p0 $0x100000, s0  }
0x344: {  	[sflag:s0] =	ssyncadd.tile.s32 @!p0 $0x1;
	_ =	shalt  }
.Lfunc_end2:
_tile_overlayer_lowered:
.L_overlay_start_2:
0x345: {  	(tag) =	ssettag $0x2  }
0x346: {  	s0 =	rddreg [dreg:$0x0];
	s2 =	stileid.u32  }
0x347: {  	s1 =	rddreg [dreg:$0x1];
	p0 =	sne.s32 s2, $0x0  }
0x348: {  	s3 =	rddreg [dreg:$0x2];
	[bflag:$0x3] =	sbarrier.arrive $0xFFFF;
	s2 =	simm.s32 @!p0 $0x1C13  }
0x349: {  	[timem:s3], [sflag:s2] =	dma.local @!p0 [hbm:s0], s1  }
0x34a: {  	s0 =	simm.s32 @!p0 $0x13  }
0x34b: {  	_ =	swait.ge @!p0 [sflag:s0], s1  }
0x34c: {  	s1 =	ssub.s32 @!p0 $0x0, s1;
	[sflag:s0] =	ssyncset.done @!p0 $0x0  }
0x34d: {  	[sflag:s0] =	ssyncadd.s32 @!p0 s1  }
0x34e: {  	[bflag:$0x3] =	sbarrier.arrive $0xFFFF  }
0x34f: {  	_ =	shalt  }

</sc_bundles>
